<compile_context>
chip_gen: v7x
topology: tpu7x:2x2x1
jax: 0.10.2.dev20260603
libtpu: 0.0.44.dev20260713+nightly
codegen_flags: <defaults>
</compile_context>

<pallas_src>
import functools

import jax
import jax.numpy as jnp
from jax import lax
from jax.experimental import pallas as pl
from jax.experimental.pallas import tpu as pltpu
from jax.experimental.pallas import tpu_sc as plsc

VOCAB = 100000
WIDTH = 128
CONTEXT = 200
BATCH = 4096

ROWS = CONTEXT * BATCH
NUM_WORKERS = 32
ROWS_PER_W = ROWS // NUM_WORKERS
GROWS = 128
CHUNK = 256
GPC = CHUNK // GROWS
NCHUNK = ROWS_PER_W // CHUNK
NIDX = ROWS_PER_W // GROWS
VREGS_PER_ROW = WIDTH // 16


def _build_kernel():
    mesh = plsc.VectorSubcoreMesh(core_axis_name="c", subcore_axis_name="s")

    @functools.partial(
        pl.kernel,
        mesh=mesh,
        out_type=jax.ShapeDtypeStruct((ROWS, WIDTH), jnp.float32),
        scratch_types=[
            pltpu.VMEM((NIDX, GROWS), jnp.int32),
            pltpu.VMEM((CONTEXT, WIDTH), jnp.float32),
            pltpu.VMEM((CHUNK, WIDTH), jnp.float32),
            pltpu.VMEM((CHUNK, WIDTH), jnp.float32),
            pltpu.SemaphoreType.DMA,
            pltpu.SemaphoreType.DMA,
            pltpu.SemaphoreType.DMA,
            pltpu.SemaphoreType.DMA,
            pltpu.SemaphoreType.DMA,
            pltpu.SemaphoreType.DMA,
        ],
    )
    def body(idx_hbm, table_hbm, pos_hbm, out_hbm, idx_v, pos_v,
             buf0, buf1, gsem00, gsem01, gsem10, gsem11, ssem0, ssem1):
        buf = (buf0, buf1)
        gsem = ((gsem00, gsem01), (gsem10, gsem11))
        ssem = (ssem0, ssem1)

        wid = lax.axis_index("s") * 2 + lax.axis_index("c")
        base_row = wid * ROWS_PER_W
        pltpu.sync_copy(idx_hbm.at[pl.ds(wid * NIDX, NIDX)], idx_v)
        pltpu.sync_copy(pos_hbm, pos_v)

        def fire_gather(g, b, h):
            return pltpu.async_copy(
                table_hbm.at[idx_v.at[g * GPC + h]],
                buf[b].at[pl.ds(h * GROWS, GROWS)], gsem[b][h])

        def add_half(g, b, h):
            l = (base_row + g * CHUNK) // BATCH
            pks = [pos_v[l, pl.ds(16 * k, 16)] for k in range(VREGS_PER_ROW)]
            bb = buf[b]

            def add_row(j, c):
                for k in range(VREGS_PER_ROW):
                    plsc.addupdate(bb.at[j, pl.ds(16 * k, 16)], pks[k])
                return c

            lax.fori_loop(h * GROWS, (h + 1) * GROWS, add_row, 0, unroll=4)

        def fire_store(g, b):
            row0 = base_row + g * CHUNK
            pltpu.async_copy(buf[b], out_hbm.at[pl.ds(row0, CHUNK)], ssem[b])

        def wait_store(g, b):
            row0 = base_row + g * CHUNK
            pltpu.make_async_copy(buf[b], out_hbm.at[pl.ds(row0, CHUNK)],
                                  ssem[b]).wait()

        def chunk_pair(g0, first):
            g1 = g0 + 1
            if not first:
                wait_store(g0 - 2, 0)
            hA0 = fire_gather(g0, 0, 0)
            hA1 = fire_gather(g0, 0, 1)
            hA0.wait()
            add_half(g0, 0, 0)
            if not first:
                wait_store(g1 - 2, 1)
            hB0 = fire_gather(g1, 1, 0)
            hA1.wait()
            add_half(g0, 0, 1)
            fire_store(g0, 0)
            hB1 = fire_gather(g1, 1, 1)
            hB0.wait()
            add_half(g1, 1, 0)
            hB1.wait()
            add_half(g1, 1, 1)
            fire_store(g1, 1)

        chunk_pair(0, True)

        def outer(go, carry):
            chunk_pair(go * 2, False)
            return carry

        lax.fori_loop(1, NCHUNK // 2, outer, 0)

        for g in (NCHUNK - 2, NCHUNK - 1):
            wait_store(g, g % 2)

    return body


_sc_kernel = _build_kernel()


def kernel(text, token_embedding, positional_embedding):
    idx = jnp.transpose(text).astype(jnp.int32).reshape(ROWS // GROWS, GROWS)
    out = _sc_kernel(idx, token_embedding, positional_embedding)
    return out.reshape(CONTEXT, BATCH, WIDTH)

# --- scband reference (transcript-rebuilt; emitter-appended) ---
"""Pipeline reference for scband-text-stem-21449066676501 (READ-ONLY COPY).

The authoritative reference and input builder live on the scoring server;
editing this copy changes nothing except your own understanding.
"""

import jax, jax.numpy as jnp
import numpy as np

VOCAB = 100000
WIDTH = 128
CONTEXT = 200
BATCH = 4096


def setup_inputs(seed: int = 0) -> dict:
    key = jax.random.key(seed)
    k1, k2, k3 = jax.random.split(key, 3)
    text = jax.random.randint(k1, (BATCH, CONTEXT), 0, VOCAB, dtype=jnp.int64 if jax.config.jax_enable_x64 else jnp.int32)
    token_embedding = jax.random.normal(k2, (VOCAB, WIDTH), dtype=jnp.float32) * 0.02
    positional_embedding = jax.random.normal(k3, (CONTEXT, WIDTH), dtype=jnp.float32) * 0.01
    return {"text": text, "token_embedding": token_embedding, "positional_embedding": positional_embedding}


def reference(text, token_embedding, positional_embedding):
    # x = token_embedding(text)
    x = jnp.take(token_embedding, text, axis=0)  # [B, L, W]
    # x = x + positional_embedding[None, :, :]
    x = x + positional_embedding.astype(x.dtype)[None, :, :]
    # return x.permute(1, 0, 2)
    return jnp.transpose(x, (1, 0, 2))  # [L, B, W]

if __name__ == "__main__":
    import jax
    _d = setup_inputs()
    print(jax.jit(kernel)(*tuple(_d.values())))

</pallas_src>

<mosaic_0001>
#map = affine_map<(d0, d1) -> (0, 0)>
module attributes {stable_mosaic.version = 14 : i64} {
  func.func @body(%arg0: i32, %arg1: i32, %arg2: memref<6400x128xi32, #tpu.memory_space<hbm>>, %arg3: memref<100000x128xf32, #tpu.memory_space<hbm>>, %arg4: memref<200x128xf32, #tpu.memory_space<hbm>>, %arg5: memref<819200x128xf32, #tpu.memory_space<hbm>>, %arg6: memref<200x128xi32, #tpu.memory_space<vmem>>, %arg7: memref<200x128xf32, #tpu.memory_space<vmem>>, %arg8: memref<256x128xf32, #tpu.memory_space<vmem>>, %arg9: memref<256x128xf32, #tpu.memory_space<vmem>>, %arg10: memref<!tpu.dma_semaphore, #tpu.memory_space<semaphore_mem>>, %arg11: memref<!tpu.dma_semaphore, #tpu.memory_space<semaphore_mem>>, %arg12: memref<!tpu.dma_semaphore, #tpu.memory_space<semaphore_mem>>, %arg13: memref<!tpu.dma_semaphore, #tpu.memory_space<semaphore_mem>>, %arg14: memref<!tpu.dma_semaphore, #tpu.memory_space<semaphore_mem>>, %arg15: memref<!tpu.dma_semaphore, #tpu.memory_space<semaphore_mem>>) attributes {dimension_semantics = [#tpu.dimension_semantics<core_parallel>, #tpu.dimension_semantics<subcore_parallel>], iteration_bounds = array<i64: 2, 16>, scalar_prefetch = 0 : i64, scratch_operands = 10 : i64, tpu.core_type = #tpu.core_type<sc_vector_subcore>, window_params = [{transform_indices = #map}, {transform_indices = #map}, {transform_indices = #map}, {transform_indices = #map}]} {
    %mul3A = arith.constant 2 : i32
    %mul3A_0 = arith.muli %arg1, %mul3A : i32
    %add3A = arith.addi %mul3A_0, %arg0 : i32
    %mul3A_1 = arith.constant 25600 : i32
    %mul3A_2 = arith.muli %add3A, %mul3A_1 : i32
    %mul3A_3 = arith.constant 200 : i32
    %mul3A_4 = arith.muli %add3A, %mul3A_3 : i32
    "tpu.region"() ({
      %run_scoped3A = tpu.sem_alloc : memref<!tpu.dma_semaphore, #tpu.memory_space<semaphore_mem>>
      %dma_start3A_359 = arith.constant 0 : i32
      %dma_start3A_360 = tpu.memref_slice %arg2[%mul3A_4, %dma_start3A_359] : memref<6400x128xi32, #tpu.memory_space<hbm>> -> memref<200x128xi32, #tpu.memory_space<hbm>>
      %dma_start3A_361 = arith.constant 0 : i32
      %dma_start3A_362 = tpu.memref_slice %arg2[%mul3A_4, %dma_start3A_361] : memref<6400x128xi32, #tpu.memory_space<hbm>> -> memref<200x128xi32, #tpu.memory_space<hbm>>
      tpu.enqueue_dma source(%dma_start3A_362 : memref<200x128xi32, #tpu.memory_space<hbm>>) target(%arg6 : memref<200x128xi32, #tpu.memory_space<vmem>>) target_semaphore(%run_scoped3A : memref<!tpu.dma_semaphore, #tpu.memory_space<semaphore_mem>>)
      %dma_wait3A_363 = arith.constant 0 : i32
      %dma_wait3A_364 = tpu.memref_slice %arg2[%mul3A_4, %dma_wait3A_363] : memref<6400x128xi32, #tpu.memory_space<hbm>> -> memref<200x128xi32, #tpu.memory_space<hbm>>
      %dma_wait3A_365 = arith.constant 0 : i32
      %dma_wait3A_366 = tpu.memref_slice %arg2[%mul3A_4, %dma_wait3A_365] : memref<6400x128xi32, #tpu.memory_space<hbm>> -> memref<200x128xi32, #tpu.memory_space<hbm>>
      tpu.wait_dma2 semaphore(%run_scoped3A : memref<!tpu.dma_semaphore, #tpu.memory_space<semaphore_mem>>) src(%dma_wait3A_366 : memref<200x128xi32, #tpu.memory_space<hbm>>) dst(%arg6 : memref<200x128xi32, #tpu.memory_space<vmem>>)
      tpu.yield
    }) : () -> ()
    "tpu.region"() ({
      %run_scoped3A = tpu.sem_alloc : memref<!tpu.dma_semaphore, #tpu.memory_space<semaphore_mem>>
      tpu.enqueue_dma source(%arg4 : memref<200x128xf32, #tpu.memory_space<hbm>>) target(%arg7 : memref<200x128xf32, #tpu.memory_space<vmem>>) target_semaphore(%run_scoped3A : memref<!tpu.dma_semaphore, #tpu.memory_space<semaphore_mem>>)
      tpu.wait_dma2 semaphore(%run_scoped3A : memref<!tpu.dma_semaphore, #tpu.memory_space<semaphore_mem>>) src(%arg4 : memref<200x128xf32, #tpu.memory_space<hbm>>) dst(%arg7 : memref<200x128xf32, #tpu.memory_space<vmem>>)
      tpu.yield
    }) : () -> ()
    %dma_start3A = arith.constant 0 : i32
    %dma_start3A_5 = arith.constant 0 : i32
    %dma_start3A_6 = arith.constant 0 : i32
    %dma_start3A_7 = tpu.memref_slice %arg8[%dma_start3A_5, %dma_start3A_6] : memref<256x128xf32, #tpu.memory_space<vmem>> -> memref<128x128xf32, #tpu.memory_space<vmem>>
    %dma_start3A_8 = arith.constant 0 : i32
    %dma_start3A_9 = tpu.memref_slice %arg6[%dma_start3A, %dma_start3A_8] : memref<200x128xi32, #tpu.memory_space<vmem>> -> memref<1x128xi32, #tpu.memory_space<vmem>>
    %dma_start3A_10 = tpu.memref_squeeze %dma_start3A_9 : memref<1x128xi32, #tpu.memory_space<vmem>> -> memref<128xi32, #tpu.memory_space<vmem>>
    %dma_start3A_11 = arith.constant 0 : i32
    %dma_start3A_12 = arith.constant 0 : i32
    %dma_start3A_13 = tpu.memref_slice %arg3[%dma_start3A_11, %dma_start3A_12] : memref<100000x128xf32, #tpu.memory_space<hbm>> -> memref<100000x128xf32, #tpu.memory_space<hbm>>
    tpu.enqueue_indirect_dma source(%dma_start3A_13 : memref<100000x128xf32, #tpu.memory_space<hbm>>) target(%dma_start3A_7 : memref<128x128xf32, #tpu.memory_space<vmem>>) offsets(%dma_start3A_10 : memref<128xi32, #tpu.memory_space<vmem>>) semaphore(%arg10 : memref<!tpu.dma_semaphore, #tpu.memory_space<semaphore_mem>>)
    %dma_start3A_14 = arith.constant 1 : i32
    %dma_start3A_15 = arith.constant 128 : i32
    %dma_start3A_16 = arith.constant 0 : i32
    %dma_start3A_17 = tpu.memref_slice %arg8[%dma_start3A_15, %dma_start3A_16] : memref<256x128xf32, #tpu.memory_space<vmem>> -> memref<128x128xf32, #tpu.memory_space<vmem>>
    %dma_start3A_18 = arith.constant 0 : i32
    %dma_start3A_19 = tpu.memref_slice %arg6[%dma_start3A_14, %dma_start3A_18] : memref<200x128xi32, #tpu.memory_space<vmem>> -> memref<1x128xi32, #tpu.memory_space<vmem>>
    %dma_start3A_20 = tpu.memref_squeeze %dma_start3A_19 : memref<1x128xi32, #tpu.memory_space<vmem>> -> memref<128xi32, #tpu.memory_space<vmem>>
    %dma_start3A_21 = arith.constant 0 : i32
    %dma_start3A_22 = arith.constant 0 : i32
    %dma_start3A_23 = tpu.memref_slice %arg3[%dma_start3A_21, %dma_start3A_22] : memref<100000x128xf32, #tpu.memory_space<hbm>> -> memref<100000x128xf32, #tpu.memory_space<hbm>>
    tpu.enqueue_indirect_dma source(%dma_start3A_23 : memref<100000x128xf32, #tpu.memory_space<hbm>>) target(%dma_start3A_17 : memref<128x128xf32, #tpu.memory_space<vmem>>) offsets(%dma_start3A_20 : memref<128xi32, #tpu.memory_space<vmem>>) semaphore(%arg11 : memref<!tpu.dma_semaphore, #tpu.memory_space<semaphore_mem>>)
    %dma_wait3A = arith.constant 0 : i32
    %dma_wait3A_24 = arith.constant 0 : i32
    %dma_wait3A_25 = arith.constant 0 : i32
    %dma_wait3A_26 = tpu.memref_slice %arg8[%dma_wait3A_24, %dma_wait3A_25] : memref<256x128xf32, #tpu.memory_space<vmem>> -> memref<128x128xf32, #tpu.memory_space<vmem>>
    %dma_wait3A_27 = arith.constant 0 : i32
    %dma_wait3A_28 = tpu.memref_slice %arg6[%dma_wait3A, %dma_wait3A_27] : memref<200x128xi32, #tpu.memory_space<vmem>> -> memref<1x128xi32, #tpu.memory_space<vmem>>
    %dma_wait3A_29 = tpu.memref_squeeze %dma_wait3A_28 : memref<1x128xi32, #tpu.memory_space<vmem>> -> memref<128xi32, #tpu.memory_space<vmem>>
    %dma_wait3A_30 = arith.constant 0 : i32
    %dma_wait3A_31 = arith.constant 0 : i32
    %dma_wait3A_32 = tpu.memref_slice %arg3[%dma_wait3A_30, %dma_wait3A_31] : memref<100000x128xf32, #tpu.memory_space<hbm>> -> memref<100000x128xf32, #tpu.memory_space<hbm>>
    tpu.wait_indirect_dma semaphore(%arg10 : memref<!tpu.dma_semaphore, #tpu.memory_space<semaphore_mem>>) src(%dma_wait3A_32 : memref<100000x128xf32, #tpu.memory_space<hbm>>) dst(%dma_wait3A_26 : memref<128x128xf32, #tpu.memory_space<vmem>>)
    %add3A_33 = arith.constant 0 : i32
    %add3A_34 = arith.addi %mul3A_2, %add3A_33 : i32
    %jit3A = arith.constant 4096 : i32
    %div3A = arith.divsi %add3A_34, %jit3A : i32
    %sign3A = arith.constant 0 : i32
    %sign3A_35 = arith.cmpi sgt, %add3A_34, %sign3A : i32
    %sign3A_36 = arith.extui %sign3A_35 : i1 to i32
    %sign3A_37 = arith.constant 0 : i32
    %sign3A_38 = arith.cmpi slt, %add3A_34, %sign3A_37 : i32
    %sign3A_39 = arith.extui %sign3A_38 : i1 to i32
    %sign3A_40 = arith.subi %sign3A_36, %sign3A_39 : i32
    %sign3A_41 = arith.constant 0 : i32
    %sign3A_42 = arith.cmpi sgt, %jit3A, %sign3A_41 : i32
    %sign3A_43 = arith.extui %sign3A_42 : i1 to i32
    %sign3A_44 = arith.constant 0 : i32
    %sign3A_45 = arith.cmpi slt, %jit3A, %sign3A_44 : i32
    %sign3A_46 = arith.extui %sign3A_45 : i1 to i32
    %sign3A_47 = arith.subi %sign3A_43, %sign3A_46 : i32
    %ne3A = arith.cmpi ne, %sign3A_40, %sign3A_47 : i32
    %rem3A = arith.remsi %add3A_34, %jit3A : i32
    %ne3A_48 = arith.constant 0 : i32
    %ne3A_49 = arith.cmpi ne, %rem3A, %ne3A_48 : i32
    %and3A = arith.andi %ne3A, %ne3A_49 : i1
    %sub3A = arith.constant 1 : i32
    %sub3A_50 = arith.subi %div3A, %sub3A : i32
    %select_n3A = arith.select %and3A, %sub3A_50, %div3A : i32
    %get3A = arith.index_cast %select_n3A : i32 to index
    %get3A_51 = arith.constant 0 : index
    %get3A_52 = tpu.vector_load %arg7[%get3A, %get3A_51] {strides = array<i32>} : memref<200x128xf32, #tpu.memory_space<vmem>>, vector<1x16xf32>,
    %get3A_53 = vector.shape_cast %get3A_52 : vector<1x16xf32> to vector<16xf32>
    %get3A_54 = arith.index_cast %select_n3A : i32 to index
    %get3A_55 = arith.constant 16 : index
    %get3A_56 = tpu.vector_load %arg7[%get3A_54, %get3A_55] {strides = array<i32>} : memref<200x128xf32, #tpu.memory_space<vmem>>, vector<1x16xf32>,
    %get3A_57 = vector.shape_cast %get3A_56 : vector<1x16xf32> to vector<16xf32>
    %get3A_58 = arith.index_cast %select_n3A : i32 to index
    %get3A_59 = arith.constant 32 : index
    %get3A_60 = tpu.vector_load %arg7[%get3A_58, %get3A_59] {strides = array<i32>} : memref<200x128xf32, #tpu.memory_space<vmem>>, vector<1x16xf32>,
    %get3A_61 = vector.shape_cast %get3A_60 : vector<1x16xf32> to vector<16xf32>
    %get3A_62 = arith.index_cast %select_n3A : i32 to index
    %get3A_63 = arith.constant 48 : index
    %get3A_64 = tpu.vector_load %arg7[%get3A_62, %get3A_63] {strides = array<i32>} : memref<200x128xf32, #tpu.memory_space<vmem>>, vector<1x16xf32>,
    %get3A_65 = vector.shape_cast %get3A_64 : vector<1x16xf32> to vector<16xf32>
    %get3A_66 = arith.index_cast %select_n3A : i32 to index
    %get3A_67 = arith.constant 64 : index
    %get3A_68 = tpu.vector_load %arg7[%get3A_66, %get3A_67] {strides = array<i32>} : memref<200x128xf32, #tpu.memory_space<vmem>>, vector<1x16xf32>,
    %get3A_69 = vector.shape_cast %get3A_68 : vector<1x16xf32> to vector<16xf32>
    %get3A_70 = arith.index_cast %select_n3A : i32 to index
    %get3A_71 = arith.constant 80 : index
    %get3A_72 = tpu.vector_load %arg7[%get3A_70, %get3A_71] {strides = array<i32>} : memref<200x128xf32, #tpu.memory_space<vmem>>, vector<1x16xf32>,
    %get3A_73 = vector.shape_cast %get3A_72 : vector<1x16xf32> to vector<16xf32>
    %get3A_74 = arith.index_cast %select_n3A : i32 to index
    %get3A_75 = arith.constant 96 : index
    %get3A_76 = tpu.vector_load %arg7[%get3A_74, %get3A_75] {strides = array<i32>} : memref<200x128xf32, #tpu.memory_space<vmem>>, vector<1x16xf32>,
    %get3A_77 = vector.shape_cast %get3A_76 : vector<1x16xf32> to vector<16xf32>
    %get3A_78 = arith.index_cast %select_n3A : i32 to index
    %get3A_79 = arith.constant 112 : index
    %get3A_80 = tpu.vector_load %arg7[%get3A_78, %get3A_79] {strides = array<i32>} : memref<200x128xf32, #tpu.memory_space<vmem>>, vector<1x16xf32>,
    %get3A_81 = vector.shape_cast %get3A_80 : vector<1x16xf32> to vector<16xf32>
    %scan3A = arith.constant 0 : i32
    %scan3A_82 = arith.constant 0 : i32
    %scan3A_83 = arith.constant 128 : i32
    %scan3A_84 = arith.addi %scan3A_82, %scan3A_83 : i32
    %scan3A_85 = arith.constant 4 : i32
    scf.for %scan3A_359 = %scan3A_82 to %scan3A_84 step %scan3A_85  : i32 {
      %swap3A = arith.index_cast %scan3A_359 : i32 to index
      %swap3A_360 = arith.constant 0 : index
      %swap3A_361 = tpu.vector_load %arg8[%swap3A, %swap3A_360] {strides = array<i32>} : memref<256x128xf32, #tpu.memory_space<vmem>>, vector<1x16xf32>,
      %swap3A_362 = vector.shape_cast %swap3A_361 : vector<1x16xf32> to vector<16xf32>
      %swap3A_363 = vector.shape_cast %get3A_53 : vector<16xf32> to vector<1x16xf32>
      tpu.vector_store %arg8[%swap3A, %swap3A_360], %swap3A_363 {add = true, strides = array<i32>} : memref<256x128xf32, #tpu.memory_space<vmem>>, vector<1x16xf32>,
      %swap3A_364 = arith.index_cast %scan3A_359 : i32 to index
      %swap3A_365 = arith.constant 16 : index
      %swap3A_366 = tpu.vector_load %arg8[%swap3A_364, %swap3A_365] {strides = array<i32>} : memref<256x128xf32, #tpu.memory_space<vmem>>, vector<1x16xf32>,
      %swap3A_367 = vector.shape_cast %swap3A_366 : vector<1x16xf32> to vector<16xf32>
      %swap3A_368 = vector.shape_cast %get3A_57 : vector<16xf32> to vector<1x16xf32>
      tpu.vector_store %arg8[%swap3A_364, %swap3A_365], %swap3A_368 {add = true, strides = array<i32>} : memref<256x128xf32, #tpu.memory_space<vmem>>, vector<1x16xf32>,
      %swap3A_369 = arith.index_cast %scan3A_359 : i32 to index
      %swap3A_370 = arith.constant 32 : index
      %swap3A_371 = tpu.vector_load %arg8[%swap3A_369, %swap3A_370] {strides = array<i32>} : memref<256x128xf32, #tpu.memory_space<vmem>>, vector<1x16xf32>,
      %swap3A_372 = vector.shape_cast %swap3A_371 : vector<1x16xf32> to vector<16xf32>
      %swap3A_373 = vector.shape_cast %get3A_61 : vector<16xf32> to vector<1x16xf32>
      tpu.vector_store %arg8[%swap3A_369, %swap3A_370], %swap3A_373 {add = true, strides = array<i32>} : memref<256x128xf32, #tpu.memory_space<vmem>>, vector<1x16xf32>,
      %swap3A_374 = arith.index_cast %scan3A_359 : i32 to index
      %swap3A_375 = arith.constant 48 : index
      %swap3A_376 = tpu.vector_load %arg8[%swap3A_374, %swap3A_375] {strides = array<i32>} : memref<256x128xf32, #tpu.memory_space<vmem>>, vector<1x16xf32>,
      %swap3A_377 = vector.shape_cast %swap3A_376 : vector<1x16xf32> to vector<16xf32>
      %swap3A_378 = vector.shape_cast %get3A_65 : vector<16xf32> to vector<1x16xf32>
      tpu.vector_store %arg8[%swap3A_374, %swap3A_375], %swap3A_378 {add = true, strides = array<i32>} : memref<256x128xf32, #tpu.memory_space<vmem>>, vector<1x16xf32>,
      %swap3A_379 = arith.index_cast %scan3A_359 : i32 to index
      %swap3A_380 = arith.constant 64 : index
      %swap3A_381 = tpu.vector_load %arg8[%swap3A_379, %swap3A_380] {strides = array<i32>} : memref<256x128xf32, #tpu.memory_space<vmem>>, vector<1x16xf32>,
      %swap3A_382 = vector.shape_cast %swap3A_381 : vector<1x16xf32> to vector<16xf32>
      %swap3A_383 = vector.shape_cast %get3A_69 : vector<16xf32> to vector<1x16xf32>
      tpu.vector_store %arg8[%swap3A_379, %swap3A_380], %swap3A_383 {add = true, strides = array<i32>} : memref<256x128xf32, #tpu.memory_space<vmem>>, vector<1x16xf32>,
      %swap3A_384 = arith.index_cast %scan3A_359 : i32 to index
      %swap3A_385 = arith.constant 80 : index
      %swap3A_386 = tpu.vector_load %arg8[%swap3A_384, %swap3A_385] {strides = array<i32>} : memref<256x128xf32, #tpu.memory_space<vmem>>, vector<1x16xf32>,
      %swap3A_387 = vector.shape_cast %swap3A_386 : vector<1x16xf32> to vector<16xf32>
      %swap3A_388 = vector.shape_cast %get3A_73 : vector<16xf32> to vector<1x16xf32>
      tpu.vector_store %arg8[%swap3A_384, %swap3A_385], %swap3A_388 {add = true, strides = array<i32>} : memref<256x128xf32, #tpu.memory_space<vmem>>, vector<1x16xf32>,
      %swap3A_389 = arith.index_cast %scan3A_359 : i32 to index
      %swap3A_390 = arith.constant 96 : index
      %swap3A_391 = tpu.vector_load %arg8[%swap3A_389, %swap3A_390] {strides = array<i32>} : memref<256x128xf32, #tpu.memory_space<vmem>>, vector<1x16xf32>,
      %swap3A_392 = vector.shape_cast %swap3A_391 : vector<1x16xf32> to vector<16xf32>
      %swap3A_393 = vector.shape_cast %get3A_77 : vector<16xf32> to vector<1x16xf32>
      tpu.vector_store %arg8[%swap3A_389, %swap3A_390], %swap3A_393 {add = true, strides = array<i32>} : memref<256x128xf32, #tpu.memory_space<vmem>>, vector<1x16xf32>,
      %swap3A_394 = arith.index_cast %scan3A_359 : i32 to index
      %swap3A_395 = arith.constant 112 : index
      %swap3A_396 = tpu.vector_load %arg8[%swap3A_394, %swap3A_395] {strides = array<i32>} : memref<256x128xf32, #tpu.memory_space<vmem>>, vector<1x16xf32>,
      %swap3A_397 = vector.shape_cast %swap3A_396 : vector<1x16xf32> to vector<16xf32>
      %swap3A_398 = vector.shape_cast %get3A_81 : vector<16xf32> to vector<1x16xf32>
      tpu.vector_store %arg8[%swap3A_394, %swap3A_395], %swap3A_398 {add = true, strides = array<i32>} : memref<256x128xf32, #tpu.memory_space<vmem>>, vector<1x16xf32>,
      %scan3A_399 = arith.constant 1 : i32
      %scan3A_400 = arith.addi %scan3A_359, %scan3A_399 : i32
      %swap3A_401 = arith.index_cast %scan3A_400 : i32 to index
      %swap3A_402 = arith.constant 0 : index
      %swap3A_403 = tpu.vector_load %arg8[%swap3A_401, %swap3A_402] {strides = array<i32>} : memref<256x128xf32, #tpu.memory_space<vmem>>, vector<1x16xf32>,
      %swap3A_404 = vector.shape_cast %swap3A_403 : vector<1x16xf32> to vector<16xf32>
      %swap3A_405 = vector.shape_cast %get3A_53 : vector<16xf32> to vector<1x16xf32>
      tpu.vector_store %arg8[%swap3A_401, %swap3A_402], %swap3A_405 {add = true, strides = array<i32>} : memref<256x128xf32, #tpu.memory_space<vmem>>, vector<1x16xf32>,
      %swap3A_406 = arith.index_cast %scan3A_400 : i32 to index
      %swap3A_407 = arith.constant 16 : index
      %swap3A_408 = tpu.vector_load %arg8[%swap3A_406, %swap3A_407] {strides = array<i32>} : memref<256x128xf32, #tpu.memory_space<vmem>>, vector<1x16xf32>,
      %swap3A_409 = vector.shape_cast %swap3A_408 : vector<1x16xf32> to vector<16xf32>
      %swap3A_410 = vector.shape_cast %get3A_57 : vector<16xf32> to vector<1x16xf32>
      tpu.vector_store %arg8[%swap3A_406, %swap3A_407], %swap3A_410 {add = true, strides = array<i32>} : memref<256x128xf32, #tpu.memory_space<vmem>>, vector<1x16xf32>,
      %swap3A_411 = arith.index_cast %scan3A_400 : i32 to index
      %swap3A_412 = arith.constant 32 : index
      %swap3A_413 = tpu.vector_load %arg8[%swap3A_411, %swap3A_412] {strides = array<i32>} : memref<256x128xf32, #tpu.memory_space<vmem>>, vector<1x16xf32>,
      %swap3A_414 = vector.shape_cast %swap3A_413 : vector<1x16xf32> to vector<16xf32>
      %swap3A_415 = vector.shape_cast %get3A_61 : vector<16xf32> to vector<1x16xf32>
      tpu.vector_store %arg8[%swap3A_411, %swap3A_412], %swap3A_415 {add = true, strides = array<i32>} : memref<256x128xf32, #tpu.memory_space<vmem>>, vector<1x16xf32>,
      %swap3A_416 = arith.index_cast %scan3A_400 : i32 to index
      %swap3A_417 = arith.constant 48 : index
      %swap3A_418 = tpu.vector_load %arg8[%swap3A_416, %swap3A_417] {strides = array<i32>} : memref<256x128xf32, #tpu.memory_space<vmem>>, vector<1x16xf32>,
      %swap3A_419 = vector.shape_cast %swap3A_418 : vector<1x16xf32> to vector<16xf32>
      %swap3A_420 = vector.shape_cast %get3A_65 : vector<16xf32> to vector<1x16xf32>
      tpu.vector_store %arg8[%swap3A_416, %swap3A_417], %swap3A_420 {add = true, strides = array<i32>} : memref<256x128xf32, #tpu.memory_space<vmem>>, vector<1x16xf32>,
      %swap3A_421 = arith.index_cast %scan3A_400 : i32 to index
      %swap3A_422 = arith.constant 64 : index
      %swap3A_423 = tpu.vector_load %arg8[%swap3A_421, %swap3A_422] {strides = array<i32>} : memref<256x128xf32, #tpu.memory_space<vmem>>, vector<1x16xf32>,
      %swap3A_424 = vector.shape_cast %swap3A_423 : vector<1x16xf32> to vector<16xf32>
      %swap3A_425 = vector.shape_cast %get3A_69 : vector<16xf32> to vector<1x16xf32>
      tpu.vector_store %arg8[%swap3A_421, %swap3A_422], %swap3A_425 {add = true, strides = array<i32>} : memref<256x128xf32, #tpu.memory_space<vmem>>, vector<1x16xf32>,
      %swap3A_426 = arith.index_cast %scan3A_400 : i32 to index
      %swap3A_427 = arith.constant 80 : index
      %swap3A_428 = tpu.vector_load %arg8[%swap3A_426, %swap3A_427] {strides = array<i32>} : memref<256x128xf32, #tpu.memory_space<vmem>>, vector<1x16xf32>,
      %swap3A_429 = vector.shape_cast %swap3A_428 : vector<1x16xf32> to vector<16xf32>
      %swap3A_430 = vector.shape_cast %get3A_73 : vector<16xf32> to vector<1x16xf32>
      tpu.vector_store %arg8[%swap3A_426, %swap3A_427], %swap3A_430 {add = true, strides = array<i32>} : memref<256x128xf32, #tpu.memory_space<vmem>>, vector<1x16xf32>,
      %swap3A_431 = arith.index_cast %scan3A_400 : i32 to index
      %swap3A_432 = arith.constant 96 : index
      %swap3A_433 = tpu.vector_load %arg8[%swap3A_431, %swap3A_432] {strides = array<i32>} : memref<256x128xf32, #tpu.memory_space<vmem>>, vector<1x16xf32>,
      %swap3A_434 = vector.shape_cast %swap3A_433 : vector<1x16xf32> to vector<16xf32>
      %swap3A_435 = vector.shape_cast %get3A_77 : vector<16xf32> to vector<1x16xf32>
      tpu.vector_store %arg8[%swap3A_431, %swap3A_432], %swap3A_435 {add = true, strides = array<i32>} : memref<256x128xf32, #tpu.memory_space<vmem>>, vector<1x16xf32>,
      %swap3A_436 = arith.index_cast %scan3A_400 : i32 to index
      %swap3A_437 = arith.constant 112 : index
      %swap3A_438 = tpu.vector_load %arg8[%swap3A_436, %swap3A_437] {strides = array<i32>} : memref<256x128xf32, #tpu.memory_space<vmem>>, vector<1x16xf32>,
      %swap3A_439 = vector.shape_cast %swap3A_438 : vector<1x16xf32> to vector<16xf32>
      %swap3A_440 = vector.shape_cast %get3A_81 : vector<16xf32> to vector<1x16xf32>
      tpu.vector_store %arg8[%swap3A_436, %swap3A_437], %swap3A_440 {add = true, strides = array<i32>} : memref<256x128xf32, #tpu.memory_space<vmem>>, vector<1x16xf32>,
      %scan3A_441 = arith.constant 2 : i32
      %scan3A_442 = arith.addi %scan3A_359, %scan3A_441 : i32
      %swap3A_443 = arith.index_cast %scan3A_442 : i32 to index
      %swap3A_444 = arith.constant 0 : index
      %swap3A_445 = tpu.vector_load %arg8[%swap3A_443, %swap3A_444] {strides = array<i32>} : memref<256x128xf32, #tpu.memory_space<vmem>>, vector<1x16xf32>,
      %swap3A_446 = vector.shape_cast %swap3A_445 : vector<1x16xf32> to vector<16xf32>
      %swap3A_447 = vector.shape_cast %get3A_53 : vector<16xf32> to vector<1x16xf32>
      tpu.vector_store %arg8[%swap3A_443, %swap3A_444], %swap3A_447 {add = true, strides = array<i32>} : memref<256x128xf32, #tpu.memory_space<vmem>>, vector<1x16xf32>,
      %swap3A_448 = arith.index_cast %scan3A_442 : i32 to index
      %swap3A_449 = arith.constant 16 : index
      %swap3A_450 = tpu.vector_load %arg8[%swap3A_448, %swap3A_449] {strides = array<i32>} : memref<256x128xf32, #tpu.memory_space<vmem>>, vector<1x16xf32>,
      %swap3A_451 = vector.shape_cast %swap3A_450 : vector<1x16xf32> to vector<16xf32>
      %swap3A_452 = vector.shape_cast %get3A_57 : vector<16xf32> to vector<1x16xf32>
      tpu.vector_store %arg8[%swap3A_448, %swap3A_449], %swap3A_452 {add = true, strides = array<i32>} : memref<256x128xf32, #tpu.memory_space<vmem>>, vector<1x16xf32>,
      %swap3A_453 = arith.index_cast %scan3A_442 : i32 to index
      %swap3A_454 = arith.constant 32 : index
      %swap3A_455 = tpu.vector_load %arg8[%swap3A_453, %swap3A_454] {strides = array<i32>} : memref<256x128xf32, #tpu.memory_space<vmem>>, vector<1x16xf32>,
      %swap3A_456 = vector.shape_cast %swap3A_455 : vector<1x16xf32> to vector<16xf32>
      %swap3A_457 = vector.shape_cast %get3A_61 : vector<16xf32> to vector<1x16xf32>
      tpu.vector_store %arg8[%swap3A_453, %swap3A_454], %swap3A_457 {add = true, strides = array<i32>} : memref<256x128xf32, #tpu.memory_space<vmem>>, vector<1x16xf32>,
      %swap3A_458 = arith.index_cast %scan3A_442 : i32 to index
      %swap3A_459 = arith.constant 48 : index
      %swap3A_460 = tpu.vector_load %arg8[%swap3A_458, %swap3A_459] {strides = array<i32>} : memref<256x128xf32, #tpu.memory_space<vmem>>, vector<1x16xf32>,
      %swap3A_461 = vector.shape_cast %swap3A_460 : vector<1x16xf32> to vector<16xf32>
      %swap3A_462 = vector.shape_cast %get3A_65 : vector<16xf32> to vector<1x16xf32>
      tpu.vector_store %arg8[%swap3A_458, %swap3A_459], %swap3A_462 {add = true, strides = array<i32>} : memref<256x128xf32, #tpu.memory_space<vmem>>, vector<1x16xf32>,
      %swap3A_463 = arith.index_cast %scan3A_442 : i32 to index
      %swap3A_464 = arith.constant 64 : index
      %swap3A_465 = tpu.vector_load %arg8[%swap3A_463, %swap3A_464] {strides = array<i32>} : memref<256x128xf32, #tpu.memory_space<vmem>>, vector<1x16xf32>,
      %swap3A_466 = vector.shape_cast %swap3A_465 : vector<1x16xf32> to vector<16xf32>
      %swap3A_467 = vector.shape_cast %get3A_69 : vector<16xf32> to vector<1x16xf32>
      tpu.vector_store %arg8[%swap3A_463, %swap3A_464], %swap3A_467 {add = true, strides = array<i32>} : memref<256x128xf32, #tpu.memory_space<vmem>>, vector<1x16xf32>,
      %swap3A_468 = arith.index_cast %scan3A_442 : i32 to index
      %swap3A_469 = arith.constant 80 : index
      %swap3A_470 = tpu.vector_load %arg8[%swap3A_468, %swap3A_469] {strides = array<i32>} : memref<256x128xf32, #tpu.memory_space<vmem>>, vector<1x16xf32>,
      %swap3A_471 = vector.shape_cast %swap3A_470 : vector<1x16xf32> to vector<16xf32>
      %swap3A_472 = vector.shape_cast %get3A_73 : vector<16xf32> to vector<1x16xf32>
      tpu.vector_store %arg8[%swap3A_468, %swap3A_469], %swap3A_472 {add = true, strides = array<i32>} : memref<256x128xf32, #tpu.memory_space<vmem>>, vector<1x16xf32>,
      %swap3A_473 = arith.index_cast %scan3A_442 : i32 to index
      %swap3A_474 = arith.constant 96 : index
      %swap3A_475 = tpu.vector_load %arg8[%swap3A_473, %swap3A_474] {strides = array<i32>} : memref<256x128xf32, #tpu.memory_space<vmem>>, vector<1x16xf32>,
      %swap3A_476 = vector.shape_cast %swap3A_475 : vector<1x16xf32> to vector<16xf32>
      %swap3A_477 = vector.shape_cast %get3A_77 : vector<16xf32> to vector<1x16xf32>
      tpu.vector_store %arg8[%swap3A_473, %swap3A_474], %swap3A_477 {add = true, strides = array<i32>} : memref<256x128xf32, #tpu.memory_space<vmem>>, vector<1x16xf32>,
      %swap3A_478 = arith.index_cast %scan3A_442 : i32 to index
      %swap3A_479 = arith.constant 112 : index
      %swap3A_480 = tpu.vector_load %arg8[%swap3A_478, %swap3A_479] {strides = array<i32>} : memref<256x128xf32, #tpu.memory_space<vmem>>, vector<1x16xf32>,
      %swap3A_481 = vector.shape_cast %swap3A_480 : vector<1x16xf32> to vector<16xf32>
      %swap3A_482 = vector.shape_cast %get3A_81 : vector<16xf32> to vector<1x16xf32>
      tpu.vector_store %arg8[%swap3A_478, %swap3A_479], %swap3A_482 {add = true, strides = array<i32>} : memref<256x128xf32, #tpu.memory_space<vmem>>, vector<1x16xf32>,
      %scan3A_483 = arith.constant 3 : i32
      %scan3A_484 = arith.addi %scan3A_359, %scan3A_483 : i32
      %swap3A_485 = arith.index_cast %scan3A_484 : i32 to index
      %swap3A_486 = arith.constant 0 : index
      %swap3A_487 = tpu.vector_load %arg8[%swap3A_485, %swap3A_486] {strides = array<i32>} : memref<256x128xf32, #tpu.memory_space<vmem>>, vector<1x16xf32>,
      %swap3A_488 = vector.shape_cast %swap3A_487 : vector<1x16xf32> to vector<16xf32>
      %swap3A_489 = vector.shape_cast %get3A_53 : vector<16xf32> to vector<1x16xf32>
      tpu.vector_store %arg8[%swap3A_485, %swap3A_486], %swap3A_489 {add = true, strides = array<i32>} : memref<256x128xf32, #tpu.memory_space<vmem>>, vector<1x16xf32>,
      %swap3A_490 = arith.index_cast %scan3A_484 : i32 to index
      %swap3A_491 = arith.constant 16 : index
      %swap3A_492 = tpu.vector_load %arg8[%swap3A_490, %swap3A_491] {strides = array<i32>} : memref<256x128xf32, #tpu.memory_space<vmem>>, vector<1x16xf32>,
      %swap3A_493 = vector.shape_cast %swap3A_492 : vector<1x16xf32> to vector<16xf32>
      %swap3A_494 = vector.shape_cast %get3A_57 : vector<16xf32> to vector<1x16xf32>
      tpu.vector_store %arg8[%swap3A_490, %swap3A_491], %swap3A_494 {add = true, strides = array<i32>} : memref<256x128xf32, #tpu.memory_space<vmem>>, vector<1x16xf32>,
      %swap3A_495 = arith.index_cast %scan3A_484 : i32 to index
      %swap3A_496 = arith.constant 32 : index
      %swap3A_497 = tpu.vector_load %arg8[%swap3A_495, %swap3A_496] {strides = array<i32>} : memref<256x128xf32, #tpu.memory_space<vmem>>, vector<1x16xf32>,
      %swap3A_498 = vector.shape_cast %swap3A_497 : vector<1x16xf32> to vector<16xf32>
      %swap3A_499 = vector.shape_cast %get3A_61 : vector<16xf32> to vector<1x16xf32>
      tpu.vector_store %arg8[%swap3A_495, %swap3A_496], %swap3A_499 {add = true, strides = array<i32>} : memref<256x128xf32, #tpu.memory_space<vmem>>, vector<1x16xf32>,
      %swap3A_500 = arith.index_cast %scan3A_484 : i32 to index
      %swap3A_501 = arith.constant 48 : index
      %swap3A_502 = tpu.vector_load %arg8[%swap3A_500, %swap3A_501] {strides = array<i32>} : memref<256x128xf32, #tpu.memory_space<vmem>>, vector<1x16xf32>,
      %swap3A_503 = vector.shape_cast %swap3A_502 : vector<1x16xf32> to vector<16xf32>
      %swap3A_504 = vector.shape_cast %get3A_65 : vector<16xf32> to vector<1x16xf32>
      tpu.vector_store %arg8[%swap3A_500, %swap3A_501], %swap3A_504 {add = true, strides = array<i32>} : memref<256x128xf32, #tpu.memory_space<vmem>>, vector<1x16xf32>,
      %swap3A_505 = arith.index_cast %scan3A_484 : i32 to index
      %swap3A_506 = arith.constant 64 : index
      %swap3A_507 = tpu.vector_load %arg8[%swap3A_505, %swap3A_506] {strides = array<i32>} : memref<256x128xf32, #tpu.memory_space<vmem>>, vector<1x16xf32>,
      %swap3A_508 = vector.shape_cast %swap3A_507 : vector<1x16xf32> to vector<16xf32>
      %swap3A_509 = vector.shape_cast %get3A_69 : vector<16xf32> to vector<1x16xf32>
      tpu.vector_store %arg8[%swap3A_505, %swap3A_506], %swap3A_509 {add = true, strides = array<i32>} : memref<256x128xf32, #tpu.memory_space<vmem>>, vector<1x16xf32>,
      %swap3A_510 = arith.index_cast %scan3A_484 : i32 to index
      %swap3A_511 = arith.constant 80 : index
      %swap3A_512 = tpu.vector_load %arg8[%swap3A_510, %swap3A_511] {strides = array<i32>} : memref<256x128xf32, #tpu.memory_space<vmem>>, vector<1x16xf32>,
      %swap3A_513 = vector.shape_cast %swap3A_512 : vector<1x16xf32> to vector<16xf32>
      %swap3A_514 = vector.shape_cast %get3A_73 : vector<16xf32> to vector<1x16xf32>
      tpu.vector_store %arg8[%swap3A_510, %swap3A_511], %swap3A_514 {add = true, strides = array<i32>} : memref<256x128xf32, #tpu.memory_space<vmem>>, vector<1x16xf32>,
      %swap3A_515 = arith.index_cast %scan3A_484 : i32 to index
      %swap3A_516 = arith.constant 96 : index
      %swap3A_517 = tpu.vector_load %arg8[%swap3A_515, %swap3A_516] {strides = array<i32>} : memref<256x128xf32, #tpu.memory_space<vmem>>, vector<1x16xf32>,
      %swap3A_518 = vector.shape_cast %swap3A_517 : vector<1x16xf32> to vector<16xf32>
      %swap3A_519 = vector.shape_cast %get3A_77 : vector<16xf32> to vector<1x16xf32>
      tpu.vector_store %arg8[%swap3A_515, %swap3A_516], %swap3A_519 {add = true, strides = array<i32>} : memref<256x128xf32, #tpu.memory_space<vmem>>, vector<1x16xf32>,
      %swap3A_520 = arith.index_cast %scan3A_484 : i32 to index
      %swap3A_521 = arith.constant 112 : index
      %swap3A_522 = tpu.vector_load %arg8[%swap3A_520, %swap3A_521] {strides = array<i32>} : memref<256x128xf32, #tpu.memory_space<vmem>>, vector<1x16xf32>,
      %swap3A_523 = vector.shape_cast %swap3A_522 : vector<1x16xf32> to vector<16xf32>
      %swap3A_524 = vector.shape_cast %get3A_81 : vector<16xf32> to vector<1x16xf32>
      tpu.vector_store %arg8[%swap3A_520, %swap3A_521], %swap3A_524 {add = true, strides = array<i32>} : memref<256x128xf32, #tpu.memory_space<vmem>>, vector<1x16xf32>,
    }
    %scan3A_86 = arith.constant 128 : i32
    %dma_start3A_87 = arith.constant 2 : i32
    %dma_start3A_88 = arith.constant 0 : i32
    %dma_start3A_89 = arith.constant 0 : i32
    %dma_start3A_90 = tpu.memref_slice %arg9[%dma_start3A_88, %dma_start3A_89] : memref<256x128xf32, #tpu.memory_space<vmem>> -> memref<128x128xf32, #tpu.memory_space<vmem>>
    %dma_start3A_91 = arith.constant 0 : i32
    %dma_start3A_92 = tpu.memref_slice %arg6[%dma_start3A_87, %dma_start3A_91] : memref<200x128xi32, #tpu.memory_space<vmem>> -> memref<1x128xi32, #tpu.memory_space<vmem>>
    %dma_start3A_93 = tpu.memref_squeeze %dma_start3A_92 : memref<1x128xi32, #tpu.memory_space<vmem>> -> memref<128xi32, #tpu.memory_space<vmem>>
    %dma_start3A_94 = arith.constant 0 : i32
    %dma_start3A_95 = arith.constant 0 : i32
    %dma_start3A_96 = tpu.memref_slice %arg3[%dma_start3A_94, %dma_start3A_95] : memref<100000x128xf32, #tpu.memory_space<hbm>> -> memref<100000x128xf32, #tpu.memory_space<hbm>>
    tpu.enqueue_indirect_dma source(%dma_start3A_96 : memref<100000x128xf32, #tpu.memory_space<hbm>>) target(%dma_start3A_90 : memref<128x128xf32, #tpu.memory_space<vmem>>) offsets(%dma_start3A_93 : memref<128xi32, #tpu.memory_space<vmem>>) semaphore(%arg12 : memref<!tpu.dma_semaphore, #tpu.memory_space<semaphore_mem>>)
    %dma_wait3A_97 = arith.constant 1 : i32
    %dma_wait3A_98 = arith.constant 128 : i32
    %dma_wait3A_99 = arith.constant 0 : i32
    %dma_wait3A_100 = tpu.memref_slice %arg8[%dma_wait3A_98, %dma_wait3A_99] : memref<256x128xf32, #tpu.memory_space<vmem>> -> memref<128x128xf32, #tpu.memory_space<vmem>>
    %dma_wait3A_101 = arith.constant 0 : i32
    %dma_wait3A_102 = tpu.memref_slice %arg6[%dma_wait3A_97, %dma_wait3A_101] : memref<200x128xi32, #tpu.memory_space<vmem>> -> memref<1x128xi32, #tpu.memory_space<vmem>>
    %dma_wait3A_103 = tpu.memref_squeeze %dma_wait3A_102 : memref<1x128xi32, #tpu.memory_space<vmem>> -> memref<128xi32, #tpu.memory_space<vmem>>
    %dma_wait3A_104 = arith.constant 0 : i32
    %dma_wait3A_105 = arith.constant 0 : i32
    %dma_wait3A_106 = tpu.memref_slice %arg3[%dma_wait3A_104, %dma_wait3A_105] : memref<100000x128xf32, #tpu.memory_space<hbm>> -> memref<100000x128xf32, #tpu.memory_space<hbm>>
    tpu.wait_indirect_dma semaphore(%arg11 : memref<!tpu.dma_semaphore, #tpu.memory_space<semaphore_mem>>) src(%dma_wait3A_106 : memref<100000x128xf32, #tpu.memory_space<hbm>>) dst(%dma_wait3A_100 : memref<128x128xf32, #tpu.memory_space<vmem>>)
    %add3A_107 = arith.constant 0 : i32
    %add3A_108 = arith.addi %mul3A_2, %add3A_107 : i32
    %jit3A_109 = arith.constant 4096 : i32
    %div3A_110 = arith.divsi %add3A_108, %jit3A_109 : i32
    %sign3A_111 = arith.constant 0 : i32
    %sign3A_112 = arith.cmpi sgt, %add3A_108, %sign3A_111 : i32
    %sign3A_113 = arith.extui %sign3A_112 : i1 to i32
    %sign3A_114 = arith.constant 0 : i32
    %sign3A_115 = arith.cmpi slt, %add3A_108, %sign3A_114 : i32
    %sign3A_116 = arith.extui %sign3A_115 : i1 to i32
    %sign3A_117 = arith.subi %sign3A_113, %sign3A_116 : i32
    %sign3A_118 = arith.constant 0 : i32
    %sign3A_119 = arith.cmpi sgt, %jit3A_109, %sign3A_118 : i32
    %sign3A_120 = arith.extui %sign3A_119 : i1 to i32
    %sign3A_121 = arith.constant 0 : i32
    %sign3A_122 = arith.cmpi slt, %jit3A_109, %sign3A_121 : i32
    %sign3A_123 = arith.extui %sign3A_122 : i1 to i32
    %sign3A_124 = arith.subi %sign3A_120, %sign3A_123 : i32
    %ne3A_125 = arith.cmpi ne, %sign3A_117, %sign3A_124 : i32
    %rem3A_126 = arith.remsi %add3A_108, %jit3A_109 : i32
    %ne3A_127 = arith.constant 0 : i32
    %ne3A_128 = arith.cmpi ne, %rem3A_126, %ne3A_127 : i32
    %and3A_129 = arith.andi %ne3A_125, %ne3A_128 : i1
    %sub3A_130 = arith.constant 1 : i32
    %sub3A_131 = arith.subi %div3A_110, %sub3A_130 : i32
    %select_n3A_132 = arith.select %and3A_129, %sub3A_131, %div3A_110 : i32
    %get3A_133 = arith.index_cast %select_n3A_132 : i32 to index
    %get3A_134 = arith.constant 0 : index
    %get3A_135 = tpu.vector_load %arg7[%get3A_133, %get3A_134] {strides = array<i32>} : memref<200x128xf32, #tpu.memory_space<vmem>>, vector<1x16xf32>,
    %get3A_136 = vector.shape_cast %get3A_135 : vector<1x16xf32> to vector<16xf32>
    %get3A_137 = arith.index_cast %select_n3A_132 : i32 to index
    %get3A_138 = arith.constant 16 : index
    %get3A_139 = tpu.vector_load %arg7[%get3A_137, %get3A_138] {strides = array<i32>} : memref<200x128xf32, #tpu.memory_space<vmem>>, vector<1x16xf32>,
    %get3A_140 = vector.shape_cast %get3A_139 : vector<1x16xf32> to vector<16xf32>
    %get3A_141 = arith.index_cast %select_n3A_132 : i32 to index
    %get3A_142 = arith.constant 32 : index
    %get3A_143 = tpu.vector_load %arg7[%get3A_141, %get3A_142] {strides = array<i32>} : memref<200x128xf32, #tpu.memory_space<vmem>>, vector<1x16xf32>,
    %get3A_144 = vector.shape_cast %get3A_143 : vector<1x16xf32> to vector<16xf32>
    %get3A_145 = arith.index_cast %select_n3A_132 : i32 to index
    %get3A_146 = arith.constant 48 : index
    %get3A_147 = tpu.vector_load %arg7[%get3A_145, %get3A_146] {strides = array<i32>} : memref<200x128xf32, #tpu.memory_space<vmem>>, vector<1x16xf32>,
    %get3A_148 = vector.shape_cast %get3A_147 : vector<1x16xf32> to vector<16xf32>
    %get3A_149 = arith.index_cast %select_n3A_132 : i32 to index
    %get3A_150 = arith.constant 64 : index
    %get3A_151 = tpu.vector_load %arg7[%get3A_149, %get3A_150] {strides = array<i32>} : memref<200x128xf32, #tpu.memory_space<vmem>>, vector<1x16xf32>,
    %get3A_152 = vector.shape_cast %get3A_151 : vector<1x16xf32> to vector<16xf32>
    %get3A_153 = arith.index_cast %select_n3A_132 : i32 to index
    %get3A_154 = arith.constant 80 : index
    %get3A_155 = tpu.vector_load %arg7[%get3A_153, %get3A_154] {strides = array<i32>} : memref<200x128xf32, #tpu.memory_space<vmem>>, vector<1x16xf32>,
    %get3A_156 = vector.shape_cast %get3A_155 : vector<1x16xf32> to vector<16xf32>
    %get3A_157 = arith.index_cast %select_n3A_132 : i32 to index
    %get3A_158 = arith.constant 96 : index
    %get3A_159 = tpu.vector_load %arg7[%get3A_157, %get3A_158] {strides = array<i32>} : memref<200x128xf32, #tpu.memory_space<vmem>>, vector<1x16xf32>,
    %get3A_160 = vector.shape_cast %get3A_159 : vector<1x16xf32> to vector<16xf32>
    %get3A_161 = arith.index_cast %select_n3A_132 : i32 to index
    %get3A_162 = arith.constant 112 : index
    %get3A_163 = tpu.vector_load %arg7[%get3A_161, %get3A_162] {strides = array<i32>} : memref<200x128xf32, #tpu.memory_space<vmem>>, vector<1x16xf32>,
    %get3A_164 = vector.shape_cast %get3A_163 : vector<1x16xf32> to vector<16xf32>
    %scan3A_165 = arith.constant 0 : i32
    %scan3A_166 = arith.constant 128 : i32
    %scan3A_167 = arith.constant 128 : i32
    %scan3A_168 = arith.addi %scan3A_166, %scan3A_167 : i32
    %scan3A_169 = arith.constant 4 : i32
    scf.for %scan3A_359 = %scan3A_166 to %scan3A_168 step %scan3A_169  : i32 {
      %swap3A = arith.index_cast %scan3A_359 : i32 to index
      %swap3A_360 = arith.constant 0 : index
      %swap3A_361 = tpu.vector_load %arg8[%swap3A, %swap3A_360] {strides = array<i32>} : memref<256x128xf32, #tpu.memory_space<vmem>>, vector<1x16xf32>,
      %swap3A_362 = vector.shape_cast %swap3A_361 : vector<1x16xf32> to vector<16xf32>
      %swap3A_363 = vector.shape_cast %get3A_136 : vector<16xf32> to vector<1x16xf32>
      tpu.vector_store %arg8[%swap3A, %swap3A_360], %swap3A_363 {add = true, strides = array<i32>} : memref<256x128xf32, #tpu.memory_space<vmem>>, vector<1x16xf32>,
      %swap3A_364 = arith.index_cast %scan3A_359 : i32 to index
      %swap3A_365 = arith.constant 16 : index
      %swap3A_366 = tpu.vector_load %arg8[%swap3A_364, %swap3A_365] {strides = array<i32>} : memref<256x128xf32, #tpu.memory_space<vmem>>, vector<1x16xf32>,
      %swap3A_367 = vector.shape_cast %swap3A_366 : vector<1x16xf32> to vector<16xf32>
      %swap3A_368 = vector.shape_cast %get3A_140 : vector<16xf32> to vector<1x16xf32>
      tpu.vector_store %arg8[%swap3A_364, %swap3A_365], %swap3A_368 {add = true, strides = array<i32>} : memref<256x128xf32, #tpu.memory_space<vmem>>, vector<1x16xf32>,
      %swap3A_369 = arith.index_cast %scan3A_359 : i32 to index
      %swap3A_370 = arith.constant 32 : index
      %swap3A_371 = tpu.vector_load %arg8[%swap3A_369, %swap3A_370] {strides = array<i32>} : memref<256x128xf32, #tpu.memory_space<vmem>>, vector<1x16xf32>,
      %swap3A_372 = vector.shape_cast %swap3A_371 : vector<1x16xf32> to vector<16xf32>
      %swap3A_373 = vector.shape_cast %get3A_144 : vector<16xf32> to vector<1x16xf32>
      tpu.vector_store %arg8[%swap3A_369, %swap3A_370], %swap3A_373 {add = true, strides = array<i32>} : memref<256x128xf32, #tpu.memory_space<vmem>>, vector<1x16xf32>,
      %swap3A_374 = arith.index_cast %scan3A_359 : i32 to index
      %swap3A_375 = arith.constant 48 : index
      %swap3A_376 = tpu.vector_load %arg8[%swap3A_374, %swap3A_375] {strides = array<i32>} : memref<256x128xf32, #tpu.memory_space<vmem>>, vector<1x16xf32>,
      %swap3A_377 = vector.shape_cast %swap3A_376 : vector<1x16xf32> to vector<16xf32>
      %swap3A_378 = vector.shape_cast %get3A_148 : vector<16xf32> to vector<1x16xf32>
      tpu.vector_store %arg8[%swap3A_374, %swap3A_375], %swap3A_378 {add = true, strides = array<i32>} : memref<256x128xf32, #tpu.memory_space<vmem>>, vector<1x16xf32>,
      %swap3A_379 = arith.index_cast %scan3A_359 : i32 to index
      %swap3A_380 = arith.constant 64 : index
      %swap3A_381 = tpu.vector_load %arg8[%swap3A_379, %swap3A_380] {strides = array<i32>} : memref<256x128xf32, #tpu.memory_space<vmem>>, vector<1x16xf32>,
      %swap3A_382 = vector.shape_cast %swap3A_381 : vector<1x16xf32> to vector<16xf32>
      %swap3A_383 = vector.shape_cast %get3A_152 : vector<16xf32> to vector<1x16xf32>
      tpu.vector_store %arg8[%swap3A_379, %swap3A_380], %swap3A_383 {add = true, strides = array<i32>} : memref<256x128xf32, #tpu.memory_space<vmem>>, vector<1x16xf32>,
      %swap3A_384 = arith.index_cast %scan3A_359 : i32 to index
      %swap3A_385 = arith.constant 80 : index
      %swap3A_386 = tpu.vector_load %arg8[%swap3A_384, %swap3A_385] {strides = array<i32>} : memref<256x128xf32, #tpu.memory_space<vmem>>, vector<1x16xf32>,
      %swap3A_387 = vector.shape_cast %swap3A_386 : vector<1x16xf32> to vector<16xf32>
      %swap3A_388 = vector.shape_cast %get3A_156 : vector<16xf32> to vector<1x16xf32>
      tpu.vector_store %arg8[%swap3A_384, %swap3A_385], %swap3A_388 {add = true, strides = array<i32>} : memref<256x128xf32, #tpu.memory_space<vmem>>, vector<1x16xf32>,
      %swap3A_389 = arith.index_cast %scan3A_359 : i32 to index
      %swap3A_390 = arith.constant 96 : index
      %swap3A_391 = tpu.vector_load %arg8[%swap3A_389, %swap3A_390] {strides = array<i32>} : memref<256x128xf32, #tpu.memory_space<vmem>>, vector<1x16xf32>,
      %swap3A_392 = vector.shape_cast %swap3A_391 : vector<1x16xf32> to vector<16xf32>
      %swap3A_393 = vector.shape_cast %get3A_160 : vector<16xf32> to vector<1x16xf32>
      tpu.vector_store %arg8[%swap3A_389, %swap3A_390], %swap3A_393 {add = true, strides = array<i32>} : memref<256x128xf32, #tpu.memory_space<vmem>>, vector<1x16xf32>,
      %swap3A_394 = arith.index_cast %scan3A_359 : i32 to index
      %swap3A_395 = arith.constant 112 : index
      %swap3A_396 = tpu.vector_load %arg8[%swap3A_394, %swap3A_395] {strides = array<i32>} : memref<256x128xf32, #tpu.memory_space<vmem>>, vector<1x16xf32>,
      %swap3A_397 = vector.shape_cast %swap3A_396 : vector<1x16xf32> to vector<16xf32>
      %swap3A_398 = vector.shape_cast %get3A_164 : vector<16xf32> to vector<1x16xf32>
      tpu.vector_store %arg8[%swap3A_394, %swap3A_395], %swap3A_398 {add = true, strides = array<i32>} : memref<256x128xf32, #tpu.memory_space<vmem>>, vector<1x16xf32>,
      %scan3A_399 = arith.constant 1 : i32
      %scan3A_400 = arith.addi %scan3A_359, %scan3A_399 : i32
      %swap3A_401 = arith.index_cast %scan3A_400 : i32 to index
      %swap3A_402 = arith.constant 0 : index
      %swap3A_403 = tpu.vector_load %arg8[%swap3A_401, %swap3A_402] {strides = array<i32>} : memref<256x128xf32, #tpu.memory_space<vmem>>, vector<1x16xf32>,
      %swap3A_404 = vector.shape_cast %swap3A_403 : vector<1x16xf32> to vector<16xf32>
      %swap3A_405 = vector.shape_cast %get3A_136 : vector<16xf32> to vector<1x16xf32>
      tpu.vector_store %arg8[%swap3A_401, %swap3A_402], %swap3A_405 {add = true, strides = array<i32>} : memref<256x128xf32, #tpu.memory_space<vmem>>, vector<1x16xf32>,
      %swap3A_406 = arith.index_cast %scan3A_400 : i32 to index
      %swap3A_407 = arith.constant 16 : index
      %swap3A_408 = tpu.vector_load %arg8[%swap3A_406, %swap3A_407] {strides = array<i32>} : memref<256x128xf32, #tpu.memory_space<vmem>>, vector<1x16xf32>,
      %swap3A_409 = vector.shape_cast %swap3A_408 : vector<1x16xf32> to vector<16xf32>
      %swap3A_410 = vector.shape_cast %get3A_140 : vector<16xf32> to vector<1x16xf32>
      tpu.vector_store %arg8[%swap3A_406, %swap3A_407], %swap3A_410 {add = true, strides = array<i32>} : memref<256x128xf32, #tpu.memory_space<vmem>>, vector<1x16xf32>,
      %swap3A_411 = arith.index_cast %scan3A_400 : i32 to index
      %swap3A_412 = arith.constant 32 : index
      %swap3A_413 = tpu.vector_load %arg8[%swap3A_411, %swap3A_412] {strides = array<i32>} : memref<256x128xf32, #tpu.memory_space<vmem>>, vector<1x16xf32>,
      %swap3A_414 = vector.shape_cast %swap3A_413 : vector<1x16xf32> to vector<16xf32>
      %swap3A_415 = vector.shape_cast %get3A_144 : vector<16xf32> to vector<1x16xf32>
      tpu.vector_store %arg8[%swap3A_411, %swap3A_412], %swap3A_415 {add = true, strides = array<i32>} : memref<256x128xf32, #tpu.memory_space<vmem>>, vector<1x16xf32>,
      %swap3A_416 = arith.index_cast %scan3A_400 : i32 to index
      %swap3A_417 = arith.constant 48 : index
      %swap3A_418 = tpu.vector_load %arg8[%swap3A_416, %swap3A_417] {strides = array<i32>} : memref<256x128xf32, #tpu.memory_space<vmem>>, vector<1x16xf32>,
      %swap3A_419 = vector.shape_cast %swap3A_418 : vector<1x16xf32> to vector<16xf32>
      %swap3A_420 = vector.shape_cast %get3A_148 : vector<16xf32> to vector<1x16xf32>
      tpu.vector_store %arg8[%swap3A_416, %swap3A_417], %swap3A_420 {add = true, strides = array<i32>} : memref<256x128xf32, #tpu.memory_space<vmem>>, vector<1x16xf32>,
      %swap3A_421 = arith.index_cast %scan3A_400 : i32 to index
      %swap3A_422 = arith.constant 64 : index
      %swap3A_423 = tpu.vector_load %arg8[%swap3A_421, %swap3A_422] {strides = array<i32>} : memref<256x128xf32, #tpu.memory_space<vmem>>, vector<1x16xf32>,
      %swap3A_424 = vector.shape_cast %swap3A_423 : vector<1x16xf32> to vector<16xf32>
      %swap3A_425 = vector.shape_cast %get3A_152 : vector<16xf32> to vector<1x16xf32>
      tpu.vector_store %arg8[%swap3A_421, %swap3A_422], %swap3A_425 {add = true, strides = array<i32>} : memref<256x128xf32, #tpu.memory_space<vmem>>, vector<1x16xf32>,
      %swap3A_426 = arith.index_cast %scan3A_400 : i32 to index
      %swap3A_427 = arith.constant 80 : index
      %swap3A_428 = tpu.vector_load %arg8[%swap3A_426, %swap3A_427] {strides = array<i32>} : memref<256x128xf32, #tpu.memory_space<vmem>>, vector<1x16xf32>,
      %swap3A_429 = vector.shape_cast %swap3A_428 : vector<1x16xf32> to vector<16xf32>
      %swap3A_430 = vector.shape_cast %get3A_156 : vector<16xf32> to vector<1x16xf32>
      tpu.vector_store %arg8[%swap3A_426, %swap3A_427], %swap3A_430 {add = true, strides = array<i32>} : memref<256x128xf32, #tpu.memory_space<vmem>>, vector<1x16xf32>,
      %swap3A_431 = arith.index_cast %scan3A_400 : i32 to index
      %swap3A_432 = arith.constant 96 : index
      %swap3A_433 = tpu.vector_load %arg8[%swap3A_431, %swap3A_432] {strides = array<i32>} : memref<256x128xf32, #tpu.memory_space<vmem>>, vector<1x16xf32>,
      %swap3A_434 = vector.shape_cast %swap3A_433 : vector<1x16xf32> to vector<16xf32>
      %swap3A_435 = vector.shape_cast %get3A_160 : vector<16xf32> to vector<1x16xf32>
      tpu.vector_store %arg8[%swap3A_431, %swap3A_432], %swap3A_435 {add = true, strides = array<i32>} : memref<256x128xf32, #tpu.memory_space<vmem>>, vector<1x16xf32>,
      %swap3A_436 = arith.index_cast %scan3A_400 : i32 to index
      %swap3A_437 = arith.constant 112 : index
      %swap3A_438 = tpu.vector_load %arg8[%swap3A_436, %swap3A_437] {strides = array<i32>} : memref<256x128xf32, #tpu.memory_space<vmem>>, vector<1x16xf32>,
      %swap3A_439 = vector.shape_cast %swap3A_438 : vector<1x16xf32> to vector<16xf32>
      %swap3A_440 = vector.shape_cast %get3A_164 : vector<16xf32> to vector<1x16xf32>
      tpu.vector_store %arg8[%swap3A_436, %swap3A_437], %swap3A_440 {add = true, strides = array<i32>} : memref<256x128xf32, #tpu.memory_space<vmem>>, vector<1x16xf32>,
      %scan3A_441 = arith.constant 2 : i32
      %scan3A_442 = arith.addi %scan3A_359, %scan3A_441 : i32
      %swap3A_443 = arith.index_cast %scan3A_442 : i32 to index
      %swap3A_444 = arith.constant 0 : index
      %swap3A_445 = tpu.vector_load %arg8[%swap3A_443, %swap3A_444] {strides = array<i32>} : memref<256x128xf32, #tpu.memory_space<vmem>>, vector<1x16xf32>,
      %swap3A_446 = vector.shape_cast %swap3A_445 : vector<1x16xf32> to vector<16xf32>
      %swap3A_447 = vector.shape_cast %get3A_136 : vector<16xf32> to vector<1x16xf32>
      tpu.vector_store %arg8[%swap3A_443, %swap3A_444], %swap3A_447 {add = true, strides = array<i32>} : memref<256x128xf32, #tpu.memory_space<vmem>>, vector<1x16xf32>,
      %swap3A_448 = arith.index_cast %scan3A_442 : i32 to index
      %swap3A_449 = arith.constant 16 : index
      %swap3A_450 = tpu.vector_load %arg8[%swap3A_448, %swap3A_449] {strides = array<i32>} : memref<256x128xf32, #tpu.memory_space<vmem>>, vector<1x16xf32>,
      %swap3A_451 = vector.shape_cast %swap3A_450 : vector<1x16xf32> to vector<16xf32>
      %swap3A_452 = vector.shape_cast %get3A_140 : vector<16xf32> to vector<1x16xf32>
      tpu.vector_store %arg8[%swap3A_448, %swap3A_449], %swap3A_452 {add = true, strides = array<i32>} : memref<256x128xf32, #tpu.memory_space<vmem>>, vector<1x16xf32>,
      %swap3A_453 = arith.index_cast %scan3A_442 : i32 to index
      %swap3A_454 = arith.constant 32 : index
      %swap3A_455 = tpu.vector_load %arg8[%swap3A_453, %swap3A_454] {strides = array<i32>} : memref<256x128xf32, #tpu.memory_space<vmem>>, vector<1x16xf32>,
      %swap3A_456 = vector.shape_cast %swap3A_455 : vector<1x16xf32> to vector<16xf32>
      %swap3A_457 = vector.shape_cast %get3A_144 : vector<16xf32> to vector<1x16xf32>
      tpu.vector_store %arg8[%swap3A_453, %swap3A_454], %swap3A_457 {add = true, strides = array<i32>} : memref<256x128xf32, #tpu.memory_space<vmem>>, vector<1x16xf32>,
      %swap3A_458 = arith.index_cast %scan3A_442 : i32 to index
      %swap3A_459 = arith.constant 48 : index
      %swap3A_460 = tpu.vector_load %arg8[%swap3A_458, %swap3A_459] {strides = array<i32>} : memref<256x128xf32, #tpu.memory_space<vmem>>, vector<1x16xf32>,
      %swap3A_461 = vector.shape_cast %swap3A_460 : vector<1x16xf32> to vector<16xf32>
      %swap3A_462 = vector.shape_cast %get3A_148 : vector<16xf32> to vector<1x16xf32>
      tpu.vector_store %arg8[%swap3A_458, %swap3A_459], %swap3A_462 {add = true, strides = array<i32>} : memref<256x128xf32, #tpu.memory_space<vmem>>, vector<1x16xf32>,
      %swap3A_463 = arith.index_cast %scan3A_442 : i32 to index
      %swap3A_464 = arith.constant 64 : index
      %swap3A_465 = tpu.vector_load %arg8[%swap3A_463, %swap3A_464] {strides = array<i32>} : memref<256x128xf32, #tpu.memory_space<vmem>>, vector<1x16xf32>,
      %swap3A_466 = vector.shape_cast %swap3A_465 : vector<1x16xf32> to vector<16xf32>
      %swap3A_467 = vector.shape_cast %get3A_152 : vector<16xf32> to vector<1x16xf32>
      tpu.vector_store %arg8[%swap3A_463, %swap3A_464], %swap3A_467 {add = true, strides = array<i32>} : memref<256x128xf32, #tpu.memory_space<vmem>>, vector<1x16xf32>,
      %swap3A_468 = arith.index_cast %scan3A_442 : i32 to index
      %swap3A_469 = arith.constant 80 : index
      %swap3A_470 = tpu.vector_load %arg8[%swap3A_468, %swap3A_469] {strides = array<i32>} : memref<256x128xf32, #tpu.memory_space<vmem>>, vector<1x16xf32>,
      %swap3A_471 = vector.shape_cast %swap3A_470 : vector<1x16xf32> to vector<16xf32>
      %swap3A_472 = vector.shape_cast %get3A_156 : vector<16xf32> to vector<1x16xf32>
      tpu.vector_store %arg8[%swap3A_468, %swap3A_469], %swap3A_472 {add = true, strides = array<i32>} : memref<256x128xf32, #tpu.memory_space<vmem>>, vector<1x16xf32>,
      %swap3A_473 = arith.index_cast %scan3A_442 : i32 to index
      %swap3A_474 = arith.constant 96 : index
      %swap3A_475 = tpu.vector_load %arg8[%swap3A_473, %swap3A_474] {strides = array<i32>} : memref<256x128xf32, #tpu.memory_space<vmem>>, vector<1x16xf32>,
      %swap3A_476 = vector.shape_cast %swap3A_475 : vector<1x16xf32> to vector<16xf32>
      %swap3A_477 = vector.shape_cast %get3A_160 : vector<16xf32> to vector<1x16xf32>
      tpu.vector_store %arg8[%swap3A_473, %swap3A_474], %swap3A_477 {add = true, strides = array<i32>} : memref<256x128xf32, #tpu.memory_space<vmem>>, vector<1x16xf32>,
      %swap3A_478 = arith.index_cast %scan3A_442 : i32 to index
      %swap3A_479 = arith.constant 112 : index
      %swap3A_480 = tpu.vector_load %arg8[%swap3A_478, %swap3A_479] {strides = array<i32>} : memref<256x128xf32, #tpu.memory_space<vmem>>, vector<1x16xf32>,
      %swap3A_481 = vector.shape_cast %swap3A_480 : vector<1x16xf32> to vector<16xf32>
      %swap3A_482 = vector.shape_cast %get3A_164 : vector<16xf32> to vector<1x16xf32>
      tpu.vector_store %arg8[%swap3A_478, %swap3A_479], %swap3A_482 {add = true, strides = array<i32>} : memref<256x128xf32, #tpu.memory_space<vmem>>, vector<1x16xf32>,
      %scan3A_483 = arith.constant 3 : i32
      %scan3A_484 = arith.addi %scan3A_359, %scan3A_483 : i32
      %swap3A_485 = arith.index_cast %scan3A_484 : i32 to index
      %swap3A_486 = arith.constant 0 : index
      %swap3A_487 = tpu.vector_load %arg8[%swap3A_485, %swap3A_486] {strides = array<i32>} : memref<256x128xf32, #tpu.memory_space<vmem>>, vector<1x16xf32>,
      %swap3A_488 = vector.shape_cast %swap3A_487 : vector<1x16xf32> to vector<16xf32>
      %swap3A_489 = vector.shape_cast %get3A_136 : vector<16xf32> to vector<1x16xf32>
      tpu.vector_store %arg8[%swap3A_485, %swap3A_486], %swap3A_489 {add = true, strides = array<i32>} : memref<256x128xf32, #tpu.memory_space<vmem>>, vector<1x16xf32>,
      %swap3A_490 = arith.index_cast %scan3A_484 : i32 to index
      %swap3A_491 = arith.constant 16 : index
      %swap3A_492 = tpu.vector_load %arg8[%swap3A_490, %swap3A_491] {strides = array<i32>} : memref<256x128xf32, #tpu.memory_space<vmem>>, vector<1x16xf32>,
      %swap3A_493 = vector.shape_cast %swap3A_492 : vector<1x16xf32> to vector<16xf32>
      %swap3A_494 = vector.shape_cast %get3A_140 : vector<16xf32> to vector<1x16xf32>
      tpu.vector_store %arg8[%swap3A_490, %swap3A_491], %swap3A_494 {add = true, strides = array<i32>} : memref<256x128xf32, #tpu.memory_space<vmem>>, vector<1x16xf32>,
      %swap3A_495 = arith.index_cast %scan3A_484 : i32 to index
      %swap3A_496 = arith.constant 32 : index
      %swap3A_497 = tpu.vector_load %arg8[%swap3A_495, %swap3A_496] {strides = array<i32>} : memref<256x128xf32, #tpu.memory_space<vmem>>, vector<1x16xf32>,
      %swap3A_498 = vector.shape_cast %swap3A_497 : vector<1x16xf32> to vector<16xf32>
      %swap3A_499 = vector.shape_cast %get3A_144 : vector<16xf32> to vector<1x16xf32>
      tpu.vector_store %arg8[%swap3A_495, %swap3A_496], %swap3A_499 {add = true, strides = array<i32>} : memref<256x128xf32, #tpu.memory_space<vmem>>, vector<1x16xf32>,
      %swap3A_500 = arith.index_cast %scan3A_484 : i32 to index
      %swap3A_501 = arith.constant 48 : index
      %swap3A_502 = tpu.vector_load %arg8[%swap3A_500, %swap3A_501] {strides = array<i32>} : memref<256x128xf32, #tpu.memory_space<vmem>>, vector<1x16xf32>,
      %swap3A_503 = vector.shape_cast %swap3A_502 : vector<1x16xf32> to vector<16xf32>
      %swap3A_504 = vector.shape_cast %get3A_148 : vector<16xf32> to vector<1x16xf32>
      tpu.vector_store %arg8[%swap3A_500, %swap3A_501], %swap3A_504 {add = true, strides = array<i32>} : memref<256x128xf32, #tpu.memory_space<vmem>>, vector<1x16xf32>,
      %swap3A_505 = arith.index_cast %scan3A_484 : i32 to index
      %swap3A_506 = arith.constant 64 : index
      %swap3A_507 = tpu.vector_load %arg8[%swap3A_505, %swap3A_506] {strides = array<i32>} : memref<256x128xf32, #tpu.memory_space<vmem>>, vector<1x16xf32>,
      %swap3A_508 = vector.shape_cast %swap3A_507 : vector<1x16xf32> to vector<16xf32>
      %swap3A_509 = vector.shape_cast %get3A_152 : vector<16xf32> to vector<1x16xf32>
      tpu.vector_store %arg8[%swap3A_505, %swap3A_506], %swap3A_509 {add = true, strides = array<i32>} : memref<256x128xf32, #tpu.memory_space<vmem>>, vector<1x16xf32>,
      %swap3A_510 = arith.index_cast %scan3A_484 : i32 to index
      %swap3A_511 = arith.constant 80 : index
      %swap3A_512 = tpu.vector_load %arg8[%swap3A_510, %swap3A_511] {strides = array<i32>} : memref<256x128xf32, #tpu.memory_space<vmem>>, vector<1x16xf32>,
      %swap3A_513 = vector.shape_cast %swap3A_512 : vector<1x16xf32> to vector<16xf32>
      %swap3A_514 = vector.shape_cast %get3A_156 : vector<16xf32> to vector<1x16xf32>
      tpu.vector_store %arg8[%swap3A_510, %swap3A_511], %swap3A_514 {add = true, strides = array<i32>} : memref<256x128xf32, #tpu.memory_space<vmem>>, vector<1x16xf32>,
      %swap3A_515 = arith.index_cast %scan3A_484 : i32 to index
      %swap3A_516 = arith.constant 96 : index
      %swap3A_517 = tpu.vector_load %arg8[%swap3A_515, %swap3A_516] {strides = array<i32>} : memref<256x128xf32, #tpu.memory_space<vmem>>, vector<1x16xf32>,
      %swap3A_518 = vector.shape_cast %swap3A_517 : vector<1x16xf32> to vector<16xf32>
      %swap3A_519 = vector.shape_cast %get3A_160 : vector<16xf32> to vector<1x16xf32>
      tpu.vector_store %arg8[%swap3A_515, %swap3A_516], %swap3A_519 {add = true, strides = array<i32>} : memref<256x128xf32, #tpu.memory_space<vmem>>, vector<1x16xf32>,
      %swap3A_520 = arith.index_cast %scan3A_484 : i32 to index
      %swap3A_521 = arith.constant 112 : index
      %swap3A_522 = tpu.vector_load %arg8[%swap3A_520, %swap3A_521] {strides = array<i32>} : memref<256x128xf32, #tpu.memory_space<vmem>>, vector<1x16xf32>,
      %swap3A_523 = vector.shape_cast %swap3A_522 : vector<1x16xf32> to vector<16xf32>
      %swap3A_524 = vector.shape_cast %get3A_164 : vector<16xf32> to vector<1x16xf32>
      tpu.vector_store %arg8[%swap3A_520, %swap3A_521], %swap3A_524 {add = true, strides = array<i32>} : memref<256x128xf32, #tpu.memory_space<vmem>>, vector<1x16xf32>,
    }
    %scan3A_170 = arith.constant 128 : i32
    %add3A_171 = arith.constant 0 : i32
    %add3A_172 = arith.addi %mul3A_2, %add3A_171 : i32
    %dma_start3A_173 = arith.constant 0 : i32
    %dma_start3A_174 = tpu.memref_slice %arg5[%add3A_172, %dma_start3A_173] : memref<819200x128xf32, #tpu.memory_space<hbm>> -> memref<256x128xf32, #tpu.memory_space<hbm>>
    %dma_start3A_175 = arith.constant 0 : i32
    %dma_start3A_176 = tpu.memref_slice %arg5[%add3A_172, %dma_start3A_175] : memref<819200x128xf32, #tpu.memory_space<hbm>> -> memref<256x128xf32, #tpu.memory_space<hbm>>
    tpu.enqueue_dma source(%arg8 : memref<256x128xf32, #tpu.memory_space<vmem>>) target(%dma_start3A_176 : memref<256x128xf32, #tpu.memory_space<hbm>>) target_semaphore(%arg14 : memref<!tpu.dma_semaphore, #tpu.memory_space<semaphore_mem>>)
    %dma_start3A_177 = arith.constant 3 : i32
    %dma_start3A_178 = arith.constant 128 : i32
    %dma_start3A_179 = arith.constant 0 : i32
    %dma_start3A_180 = tpu.memref_slice %arg9[%dma_start3A_178, %dma_start3A_179] : memref<256x128xf32, #tpu.memory_space<vmem>> -> memref<128x128xf32, #tpu.memory_space<vmem>>
    %dma_start3A_181 = arith.constant 0 : i32
    %dma_start3A_182 = tpu.memref_slice %arg6[%dma_start3A_177, %dma_start3A_181] : memref<200x128xi32, #tpu.memory_space<vmem>> -> memref<1x128xi32, #tpu.memory_space<vmem>>
    %dma_start3A_183 = tpu.memref_squeeze %dma_start3A_182 : memref<1x128xi32, #tpu.memory_space<vmem>> -> memref<128xi32, #tpu.memory_space<vmem>>
    %dma_start3A_184 = arith.constant 0 : i32
    %dma_start3A_185 = arith.constant 0 : i32
    %dma_start3A_186 = tpu.memref_slice %arg3[%dma_start3A_184, %dma_start3A_185] : memref<100000x128xf32, #tpu.memory_space<hbm>> -> memref<100000x128xf32, #tpu.memory_space<hbm>>
    tpu.enqueue_indirect_dma source(%dma_start3A_186 : memref<100000x128xf32, #tpu.memory_space<hbm>>) target(%dma_start3A_180 : memref<128x128xf32, #tpu.memory_space<vmem>>) offsets(%dma_start3A_183 : memref<128xi32, #tpu.memory_space<vmem>>) semaphore(%arg13 : memref<!tpu.dma_semaphore, #tpu.memory_space<semaphore_mem>>)
    %dma_wait3A_187 = arith.constant 2 : i32
    %dma_wait3A_188 = arith.constant 0 : i32
    %dma_wait3A_189 = arith.constant 0 : i32
    %dma_wait3A_190 = tpu.memref_slice %arg9[%dma_wait3A_188, %dma_wait3A_189] : memref<256x128xf32, #tpu.memory_space<vmem>> -> memref<128x128xf32, #tpu.memory_space<vmem>>
    %dma_wait3A_191 = arith.constant 0 : i32
    %dma_wait3A_192 = tpu.memref_slice %arg6[%dma_wait3A_187, %dma_wait3A_191] : memref<200x128xi32, #tpu.memory_space<vmem>> -> memref<1x128xi32, #tpu.memory_space<vmem>>
    %dma_wait3A_193 = tpu.memref_squeeze %dma_wait3A_192 : memref<1x128xi32, #tpu.memory_space<vmem>> -> memref<128xi32, #tpu.memory_space<vmem>>
    %dma_wait3A_194 = arith.constant 0 : i32
    %dma_wait3A_195 = arith.constant 0 : i32
    %dma_wait3A_196 = tpu.memref_slice %arg3[%dma_wait3A_194, %dma_wait3A_195] : memref<100000x128xf32, #tpu.memory_space<hbm>> -> memref<100000x128xf32, #tpu.memory_space<hbm>>
    tpu.wait_indirect_dma semaphore(%arg12 : memref<!tpu.dma_semaphore, #tpu.memory_space<semaphore_mem>>) src(%dma_wait3A_196 : memref<100000x128xf32, #tpu.memory_space<hbm>>) dst(%dma_wait3A_190 : memref<128x128xf32, #tpu.memory_space<vmem>>)
    %add3A_197 = arith.constant 256 : i32
    %add3A_198 = arith.addi %mul3A_2, %add3A_197 : i32
    %jit3A_199 = arith.constant 4096 : i32
    %div3A_200 = arith.divsi %add3A_198, %jit3A_199 : i32
    %sign3A_201 = arith.constant 0 : i32
    %sign3A_202 = arith.cmpi sgt, %add3A_198, %sign3A_201 : i32
    %sign3A_203 = arith.extui %sign3A_202 : i1 to i32
    %sign3A_204 = arith.constant 0 : i32
    %sign3A_205 = arith.cmpi slt, %add3A_198, %sign3A_204 : i32
    %sign3A_206 = arith.extui %sign3A_205 : i1 to i32
    %sign3A_207 = arith.subi %sign3A_203, %sign3A_206 : i32
    %sign3A_208 = arith.constant 0 : i32
    %sign3A_209 = arith.cmpi sgt, %jit3A_199, %sign3A_208 : i32
    %sign3A_210 = arith.extui %sign3A_209 : i1 to i32
    %sign3A_211 = arith.constant 0 : i32
    %sign3A_212 = arith.cmpi slt, %jit3A_199, %sign3A_211 : i32
    %sign3A_213 = arith.extui %sign3A_212 : i1 to i32
    %sign3A_214 = arith.subi %sign3A_210, %sign3A_213 : i32
    %ne3A_215 = arith.cmpi ne, %sign3A_207, %sign3A_214 : i32
    %rem3A_216 = arith.remsi %add3A_198, %jit3A_199 : i32
    %ne3A_217 = arith.constant 0 : i32
    %ne3A_218 = arith.cmpi ne, %rem3A_216, %ne3A_217 : i32
    %and3A_219 = arith.andi %ne3A_215, %ne3A_218 : i1
    %sub3A_220 = arith.constant 1 : i32
    %sub3A_221 = arith.subi %div3A_200, %sub3A_220 : i32
    %select_n3A_222 = arith.select %and3A_219, %sub3A_221, %div3A_200 : i32
    %get3A_223 = arith.index_cast %select_n3A_222 : i32 to index
    %get3A_224 = arith.constant 0 : index
    %get3A_225 = tpu.vector_load %arg7[%get3A_223, %get3A_224] {strides = array<i32>} : memref<200x128xf32, #tpu.memory_space<vmem>>, vector<1x16xf32>,
    %get3A_226 = vector.shape_cast %get3A_225 : vector<1x16xf32> to vector<16xf32>
    %get3A_227 = arith.index_cast %select_n3A_222 : i32 to index
    %get3A_228 = arith.constant 16 : index
    %get3A_229 = tpu.vector_load %arg7[%get3A_227, %get3A_228] {strides = array<i32>} : memref<200x128xf32, #tpu.memory_space<vmem>>, vector<1x16xf32>,
    %get3A_230 = vector.shape_cast %get3A_229 : vector<1x16xf32> to vector<16xf32>
    %get3A_231 = arith.index_cast %select_n3A_222 : i32 to index
    %get3A_232 = arith.constant 32 : index
    %get3A_233 = tpu.vector_load %arg7[%get3A_231, %get3A_232] {strides = array<i32>} : memref<200x128xf32, #tpu.memory_space<vmem>>, vector<1x16xf32>,
    %get3A_234 = vector.shape_cast %get3A_233 : vector<1x16xf32> to vector<16xf32>
    %get3A_235 = arith.index_cast %select_n3A_222 : i32 to index
    %get3A_236 = arith.constant 48 : index
    %get3A_237 = tpu.vector_load %arg7[%get3A_235, %get3A_236] {strides = array<i32>} : memref<200x128xf32, #tpu.memory_space<vmem>>, vector<1x16xf32>,
    %get3A_238 = vector.shape_cast %get3A_237 : vector<1x16xf32> to vector<16xf32>
    %get3A_239 = arith.index_cast %select_n3A_222 : i32 to index
    %get3A_240 = arith.constant 64 : index
    %get3A_241 = tpu.vector_load %arg7[%get3A_239, %get3A_240] {strides = array<i32>} : memref<200x128xf32, #tpu.memory_space<vmem>>, vector<1x16xf32>,
    %get3A_242 = vector.shape_cast %get3A_241 : vector<1x16xf32> to vector<16xf32>
    %get3A_243 = arith.index_cast %select_n3A_222 : i32 to index
    %get3A_244 = arith.constant 80 : index
    %get3A_245 = tpu.vector_load %arg7[%get3A_243, %get3A_244] {strides = array<i32>} : memref<200x128xf32, #tpu.memory_space<vmem>>, vector<1x16xf32>,
    %get3A_246 = vector.shape_cast %get3A_245 : vector<1x16xf32> to vector<16xf32>
    %get3A_247 = arith.index_cast %select_n3A_222 : i32 to index
    %get3A_248 = arith.constant 96 : index
    %get3A_249 = tpu.vector_load %arg7[%get3A_247, %get3A_248] {strides = array<i32>} : memref<200x128xf32, #tpu.memory_space<vmem>>, vector<1x16xf32>,
    %get3A_250 = vector.shape_cast %get3A_249 : vector<1x16xf32> to vector<16xf32>
    %get3A_251 = arith.index_cast %select_n3A_222 : i32 to index
    %get3A_252 = arith.constant 112 : index
    %get3A_253 = tpu.vector_load %arg7[%get3A_251, %get3A_252] {strides = array<i32>} : memref<200x128xf32, #tpu.memory_space<vmem>>, vector<1x16xf32>,
    %get3A_254 = vector.shape_cast %get3A_253 : vector<1x16xf32> to vector<16xf32>
    %scan3A_255 = arith.constant 0 : i32
    %scan3A_256 = arith.constant 0 : i32
    %scan3A_257 = arith.constant 128 : i32
    %scan3A_258 = arith.addi %scan3A_256, %scan3A_257 : i32
    %scan3A_259 = arith.constant 4 : i32
    scf.for %scan3A_359 = %scan3A_256 to %scan3A_258 step %scan3A_259  : i32 {
      %swap3A = arith.index_cast %scan3A_359 : i32 to index
      %swap3A_360 = arith.constant 0 : index
      %swap3A_361 = tpu.vector_load %arg9[%swap3A, %swap3A_360] {strides = array<i32>} : memref<256x128xf32, #tpu.memory_space<vmem>>, vector<1x16xf32>,
      %swap3A_362 = vector.shape_cast %swap3A_361 : vector<1x16xf32> to vector<16xf32>
      %swap3A_363 = vector.shape_cast %get3A_226 : vector<16xf32> to vector<1x16xf32>
      tpu.vector_store %arg9[%swap3A, %swap3A_360], %swap3A_363 {add = true, strides = array<i32>} : memref<256x128xf32, #tpu.memory_space<vmem>>, vector<1x16xf32>,
      %swap3A_364 = arith.index_cast %scan3A_359 : i32 to index
      %swap3A_365 = arith.constant 16 : index
      %swap3A_366 = tpu.vector_load %arg9[%swap3A_364, %swap3A_365] {strides = array<i32>} : memref<256x128xf32, #tpu.memory_space<vmem>>, vector<1x16xf32>,
      %swap3A_367 = vector.shape_cast %swap3A_366 : vector<1x16xf32> to vector<16xf32>
      %swap3A_368 = vector.shape_cast %get3A_230 : vector<16xf32> to vector<1x16xf32>
      tpu.vector_store %arg9[%swap3A_364, %swap3A_365], %swap3A_368 {add = true, strides = array<i32>} : memref<256x128xf32, #tpu.memory_space<vmem>>, vector<1x16xf32>,
      %swap3A_369 = arith.index_cast %scan3A_359 : i32 to index
      %swap3A_370 = arith.constant 32 : index
      %swap3A_371 = tpu.vector_load %arg9[%swap3A_369, %swap3A_370] {strides = array<i32>} : memref<256x128xf32, #tpu.memory_space<vmem>>, vector<1x16xf32>,
      %swap3A_372 = vector.shape_cast %swap3A_371 : vector<1x16xf32> to vector<16xf32>
      %swap3A_373 = vector.shape_cast %get3A_234 : vector<16xf32> to vector<1x16xf32>
      tpu.vector_store %arg9[%swap3A_369, %swap3A_370], %swap3A_373 {add = true, strides = array<i32>} : memref<256x128xf32, #tpu.memory_space<vmem>>, vector<1x16xf32>,
      %swap3A_374 = arith.index_cast %scan3A_359 : i32 to index
      %swap3A_375 = arith.constant 48 : index
      %swap3A_376 = tpu.vector_load %arg9[%swap3A_374, %swap3A_375] {strides = array<i32>} : memref<256x128xf32, #tpu.memory_space<vmem>>, vector<1x16xf32>,
      %swap3A_377 = vector.shape_cast %swap3A_376 : vector<1x16xf32> to vector<16xf32>
      %swap3A_378 = vector.shape_cast %get3A_238 : vector<16xf32> to vector<1x16xf32>
      tpu.vector_store %arg9[%swap3A_374, %swap3A_375], %swap3A_378 {add = true, strides = array<i32>} : memref<256x128xf32, #tpu.memory_space<vmem>>, vector<1x16xf32>,
      %swap3A_379 = arith.index_cast %scan3A_359 : i32 to index
      %swap3A_380 = arith.constant 64 : index
      %swap3A_381 = tpu.vector_load %arg9[%swap3A_379, %swap3A_380] {strides = array<i32>} : memref<256x128xf32, #tpu.memory_space<vmem>>, vector<1x16xf32>,
      %swap3A_382 = vector.shape_cast %swap3A_381 : vector<1x16xf32> to vector<16xf32>
      %swap3A_383 = vector.shape_cast %get3A_242 : vector<16xf32> to vector<1x16xf32>
      tpu.vector_store %arg9[%swap3A_379, %swap3A_380], %swap3A_383 {add = true, strides = array<i32>} : memref<256x128xf32, #tpu.memory_space<vmem>>, vector<1x16xf32>,
      %swap3A_384 = arith.index_cast %scan3A_359 : i32 to index
      %swap3A_385 = arith.constant 80 : index
      %swap3A_386 = tpu.vector_load %arg9[%swap3A_384, %swap3A_385] {strides = array<i32>} : memref<256x128xf32, #tpu.memory_space<vmem>>, vector<1x16xf32>,
      %swap3A_387 = vector.shape_cast %swap3A_386 : vector<1x16xf32> to vector<16xf32>
      %swap3A_388 = vector.shape_cast %get3A_246 : vector<16xf32> to vector<1x16xf32>
      tpu.vector_store %arg9[%swap3A_384, %swap3A_385], %swap3A_388 {add = true, strides = array<i32>} : memref<256x128xf32, #tpu.memory_space<vmem>>, vector<1x16xf32>,
      %swap3A_389 = arith.index_cast %scan3A_359 : i32 to index
      %swap3A_390 = arith.constant 96 : index
      %swap3A_391 = tpu.vector_load %arg9[%swap3A_389, %swap3A_390] {strides = array<i32>} : memref<256x128xf32, #tpu.memory_space<vmem>>, vector<1x16xf32>,
      %swap3A_392 = vector.shape_cast %swap3A_391 : vector<1x16xf32> to vector<16xf32>
      %swap3A_393 = vector.shape_cast %get3A_250 : vector<16xf32> to vector<1x16xf32>
      tpu.vector_store %arg9[%swap3A_389, %swap3A_390], %swap3A_393 {add = true, strides = array<i32>} : memref<256x128xf32, #tpu.memory_space<vmem>>, vector<1x16xf32>,
      %swap3A_394 = arith.index_cast %scan3A_359 : i32 to index
      %swap3A_395 = arith.constant 112 : index
      %swap3A_396 = tpu.vector_load %arg9[%swap3A_394, %swap3A_395] {strides = array<i32>} : memref<256x128xf32, #tpu.memory_space<vmem>>, vector<1x16xf32>,
      %swap3A_397 = vector.shape_cast %swap3A_396 : vector<1x16xf32> to vector<16xf32>
      %swap3A_398 = vector.shape_cast %get3A_254 : vector<16xf32> to vector<1x16xf32>
      tpu.vector_store %arg9[%swap3A_394, %swap3A_395], %swap3A_398 {add = true, strides = array<i32>} : memref<256x128xf32, #tpu.memory_space<vmem>>, vector<1x16xf32>,
      %scan3A_399 = arith.constant 1 : i32
      %scan3A_400 = arith.addi %scan3A_359, %scan3A_399 : i32
      %swap3A_401 = arith.index_cast %scan3A_400 : i32 to index
      %swap3A_402 = arith.constant 0 : index
      %swap3A_403 = tpu.vector_load %arg9[%swap3A_401, %swap3A_402] {strides = array<i32>} : memref<256x128xf32, #tpu.memory_space<vmem>>, vector<1x16xf32>,
      %swap3A_404 = vector.shape_cast %swap3A_403 : vector<1x16xf32> to vector<16xf32>
      %swap3A_405 = vector.shape_cast %get3A_226 : vector<16xf32> to vector<1x16xf32>
      tpu.vector_store %arg9[%swap3A_401, %swap3A_402], %swap3A_405 {add = true, strides = array<i32>} : memref<256x128xf32, #tpu.memory_space<vmem>>, vector<1x16xf32>,
      %swap3A_406 = arith.index_cast %scan3A_400 : i32 to index
      %swap3A_407 = arith.constant 16 : index
      %swap3A_408 = tpu.vector_load %arg9[%swap3A_406, %swap3A_407] {strides = array<i32>} : memref<256x128xf32, #tpu.memory_space<vmem>>, vector<1x16xf32>,
      %swap3A_409 = vector.shape_cast %swap3A_408 : vector<1x16xf32> to vector<16xf32>
      %swap3A_410 = vector.shape_cast %get3A_230 : vector<16xf32> to vector<1x16xf32>
      tpu.vector_store %arg9[%swap3A_406, %swap3A_407], %swap3A_410 {add = true, strides = array<i32>} : memref<256x128xf32, #tpu.memory_space<vmem>>, vector<1x16xf32>,
      %swap3A_411 = arith.index_cast %scan3A_400 : i32 to index
      %swap3A_412 = arith.constant 32 : index
      %swap3A_413 = tpu.vector_load %arg9[%swap3A_411, %swap3A_412] {strides = array<i32>} : memref<256x128xf32, #tpu.memory_space<vmem>>, vector<1x16xf32>,
      %swap3A_414 = vector.shape_cast %swap3A_413 : vector<1x16xf32> to vector<16xf32>
      %swap3A_415 = vector.shape_cast %get3A_234 : vector<16xf32> to vector<1x16xf32>
      tpu.vector_store %arg9[%swap3A_411, %swap3A_412], %swap3A_415 {add = true, strides = array<i32>} : memref<256x128xf32, #tpu.memory_space<vmem>>, vector<1x16xf32>,
      %swap3A_416 = arith.index_cast %scan3A_400 : i32 to index
      %swap3A_417 = arith.constant 48 : index
      %swap3A_418 = tpu.vector_load %arg9[%swap3A_416, %swap3A_417] {strides = array<i32>} : memref<256x128xf32, #tpu.memory_space<vmem>>, vector<1x16xf32>,
      %swap3A_419 = vector.shape_cast %swap3A_418 : vector<1x16xf32> to vector<16xf32>
      %swap3A_420 = vector.shape_cast %get3A_238 : vector<16xf32> to vector<1x16xf32>
      tpu.vector_store %arg9[%swap3A_416, %swap3A_417], %swap3A_420 {add = true, strides = array<i32>} : memref<256x128xf32, #tpu.memory_space<vmem>>, vector<1x16xf32>,
      %swap3A_421 = arith.index_cast %scan3A_400 : i32 to index
      %swap3A_422 = arith.constant 64 : index
      %swap3A_423 = tpu.vector_load %arg9[%swap3A_421, %swap3A_422] {strides = array<i32>} : memref<256x128xf32, #tpu.memory_space<vmem>>, vector<1x16xf32>,
      %swap3A_424 = vector.shape_cast %swap3A_423 : vector<1x16xf32> to vector<16xf32>
      %swap3A_425 = vector.shape_cast %get3A_242 : vector<16xf32> to vector<1x16xf32>
      tpu.vector_store %arg9[%swap3A_421, %swap3A_422], %swap3A_425 {add = true, strides = array<i32>} : memref<256x128xf32, #tpu.memory_space<vmem>>, vector<1x16xf32>,
      %swap3A_426 = arith.index_cast %scan3A_400 : i32 to index
      %swap3A_427 = arith.constant 80 : index
      %swap3A_428 = tpu.vector_load %arg9[%swap3A_426, %swap3A_427] {strides = array<i32>} : memref<256x128xf32, #tpu.memory_space<vmem>>, vector<1x16xf32>,
      %swap3A_429 = vector.shape_cast %swap3A_428 : vector<1x16xf32> to vector<16xf32>
      %swap3A_430 = vector.shape_cast %get3A_246 : vector<16xf32> to vector<1x16xf32>
      tpu.vector_store %arg9[%swap3A_426, %swap3A_427], %swap3A_430 {add = true, strides = array<i32>} : memref<256x128xf32, #tpu.memory_space<vmem>>, vector<1x16xf32>,
      %swap3A_431 = arith.index_cast %scan3A_400 : i32 to index
      %swap3A_432 = arith.constant 96 : index
      %swap3A_433 = tpu.vector_load %arg9[%swap3A_431, %swap3A_432] {strides = array<i32>} : memref<256x128xf32, #tpu.memory_space<vmem>>, vector<1x16xf32>,
      %swap3A_434 = vector.shape_cast %swap3A_433 : vector<1x16xf32> to vector<16xf32>
      %swap3A_435 = vector.shape_cast %get3A_250 : vector<16xf32> to vector<1x16xf32>
      tpu.vector_store %arg9[%swap3A_431, %swap3A_432], %swap3A_435 {add = true, strides = array<i32>} : memref<256x128xf32, #tpu.memory_space<vmem>>, vector<1x16xf32>,
      %swap3A_436 = arith.index_cast %scan3A_400 : i32 to index
      %swap3A_437 = arith.constant 112 : index
      %swap3A_438 = tpu.vector_load %arg9[%swap3A_436, %swap3A_437] {strides = array<i32>} : memref<256x128xf32, #tpu.memory_space<vmem>>, vector<1x16xf32>,
      %swap3A_439 = vector.shape_cast %swap3A_438 : vector<1x16xf32> to vector<16xf32>
      %swap3A_440 = vector.shape_cast %get3A_254 : vector<16xf32> to vector<1x16xf32>
      tpu.vector_store %arg9[%swap3A_436, %swap3A_437], %swap3A_440 {add = true, strides = array<i32>} : memref<256x128xf32, #tpu.memory_space<vmem>>, vector<1x16xf32>,
      %scan3A_441 = arith.constant 2 : i32
      %scan3A_442 = arith.addi %scan3A_359, %scan3A_441 : i32
      %swap3A_443 = arith.index_cast %scan3A_442 : i32 to index
      %swap3A_444 = arith.constant 0 : index
      %swap3A_445 = tpu.vector_load %arg9[%swap3A_443, %swap3A_444] {strides = array<i32>} : memref<256x128xf32, #tpu.memory_space<vmem>>, vector<1x16xf32>,
      %swap3A_446 = vector.shape_cast %swap3A_445 : vector<1x16xf32> to vector<16xf32>
      %swap3A_447 = vector.shape_cast %get3A_226 : vector<16xf32> to vector<1x16xf32>
      tpu.vector_store %arg9[%swap3A_443, %swap3A_444], %swap3A_447 {add = true, strides = array<i32>} : memref<256x128xf32, #tpu.memory_space<vmem>>, vector<1x16xf32>,
      %swap3A_448 = arith.index_cast %scan3A_442 : i32 to index
      %swap3A_449 = arith.constant 16 : index
      %swap3A_450 = tpu.vector_load %arg9[%swap3A_448, %swap3A_449] {strides = array<i32>} : memref<256x128xf32, #tpu.memory_space<vmem>>, vector<1x16xf32>,
      %swap3A_451 = vector.shape_cast %swap3A_450 : vector<1x16xf32> to vector<16xf32>
      %swap3A_452 = vector.shape_cast %get3A_230 : vector<16xf32> to vector<1x16xf32>
      tpu.vector_store %arg9[%swap3A_448, %swap3A_449], %swap3A_452 {add = true, strides = array<i32>} : memref<256x128xf32, #tpu.memory_space<vmem>>, vector<1x16xf32>,
      %swap3A_453 = arith.index_cast %scan3A_442 : i32 to index
      %swap3A_454 = arith.constant 32 : index
      %swap3A_455 = tpu.vector_load %arg9[%swap3A_453, %swap3A_454] {strides = array<i32>} : memref<256x128xf32, #tpu.memory_space<vmem>>, vector<1x16xf32>,
      %swap3A_456 = vector.shape_cast %swap3A_455 : vector<1x16xf32> to vector<16xf32>
      %swap3A_457 = vector.shape_cast %get3A_234 : vector<16xf32> to vector<1x16xf32>
      tpu.vector_store %arg9[%swap3A_453, %swap3A_454], %swap3A_457 {add = true, strides = array<i32>} : memref<256x128xf32, #tpu.memory_space<vmem>>, vector<1x16xf32>,
      %swap3A_458 = arith.index_cast %scan3A_442 : i32 to index
      %swap3A_459 = arith.constant 48 : index
      %swap3A_460 = tpu.vector_load %arg9[%swap3A_458, %swap3A_459] {strides = array<i32>} : memref<256x128xf32, #tpu.memory_space<vmem>>, vector<1x16xf32>,
      %swap3A_461 = vector.shape_cast %swap3A_460 : vector<1x16xf32> to vector<16xf32>
      %swap3A_462 = vector.shape_cast %get3A_238 : vector<16xf32> to vector<1x16xf32>
      tpu.vector_store %arg9[%swap3A_458, %swap3A_459], %swap3A_462 {add = true, strides = array<i32>} : memref<256x128xf32, #tpu.memory_space<vmem>>, vector<1x16xf32>,
      %swap3A_463 = arith.index_cast %scan3A_442 : i32 to index
      %swap3A_464 = arith.constant 64 : index
      %swap3A_465 = tpu.vector_load %arg9[%swap3A_463, %swap3A_464] {strides = array<i32>} : memref<256x128xf32, #tpu.memory_space<vmem>>, vector<1x16xf32>,
      %swap3A_466 = vector.shape_cast %swap3A_465 : vector<1x16xf32> to vector<16xf32>
      %swap3A_467 = vector.shape_cast %get3A_242 : vector<16xf32> to vector<1x16xf32>
      tpu.vector_store %arg9[%swap3A_463, %swap3A_464], %swap3A_467 {add = true, strides = array<i32>} : memref<256x128xf32, #tpu.memory_space<vmem>>, vector<1x16xf32>,
      %swap3A_468 = arith.index_cast %scan3A_442 : i32 to index
      %swap3A_469 = arith.constant 80 : index
      %swap3A_470 = tpu.vector_load %arg9[%swap3A_468, %swap3A_469] {strides = array<i32>} : memref<256x128xf32, #tpu.memory_space<vmem>>, vector<1x16xf32>,
      %swap3A_471 = vector.shape_cast %swap3A_470 : vector<1x16xf32> to vector<16xf32>
      %swap3A_472 = vector.shape_cast %get3A_246 : vector<16xf32> to vector<1x16xf32>
      tpu.vector_store %arg9[%swap3A_468, %swap3A_469], %swap3A_472 {add = true, strides = array<i32>} : memref<256x128xf32, #tpu.memory_space<vmem>>, vector<1x16xf32>,
      %swap3A_473 = arith.index_cast %scan3A_442 : i32 to index
      %swap3A_474 = arith.constant 96 : index
      %swap3A_475 = tpu.vector_load %arg9[%swap3A_473, %swap3A_474] {strides = array<i32>} : memref<256x128xf32, #tpu.memory_space<vmem>>, vector<1x16xf32>,
      %swap3A_476 = vector.shape_cast %swap3A_475 : vector<1x16xf32> to vector<16xf32>
      %swap3A_477 = vector.shape_cast %get3A_250 : vector<16xf32> to vector<1x16xf32>
      tpu.vector_store %arg9[%swap3A_473, %swap3A_474], %swap3A_477 {add = true, strides = array<i32>} : memref<256x128xf32, #tpu.memory_space<vmem>>, vector<1x16xf32>,
      %swap3A_478 = arith.index_cast %scan3A_442 : i32 to index
      %swap3A_479 = arith.constant 112 : index
      %swap3A_480 = tpu.vector_load %arg9[%swap3A_478, %swap3A_479] {strides = array<i32>} : memref<256x128xf32, #tpu.memory_space<vmem>>, vector<1x16xf32>,
      %swap3A_481 = vector.shape_cast %swap3A_480 : vector<1x16xf32> to vector<16xf32>
      %swap3A_482 = vector.shape_cast %get3A_254 : vector<16xf32> to vector<1x16xf32>
      tpu.vector_store %arg9[%swap3A_478, %swap3A_479], %swap3A_482 {add = true, strides = array<i32>} : memref<256x128xf32, #tpu.memory_space<vmem>>, vector<1x16xf32>,
      %scan3A_483 = arith.constant 3 : i32
      %scan3A_484 = arith.addi %scan3A_359, %scan3A_483 : i32
      %swap3A_485 = arith.index_cast %scan3A_484 : i32 to index
      %swap3A_486 = arith.constant 0 : index
      %swap3A_487 = tpu.vector_load %arg9[%swap3A_485, %swap3A_486] {strides = array<i32>} : memref<256x128xf32, #tpu.memory_space<vmem>>, vector<1x16xf32>,
      %swap3A_488 = vector.shape_cast %swap3A_487 : vector<1x16xf32> to vector<16xf32>
      %swap3A_489 = vector.shape_cast %get3A_226 : vector<16xf32> to vector<1x16xf32>
      tpu.vector_store %arg9[%swap3A_485, %swap3A_486], %swap3A_489 {add = true, strides = array<i32>} : memref<256x128xf32, #tpu.memory_space<vmem>>, vector<1x16xf32>,
      %swap3A_490 = arith.index_cast %scan3A_484 : i32 to index
      %swap3A_491 = arith.constant 16 : index
      %swap3A_492 = tpu.vector_load %arg9[%swap3A_490, %swap3A_491] {strides = array<i32>} : memref<256x128xf32, #tpu.memory_space<vmem>>, vector<1x16xf32>,
      %swap3A_493 = vector.shape_cast %swap3A_492 : vector<1x16xf32> to vector<16xf32>
      %swap3A_494 = vector.shape_cast %get3A_230 : vector<16xf32> to vector<1x16xf32>
      tpu.vector_store %arg9[%swap3A_490, %swap3A_491], %swap3A_494 {add = true, strides = array<i32>} : memref<256x128xf32, #tpu.memory_space<vmem>>, vector<1x16xf32>,
      %swap3A_495 = arith.index_cast %scan3A_484 : i32 to index
      %swap3A_496 = arith.constant 32 : index
      %swap3A_497 = tpu.vector_load %arg9[%swap3A_495, %swap3A_496] {strides = array<i32>} : memref<256x128xf32, #tpu.memory_space<vmem>>, vector<1x16xf32>,
      %swap3A_498 = vector.shape_cast %swap3A_497 : vector<1x16xf32> to vector<16xf32>
      %swap3A_499 = vector.shape_cast %get3A_234 : vector<16xf32> to vector<1x16xf32>
      tpu.vector_store %arg9[%swap3A_495, %swap3A_496], %swap3A_499 {add = true, strides = array<i32>} : memref<256x128xf32, #tpu.memory_space<vmem>>, vector<1x16xf32>,
      %swap3A_500 = arith.index_cast %scan3A_484 : i32 to index
      %swap3A_501 = arith.constant 48 : index
      %swap3A_502 = tpu.vector_load %arg9[%swap3A_500, %swap3A_501] {strides = array<i32>} : memref<256x128xf32, #tpu.memory_space<vmem>>, vector<1x16xf32>,
      %swap3A_503 = vector.shape_cast %swap3A_502 : vector<1x16xf32> to vector<16xf32>
      %swap3A_504 = vector.shape_cast %get3A_238 : vector<16xf32> to vector<1x16xf32>
      tpu.vector_store %arg9[%swap3A_500, %swap3A_501], %swap3A_504 {add = true, strides = array<i32>} : memref<256x128xf32, #tpu.memory_space<vmem>>, vector<1x16xf32>,
      %swap3A_505 = arith.index_cast %scan3A_484 : i32 to index
      %swap3A_506 = arith.constant 64 : index
      %swap3A_507 = tpu.vector_load %arg9[%swap3A_505, %swap3A_506] {strides = array<i32>} : memref<256x128xf32, #tpu.memory_space<vmem>>, vector<1x16xf32>,
      %swap3A_508 = vector.shape_cast %swap3A_507 : vector<1x16xf32> to vector<16xf32>
      %swap3A_509 = vector.shape_cast %get3A_242 : vector<16xf32> to vector<1x16xf32>
      tpu.vector_store %arg9[%swap3A_505, %swap3A_506], %swap3A_509 {add = true, strides = array<i32>} : memref<256x128xf32, #tpu.memory_space<vmem>>, vector<1x16xf32>,
      %swap3A_510 = arith.index_cast %scan3A_484 : i32 to index
      %swap3A_511 = arith.constant 80 : index
      %swap3A_512 = tpu.vector_load %arg9[%swap3A_510, %swap3A_511] {strides = array<i32>} : memref<256x128xf32, #tpu.memory_space<vmem>>, vector<1x16xf32>,
      %swap3A_513 = vector.shape_cast %swap3A_512 : vector<1x16xf32> to vector<16xf32>
      %swap3A_514 = vector.shape_cast %get3A_246 : vector<16xf32> to vector<1x16xf32>
      tpu.vector_store %arg9[%swap3A_510, %swap3A_511], %swap3A_514 {add = true, strides = array<i32>} : memref<256x128xf32, #tpu.memory_space<vmem>>, vector<1x16xf32>,
      %swap3A_515 = arith.index_cast %scan3A_484 : i32 to index
      %swap3A_516 = arith.constant 96 : index
      %swap3A_517 = tpu.vector_load %arg9[%swap3A_515, %swap3A_516] {strides = array<i32>} : memref<256x128xf32, #tpu.memory_space<vmem>>, vector<1x16xf32>,
      %swap3A_518 = vector.shape_cast %swap3A_517 : vector<1x16xf32> to vector<16xf32>
      %swap3A_519 = vector.shape_cast %get3A_250 : vector<16xf32> to vector<1x16xf32>
      tpu.vector_store %arg9[%swap3A_515, %swap3A_516], %swap3A_519 {add = true, strides = array<i32>} : memref<256x128xf32, #tpu.memory_space<vmem>>, vector<1x16xf32>,
      %swap3A_520 = arith.index_cast %scan3A_484 : i32 to index
      %swap3A_521 = arith.constant 112 : index
      %swap3A_522 = tpu.vector_load %arg9[%swap3A_520, %swap3A_521] {strides = array<i32>} : memref<256x128xf32, #tpu.memory_space<vmem>>, vector<1x16xf32>,
      %swap3A_523 = vector.shape_cast %swap3A_522 : vector<1x16xf32> to vector<16xf32>
      %swap3A_524 = vector.shape_cast %get3A_254 : vector<16xf32> to vector<1x16xf32>
      tpu.vector_store %arg9[%swap3A_520, %swap3A_521], %swap3A_524 {add = true, strides = array<i32>} : memref<256x128xf32, #tpu.memory_space<vmem>>, vector<1x16xf32>,
    }
    %scan3A_260 = arith.constant 128 : i32
    %dma_wait3A_261 = arith.constant 3 : i32
    %dma_wait3A_262 = arith.constant 128 : i32
    %dma_wait3A_263 = arith.constant 0 : i32
    %dma_wait3A_264 = tpu.memref_slice %arg9[%dma_wait3A_262, %dma_wait3A_263] : memref<256x128xf32, #tpu.memory_space<vmem>> -> memref<128x128xf32, #tpu.memory_space<vmem>>
    %dma_wait3A_265 = arith.constant 0 : i32
    %dma_wait3A_266 = tpu.memref_slice %arg6[%dma_wait3A_261, %dma_wait3A_265] : memref<200x128xi32, #tpu.memory_space<vmem>> -> memref<1x128xi32, #tpu.memory_space<vmem>>
    %dma_wait3A_267 = tpu.memref_squeeze %dma_wait3A_266 : memref<1x128xi32, #tpu.memory_space<vmem>> -> memref<128xi32, #tpu.memory_space<vmem>>
    %dma_wait3A_268 = arith.constant 0 : i32
    %dma_wait3A_269 = arith.constant 0 : i32
    %dma_wait3A_270 = tpu.memref_slice %arg3[%dma_wait3A_268, %dma_wait3A_269] : memref<100000x128xf32, #tpu.memory_space<hbm>> -> memref<100000x128xf32, #tpu.memory_space<hbm>>
    tpu.wait_indirect_dma semaphore(%arg13 : memref<!tpu.dma_semaphore, #tpu.memory_space<semaphore_mem>>) src(%dma_wait3A_270 : memref<100000x128xf32, #tpu.memory_space<hbm>>) dst(%dma_wait3A_264 : memref<128x128xf32, #tpu.memory_space<vmem>>)
    %add3A_271 = arith.constant 256 : i32
    %add3A_272 = arith.addi %mul3A_2, %add3A_271 : i32
    %jit3A_273 = arith.constant 4096 : i32
    %div3A_274 = arith.divsi %add3A_272, %jit3A_273 : i32
    %sign3A_275 = arith.constant 0 : i32
    %sign3A_276 = arith.cmpi sgt, %add3A_272, %sign3A_275 : i32
    %sign3A_277 = arith.extui %sign3A_276 : i1 to i32
    %sign3A_278 = arith.constant 0 : i32
    %sign3A_279 = arith.cmpi slt, %add3A_272, %sign3A_278 : i32
    %sign3A_280 = arith.extui %sign3A_279 : i1 to i32
    %sign3A_281 = arith.subi %sign3A_277, %sign3A_280 : i32
    %sign3A_282 = arith.constant 0 : i32
    %sign3A_283 = arith.cmpi sgt, %jit3A_273, %sign3A_282 : i32
    %sign3A_284 = arith.extui %sign3A_283 : i1 to i32
    %sign3A_285 = arith.constant 0 : i32
    %sign3A_286 = arith.cmpi slt, %jit3A_273, %sign3A_285 : i32
    %sign3A_287 = arith.extui %sign3A_286 : i1 to i32
    %sign3A_288 = arith.subi %sign3A_284, %sign3A_287 : i32
    %ne3A_289 = arith.cmpi ne, %sign3A_281, %sign3A_288 : i32
    %rem3A_290 = arith.remsi %add3A_272, %jit3A_273 : i32
    %ne3A_291 = arith.constant 0 : i32
    %ne3A_292 = arith.cmpi ne, %rem3A_290, %ne3A_291 : i32
    %and3A_293 = arith.andi %ne3A_289, %ne3A_292 : i1
    %sub3A_294 = arith.constant 1 : i32
    %sub3A_295 = arith.subi %div3A_274, %sub3A_294 : i32
    %select_n3A_296 = arith.select %and3A_293, %sub3A_295, %div3A_274 : i32
    %get3A_297 = arith.index_cast %select_n3A_296 : i32 to index
    %get3A_298 = arith.constant 0 : index
    %get3A_299 = tpu.vector_load %arg7[%get3A_297, %get3A_298] {strides = array<i32>} : memref<200x128xf32, #tpu.memory_space<vmem>>, vector<1x16xf32>,
    %get3A_300 = vector.shape_cast %get3A_299 : vector<1x16xf32> to vector<16xf32>
    %get3A_301 = arith.index_cast %select_n3A_296 : i32 to index
    %get3A_302 = arith.constant 16 : index
    %get3A_303 = tpu.vector_load %arg7[%get3A_301, %get3A_302] {strides = array<i32>} : memref<200x128xf32, #tpu.memory_space<vmem>>, vector<1x16xf32>,
    %get3A_304 = vector.shape_cast %get3A_303 : vector<1x16xf32> to vector<16xf32>
    %get3A_305 = arith.index_cast %select_n3A_296 : i32 to index
    %get3A_306 = arith.constant 32 : index
    %get3A_307 = tpu.vector_load %arg7[%get3A_305, %get3A_306] {strides = array<i32>} : memref<200x128xf32, #tpu.memory_space<vmem>>, vector<1x16xf32>,
    %get3A_308 = vector.shape_cast %get3A_307 : vector<1x16xf32> to vector<16xf32>
    %get3A_309 = arith.index_cast %select_n3A_296 : i32 to index
    %get3A_310 = arith.constant 48 : index
    %get3A_311 = tpu.vector_load %arg7[%get3A_309, %get3A_310] {strides = array<i32>} : memref<200x128xf32, #tpu.memory_space<vmem>>, vector<1x16xf32>,
    %get3A_312 = vector.shape_cast %get3A_311 : vector<1x16xf32> to vector<16xf32>
    %get3A_313 = arith.index_cast %select_n3A_296 : i32 to index
    %get3A_314 = arith.constant 64 : index
    %get3A_315 = tpu.vector_load %arg7[%get3A_313, %get3A_314] {strides = array<i32>} : memref<200x128xf32, #tpu.memory_space<vmem>>, vector<1x16xf32>,
    %get3A_316 = vector.shape_cast %get3A_315 : vector<1x16xf32> to vector<16xf32>
    %get3A_317 = arith.index_cast %select_n3A_296 : i32 to index
    %get3A_318 = arith.constant 80 : index
    %get3A_319 = tpu.vector_load %arg7[%get3A_317, %get3A_318] {strides = array<i32>} : memref<200x128xf32, #tpu.memory_space<vmem>>, vector<1x16xf32>,
    %get3A_320 = vector.shape_cast %get3A_319 : vector<1x16xf32> to vector<16xf32>
    %get3A_321 = arith.index_cast %select_n3A_296 : i32 to index
    %get3A_322 = arith.constant 96 : index
    %get3A_323 = tpu.vector_load %arg7[%get3A_321, %get3A_322] {strides = array<i32>} : memref<200x128xf32, #tpu.memory_space<vmem>>, vector<1x16xf32>,
    %get3A_324 = vector.shape_cast %get3A_323 : vector<1x16xf32> to vector<16xf32>
    %get3A_325 = arith.index_cast %select_n3A_296 : i32 to index
    %get3A_326 = arith.constant 112 : index
    %get3A_327 = tpu.vector_load %arg7[%get3A_325, %get3A_326] {strides = array<i32>} : memref<200x128xf32, #tpu.memory_space<vmem>>, vector<1x16xf32>,
    %get3A_328 = vector.shape_cast %get3A_327 : vector<1x16xf32> to vector<16xf32>
    %scan3A_329 = arith.constant 0 : i32
    %scan3A_330 = arith.constant 128 : i32
    %scan3A_331 = arith.constant 128 : i32
    %scan3A_332 = arith.addi %scan3A_330, %scan3A_331 : i32
    %scan3A_333 = arith.constant 4 : i32
    scf.for %scan3A_359 = %scan3A_330 to %scan3A_332 step %scan3A_333  : i32 {
      %swap3A = arith.index_cast %scan3A_359 : i32 to index
      %swap3A_360 = arith.constant 0 : index
      %swap3A_361 = tpu.vector_load %arg9[%swap3A, %swap3A_360] {strides = array<i32>} : memref<256x128xf32, #tpu.memory_space<vmem>>, vector<1x16xf32>,
      %swap3A_362 = vector.shape_cast %swap3A_361 : vector<1x16xf32> to vector<16xf32>
      %swap3A_363 = vector.shape_cast %get3A_300 : vector<16xf32> to vector<1x16xf32>
      tpu.vector_store %arg9[%swap3A, %swap3A_360], %swap3A_363 {add = true, strides = array<i32>} : memref<256x128xf32, #tpu.memory_space<vmem>>, vector<1x16xf32>,
      %swap3A_364 = arith.index_cast %scan3A_359 : i32 to index
      %swap3A_365 = arith.constant 16 : index
      %swap3A_366 = tpu.vector_load %arg9[%swap3A_364, %swap3A_365] {strides = array<i32>} : memref<256x128xf32, #tpu.memory_space<vmem>>, vector<1x16xf32>,
      %swap3A_367 = vector.shape_cast %swap3A_366 : vector<1x16xf32> to vector<16xf32>
      %swap3A_368 = vector.shape_cast %get3A_304 : vector<16xf32> to vector<1x16xf32>
      tpu.vector_store %arg9[%swap3A_364, %swap3A_365], %swap3A_368 {add = true, strides = array<i32>} : memref<256x128xf32, #tpu.memory_space<vmem>>, vector<1x16xf32>,
      %swap3A_369 = arith.index_cast %scan3A_359 : i32 to index
      %swap3A_370 = arith.constant 32 : index
      %swap3A_371 = tpu.vector_load %arg9[%swap3A_369, %swap3A_370] {strides = array<i32>} : memref<256x128xf32, #tpu.memory_space<vmem>>, vector<1x16xf32>,
      %swap3A_372 = vector.shape_cast %swap3A_371 : vector<1x16xf32> to vector<16xf32>
      %swap3A_373 = vector.shape_cast %get3A_308 : vector<16xf32> to vector<1x16xf32>
      tpu.vector_store %arg9[%swap3A_369, %swap3A_370], %swap3A_373 {add = true, strides = array<i32>} : memref<256x128xf32, #tpu.memory_space<vmem>>, vector<1x16xf32>,
      %swap3A_374 = arith.index_cast %scan3A_359 : i32 to index
      %swap3A_375 = arith.constant 48 : index
      %swap3A_376 = tpu.vector_load %arg9[%swap3A_374, %swap3A_375] {strides = array<i32>} : memref<256x128xf32, #tpu.memory_space<vmem>>, vector<1x16xf32>,
      %swap3A_377 = vector.shape_cast %swap3A_376 : vector<1x16xf32> to vector<16xf32>
      %swap3A_378 = vector.shape_cast %get3A_312 : vector<16xf32> to vector<1x16xf32>
      tpu.vector_store %arg9[%swap3A_374, %swap3A_375], %swap3A_378 {add = true, strides = array<i32>} : memref<256x128xf32, #tpu.memory_space<vmem>>, vector<1x16xf32>,
      %swap3A_379 = arith.index_cast %scan3A_359 : i32 to index
      %swap3A_380 = arith.constant 64 : index
      %swap3A_381 = tpu.vector_load %arg9[%swap3A_379, %swap3A_380] {strides = array<i32>} : memref<256x128xf32, #tpu.memory_space<vmem>>, vector<1x16xf32>,
      %swap3A_382 = vector.shape_cast %swap3A_381 : vector<1x16xf32> to vector<16xf32>
      %swap3A_383 = vector.shape_cast %get3A_316 : vector<16xf32> to vector<1x16xf32>
      tpu.vector_store %arg9[%swap3A_379, %swap3A_380], %swap3A_383 {add = true, strides = array<i32>} : memref<256x128xf32, #tpu.memory_space<vmem>>, vector<1x16xf32>,
      %swap3A_384 = arith.index_cast %scan3A_359 : i32 to index
      %swap3A_385 = arith.constant 80 : index
      %swap3A_386 = tpu.vector_load %arg9[%swap3A_384, %swap3A_385] {strides = array<i32>} : memref<256x128xf32, #tpu.memory_space<vmem>>, vector<1x16xf32>,
      %swap3A_387 = vector.shape_cast %swap3A_386 : vector<1x16xf32> to vector<16xf32>
      %swap3A_388 = vector.shape_cast %get3A_320 : vector<16xf32> to vector<1x16xf32>
      tpu.vector_store %arg9[%swap3A_384, %swap3A_385], %swap3A_388 {add = true, strides = array<i32>} : memref<256x128xf32, #tpu.memory_space<vmem>>, vector<1x16xf32>,
      %swap3A_389 = arith.index_cast %scan3A_359 : i32 to index
      %swap3A_390 = arith.constant 96 : index
      %swap3A_391 = tpu.vector_load %arg9[%swap3A_389, %swap3A_390] {strides = array<i32>} : memref<256x128xf32, #tpu.memory_space<vmem>>, vector<1x16xf32>,
      %swap3A_392 = vector.shape_cast %swap3A_391 : vector<1x16xf32> to vector<16xf32>
      %swap3A_393 = vector.shape_cast %get3A_324 : vector<16xf32> to vector<1x16xf32>
      tpu.vector_store %arg9[%swap3A_389, %swap3A_390], %swap3A_393 {add = true, strides = array<i32>} : memref<256x128xf32, #tpu.memory_space<vmem>>, vector<1x16xf32>,
      %swap3A_394 = arith.index_cast %scan3A_359 : i32 to index
      %swap3A_395 = arith.constant 112 : index
      %swap3A_396 = tpu.vector_load %arg9[%swap3A_394, %swap3A_395] {strides = array<i32>} : memref<256x128xf32, #tpu.memory_space<vmem>>, vector<1x16xf32>,
      %swap3A_397 = vector.shape_cast %swap3A_396 : vector<1x16xf32> to vector<16xf32>
      %swap3A_398 = vector.shape_cast %get3A_328 : vector<16xf32> to vector<1x16xf32>
      tpu.vector_store %arg9[%swap3A_394, %swap3A_395], %swap3A_398 {add = true, strides = array<i32>} : memref<256x128xf32, #tpu.memory_space<vmem>>, vector<1x16xf32>,
      %scan3A_399 = arith.constant 1 : i32
      %scan3A_400 = arith.addi %scan3A_359, %scan3A_399 : i32
      %swap3A_401 = arith.index_cast %scan3A_400 : i32 to index
      %swap3A_402 = arith.constant 0 : index
      %swap3A_403 = tpu.vector_load %arg9[%swap3A_401, %swap3A_402] {strides = array<i32>} : memref<256x128xf32, #tpu.memory_space<vmem>>, vector<1x16xf32>,
      %swap3A_404 = vector.shape_cast %swap3A_403 : vector<1x16xf32> to vector<16xf32>
      %swap3A_405 = vector.shape_cast %get3A_300 : vector<16xf32> to vector<1x16xf32>
      tpu.vector_store %arg9[%swap3A_401, %swap3A_402], %swap3A_405 {add = true, strides = array<i32>} : memref<256x128xf32, #tpu.memory_space<vmem>>, vector<1x16xf32>,
      %swap3A_406 = arith.index_cast %scan3A_400 : i32 to index
      %swap3A_407 = arith.constant 16 : index
      %swap3A_408 = tpu.vector_load %arg9[%swap3A_406, %swap3A_407] {strides = array<i32>} : memref<256x128xf32, #tpu.memory_space<vmem>>, vector<1x16xf32>,
      %swap3A_409 = vector.shape_cast %swap3A_408 : vector<1x16xf32> to vector<16xf32>
      %swap3A_410 = vector.shape_cast %get3A_304 : vector<16xf32> to vector<1x16xf32>
      tpu.vector_store %arg9[%swap3A_406, %swap3A_407], %swap3A_410 {add = true, strides = array<i32>} : memref<256x128xf32, #tpu.memory_space<vmem>>, vector<1x16xf32>,
      %swap3A_411 = arith.index_cast %scan3A_400 : i32 to index
      %swap3A_412 = arith.constant 32 : index
      %swap3A_413 = tpu.vector_load %arg9[%swap3A_411, %swap3A_412] {strides = array<i32>} : memref<256x128xf32, #tpu.memory_space<vmem>>, vector<1x16xf32>,
      %swap3A_414 = vector.shape_cast %swap3A_413 : vector<1x16xf32> to vector<16xf32>
      %swap3A_415 = vector.shape_cast %get3A_308 : vector<16xf32> to vector<1x16xf32>
      tpu.vector_store %arg9[%swap3A_411, %swap3A_412], %swap3A_415 {add = true, strides = array<i32>} : memref<256x128xf32, #tpu.memory_space<vmem>>, vector<1x16xf32>,
      %swap3A_416 = arith.index_cast %scan3A_400 : i32 to index
      %swap3A_417 = arith.constant 48 : index
      %swap3A_418 = tpu.vector_load %arg9[%swap3A_416, %swap3A_417] {strides = array<i32>} : memref<256x128xf32, #tpu.memory_space<vmem>>, vector<1x16xf32>,
      %swap3A_419 = vector.shape_cast %swap3A_418 : vector<1x16xf32> to vector<16xf32>
      %swap3A_420 = vector.shape_cast %get3A_312 : vector<16xf32> to vector<1x16xf32>
      tpu.vector_store %arg9[%swap3A_416, %swap3A_417], %swap3A_420 {add = true, strides = array<i32>} : memref<256x128xf32, #tpu.memory_space<vmem>>, vector<1x16xf32>,
      %swap3A_421 = arith.index_cast %scan3A_400 : i32 to index
      %swap3A_422 = arith.constant 64 : index
      %swap3A_423 = tpu.vector_load %arg9[%swap3A_421, %swap3A_422] {strides = array<i32>} : memref<256x128xf32, #tpu.memory_space<vmem>>, vector<1x16xf32>,
      %swap3A_424 = vector.shape_cast %swap3A_423 : vector<1x16xf32> to vector<16xf32>
      %swap3A_425 = vector.shape_cast %get3A_316 : vector<16xf32> to vector<1x16xf32>
      tpu.vector_store %arg9[%swap3A_421, %swap3A_422], %swap3A_425 {add = true, strides = array<i32>} : memref<256x128xf32, #tpu.memory_space<vmem>>, vector<1x16xf32>,
      %swap3A_426 = arith.index_cast %scan3A_400 : i32 to index
      %swap3A_427 = arith.constant 80 : index
      %swap3A_428 = tpu.vector_load %arg9[%swap3A_426, %swap3A_427] {strides = array<i32>} : memref<256x128xf32, #tpu.memory_space<vmem>>, vector<1x16xf32>,
      %swap3A_429 = vector.shape_cast %swap3A_428 : vector<1x16xf32> to vector<16xf32>
      %swap3A_430 = vector.shape_cast %get3A_320 : vector<16xf32> to vector<1x16xf32>
      tpu.vector_store %arg9[%swap3A_426, %swap3A_427], %swap3A_430 {add = true, strides = array<i32>} : memref<256x128xf32, #tpu.memory_space<vmem>>, vector<1x16xf32>,
      %swap3A_431 = arith.index_cast %scan3A_400 : i32 to index
      %swap3A_432 = arith.constant 96 : index
      %swap3A_433 = tpu.vector_load %arg9[%swap3A_431, %swap3A_432] {strides = array<i32>} : memref<256x128xf32, #tpu.memory_space<vmem>>, vector<1x16xf32>,
      %swap3A_434 = vector.shape_cast %swap3A_433 : vector<1x16xf32> to vector<16xf32>
      %swap3A_435 = vector.shape_cast %get3A_324 : vector<16xf32> to vector<1x16xf32>
      tpu.vector_store %arg9[%swap3A_431, %swap3A_432], %swap3A_435 {add = true, strides = array<i32>} : memref<256x128xf32, #tpu.memory_space<vmem>>, vector<1x16xf32>,
      %swap3A_436 = arith.index_cast %scan3A_400 : i32 to index
      %swap3A_437 = arith.constant 112 : index
      %swap3A_438 = tpu.vector_load %arg9[%swap3A_436, %swap3A_437] {strides = array<i32>} : memref<256x128xf32, #tpu.memory_space<vmem>>, vector<1x16xf32>,
      %swap3A_439 = vector.shape_cast %swap3A_438 : vector<1x16xf32> to vector<16xf32>
      %swap3A_440 = vector.shape_cast %get3A_328 : vector<16xf32> to vector<1x16xf32>
      tpu.vector_store %arg9[%swap3A_436, %swap3A_437], %swap3A_440 {add = true, strides = array<i32>} : memref<256x128xf32, #tpu.memory_space<vmem>>, vector<1x16xf32>,
      %scan3A_441 = arith.constant 2 : i32
      %scan3A_442 = arith.addi %scan3A_359, %scan3A_441 : i32
      %swap3A_443 = arith.index_cast %scan3A_442 : i32 to index
      %swap3A_444 = arith.constant 0 : index
      %swap3A_445 = tpu.vector_load %arg9[%swap3A_443, %swap3A_444] {strides = array<i32>} : memref<256x128xf32, #tpu.memory_space<vmem>>, vector<1x16xf32>,
      %swap3A_446 = vector.shape_cast %swap3A_445 : vector<1x16xf32> to vector<16xf32>
      %swap3A_447 = vector.shape_cast %get3A_300 : vector<16xf32> to vector<1x16xf32>
      tpu.vector_store %arg9[%swap3A_443, %swap3A_444], %swap3A_447 {add = true, strides = array<i32>} : memref<256x128xf32, #tpu.memory_space<vmem>>, vector<1x16xf32>,
      %swap3A_448 = arith.index_cast %scan3A_442 : i32 to index
      %swap3A_449 = arith.constant 16 : index
      %swap3A_450 = tpu.vector_load %arg9[%swap3A_448, %swap3A_449] {strides = array<i32>} : memref<256x128xf32, #tpu.memory_space<vmem>>, vector<1x16xf32>,
      %swap3A_451 = vector.shape_cast %swap3A_450 : vector<1x16xf32> to vector<16xf32>
      %swap3A_452 = vector.shape_cast %get3A_304 : vector<16xf32> to vector<1x16xf32>
      tpu.vector_store %arg9[%swap3A_448, %swap3A_449], %swap3A_452 {add = true, strides = array<i32>} : memref<256x128xf32, #tpu.memory_space<vmem>>, vector<1x16xf32>,
      %swap3A_453 = arith.index_cast %scan3A_442 : i32 to index
      %swap3A_454 = arith.constant 32 : index
      %swap3A_455 = tpu.vector_load %arg9[%swap3A_453, %swap3A_454] {strides = array<i32>} : memref<256x128xf32, #tpu.memory_space<vmem>>, vector<1x16xf32>,
      %swap3A_456 = vector.shape_cast %swap3A_455 : vector<1x16xf32> to vector<16xf32>
      %swap3A_457 = vector.shape_cast %get3A_308 : vector<16xf32> to vector<1x16xf32>
      tpu.vector_store %arg9[%swap3A_453, %swap3A_454], %swap3A_457 {add = true, strides = array<i32>} : memref<256x128xf32, #tpu.memory_space<vmem>>, vector<1x16xf32>,
      %swap3A_458 = arith.index_cast %scan3A_442 : i32 to index
      %swap3A_459 = arith.constant 48 : index
      %swap3A_460 = tpu.vector_load %arg9[%swap3A_458, %swap3A_459] {strides = array<i32>} : memref<256x128xf32, #tpu.memory_space<vmem>>, vector<1x16xf32>,
      %swap3A_461 = vector.shape_cast %swap3A_460 : vector<1x16xf32> to vector<16xf32>
      %swap3A_462 = vector.shape_cast %get3A_312 : vector<16xf32> to vector<1x16xf32>
      tpu.vector_store %arg9[%swap3A_458, %swap3A_459], %swap3A_462 {add = true, strides = array<i32>} : memref<256x128xf32, #tpu.memory_space<vmem>>, vector<1x16xf32>,
      %swap3A_463 = arith.index_cast %scan3A_442 : i32 to index
      %swap3A_464 = arith.constant 64 : index
      %swap3A_465 = tpu.vector_load %arg9[%swap3A_463, %swap3A_464] {strides = array<i32>} : memref<256x128xf32, #tpu.memory_space<vmem>>, vector<1x16xf32>,
      %swap3A_466 = vector.shape_cast %swap3A_465 : vector<1x16xf32> to vector<16xf32>
      %swap3A_467 = vector.shape_cast %get3A_316 : vector<16xf32> to vector<1x16xf32>
      tpu.vector_store %arg9[%swap3A_463, %swap3A_464], %swap3A_467 {add = true, strides = array<i32>} : memref<256x128xf32, #tpu.memory_space<vmem>>, vector<1x16xf32>,
      %swap3A_468 = arith.index_cast %scan3A_442 : i32 to index
      %swap3A_469 = arith.constant 80 : index
      %swap3A_470 = tpu.vector_load %arg9[%swap3A_468, %swap3A_469] {strides = array<i32>} : memref<256x128xf32, #tpu.memory_space<vmem>>, vector<1x16xf32>,
      %swap3A_471 = vector.shape_cast %swap3A_470 : vector<1x16xf32> to vector<16xf32>
      %swap3A_472 = vector.shape_cast %get3A_320 : vector<16xf32> to vector<1x16xf32>
      tpu.vector_store %arg9[%swap3A_468, %swap3A_469], %swap3A_472 {add = true, strides = array<i32>} : memref<256x128xf32, #tpu.memory_space<vmem>>, vector<1x16xf32>,
      %swap3A_473 = arith.index_cast %scan3A_442 : i32 to index
      %swap3A_474 = arith.constant 96 : index
      %swap3A_475 = tpu.vector_load %arg9[%swap3A_473, %swap3A_474] {strides = array<i32>} : memref<256x128xf32, #tpu.memory_space<vmem>>, vector<1x16xf32>,
      %swap3A_476 = vector.shape_cast %swap3A_475 : vector<1x16xf32> to vector<16xf32>
      %swap3A_477 = vector.shape_cast %get3A_324 : vector<16xf32> to vector<1x16xf32>
      tpu.vector_store %arg9[%swap3A_473, %swap3A_474], %swap3A_477 {add = true, strides = array<i32>} : memref<256x128xf32, #tpu.memory_space<vmem>>, vector<1x16xf32>,
      %swap3A_478 = arith.index_cast %scan3A_442 : i32 to index
      %swap3A_479 = arith.constant 112 : index
      %swap3A_480 = tpu.vector_load %arg9[%swap3A_478, %swap3A_479] {strides = array<i32>} : memref<256x128xf32, #tpu.memory_space<vmem>>, vector<1x16xf32>,
      %swap3A_481 = vector.shape_cast %swap3A_480 : vector<1x16xf32> to vector<16xf32>
      %swap3A_482 = vector.shape_cast %get3A_328 : vector<16xf32> to vector<1x16xf32>
      tpu.vector_store %arg9[%swap3A_478, %swap3A_479], %swap3A_482 {add = true, strides = array<i32>} : memref<256x128xf32, #tpu.memory_space<vmem>>, vector<1x16xf32>,
      %scan3A_483 = arith.constant 3 : i32
      %scan3A_484 = arith.addi %scan3A_359, %scan3A_483 : i32
      %swap3A_485 = arith.index_cast %scan3A_484 : i32 to index
      %swap3A_486 = arith.constant 0 : index
      %swap3A_487 = tpu.vector_load %arg9[%swap3A_485, %swap3A_486] {strides = array<i32>} : memref<256x128xf32, #tpu.memory_space<vmem>>, vector<1x16xf32>,
      %swap3A_488 = vector.shape_cast %swap3A_487 : vector<1x16xf32> to vector<16xf32>
      %swap3A_489 = vector.shape_cast %get3A_300 : vector<16xf32> to vector<1x16xf32>
      tpu.vector_store %arg9[%swap3A_485, %swap3A_486], %swap3A_489 {add = true, strides = array<i32>} : memref<256x128xf32, #tpu.memory_space<vmem>>, vector<1x16xf32>,
      %swap3A_490 = arith.index_cast %scan3A_484 : i32 to index
      %swap3A_491 = arith.constant 16 : index
      %swap3A_492 = tpu.vector_load %arg9[%swap3A_490, %swap3A_491] {strides = array<i32>} : memref<256x128xf32, #tpu.memory_space<vmem>>, vector<1x16xf32>,
      %swap3A_493 = vector.shape_cast %swap3A_492 : vector<1x16xf32> to vector<16xf32>
      %swap3A_494 = vector.shape_cast %get3A_304 : vector<16xf32> to vector<1x16xf32>
      tpu.vector_store %arg9[%swap3A_490, %swap3A_491], %swap3A_494 {add = true, strides = array<i32>} : memref<256x128xf32, #tpu.memory_space<vmem>>, vector<1x16xf32>,
      %swap3A_495 = arith.index_cast %scan3A_484 : i32 to index
      %swap3A_496 = arith.constant 32 : index
      %swap3A_497 = tpu.vector_load %arg9[%swap3A_495, %swap3A_496] {strides = array<i32>} : memref<256x128xf32, #tpu.memory_space<vmem>>, vector<1x16xf32>,
      %swap3A_498 = vector.shape_cast %swap3A_497 : vector<1x16xf32> to vector<16xf32>
      %swap3A_499 = vector.shape_cast %get3A_308 : vector<16xf32> to vector<1x16xf32>
      tpu.vector_store %arg9[%swap3A_495, %swap3A_496], %swap3A_499 {add = true, strides = array<i32>} : memref<256x128xf32, #tpu.memory_space<vmem>>, vector<1x16xf32>,
      %swap3A_500 = arith.index_cast %scan3A_484 : i32 to index
      %swap3A_501 = arith.constant 48 : index
      %swap3A_502 = tpu.vector_load %arg9[%swap3A_500, %swap3A_501] {strides = array<i32>} : memref<256x128xf32, #tpu.memory_space<vmem>>, vector<1x16xf32>,
      %swap3A_503 = vector.shape_cast %swap3A_502 : vector<1x16xf32> to vector<16xf32>
      %swap3A_504 = vector.shape_cast %get3A_312 : vector<16xf32> to vector<1x16xf32>
      tpu.vector_store %arg9[%swap3A_500, %swap3A_501], %swap3A_504 {add = true, strides = array<i32>} : memref<256x128xf32, #tpu.memory_space<vmem>>, vector<1x16xf32>,
      %swap3A_505 = arith.index_cast %scan3A_484 : i32 to index
      %swap3A_506 = arith.constant 64 : index
      %swap3A_507 = tpu.vector_load %arg9[%swap3A_505, %swap3A_506] {strides = array<i32>} : memref<256x128xf32, #tpu.memory_space<vmem>>, vector<1x16xf32>,
      %swap3A_508 = vector.shape_cast %swap3A_507 : vector<1x16xf32> to vector<16xf32>
      %swap3A_509 = vector.shape_cast %get3A_316 : vector<16xf32> to vector<1x16xf32>
      tpu.vector_store %arg9[%swap3A_505, %swap3A_506], %swap3A_509 {add = true, strides = array<i32>} : memref<256x128xf32, #tpu.memory_space<vmem>>, vector<1x16xf32>,
      %swap3A_510 = arith.index_cast %scan3A_484 : i32 to index
      %swap3A_511 = arith.constant 80 : index
      %swap3A_512 = tpu.vector_load %arg9[%swap3A_510, %swap3A_511] {strides = array<i32>} : memref<256x128xf32, #tpu.memory_space<vmem>>, vector<1x16xf32>,
      %swap3A_513 = vector.shape_cast %swap3A_512 : vector<1x16xf32> to vector<16xf32>
      %swap3A_514 = vector.shape_cast %get3A_320 : vector<16xf32> to vector<1x16xf32>
      tpu.vector_store %arg9[%swap3A_510, %swap3A_511], %swap3A_514 {add = true, strides = array<i32>} : memref<256x128xf32, #tpu.memory_space<vmem>>, vector<1x16xf32>,
      %swap3A_515 = arith.index_cast %scan3A_484 : i32 to index
      %swap3A_516 = arith.constant 96 : index
      %swap3A_517 = tpu.vector_load %arg9[%swap3A_515, %swap3A_516] {strides = array<i32>} : memref<256x128xf32, #tpu.memory_space<vmem>>, vector<1x16xf32>,
      %swap3A_518 = vector.shape_cast %swap3A_517 : vector<1x16xf32> to vector<16xf32>
      %swap3A_519 = vector.shape_cast %get3A_324 : vector<16xf32> to vector<1x16xf32>
      tpu.vector_store %arg9[%swap3A_515, %swap3A_516], %swap3A_519 {add = true, strides = array<i32>} : memref<256x128xf32, #tpu.memory_space<vmem>>, vector<1x16xf32>,
      %swap3A_520 = arith.index_cast %scan3A_484 : i32 to index
      %swap3A_521 = arith.constant 112 : index
      %swap3A_522 = tpu.vector_load %arg9[%swap3A_520, %swap3A_521] {strides = array<i32>} : memref<256x128xf32, #tpu.memory_space<vmem>>, vector<1x16xf32>,
      %swap3A_523 = vector.shape_cast %swap3A_522 : vector<1x16xf32> to vector<16xf32>
      %swap3A_524 = vector.shape_cast %get3A_328 : vector<16xf32> to vector<1x16xf32>
      tpu.vector_store %arg9[%swap3A_520, %swap3A_521], %swap3A_524 {add = true, strides = array<i32>} : memref<256x128xf32, #tpu.memory_space<vmem>>, vector<1x16xf32>,
    }
    %scan3A_334 = arith.constant 128 : i32
    %add3A_335 = arith.constant 256 : i32
    %add3A_336 = arith.addi %mul3A_2, %add3A_335 : i32
    %dma_start3A_337 = arith.constant 0 : i32
    %dma_start3A_338 = tpu.memref_slice %arg5[%add3A_336, %dma_start3A_337] : memref<819200x128xf32, #tpu.memory_space<hbm>> -> memref<256x128xf32, #tpu.memory_space<hbm>>
    %dma_start3A_339 = arith.constant 0 : i32
    %dma_start3A_340 = tpu.memref_slice %arg5[%add3A_336, %dma_start3A_339] : memref<819200x128xf32, #tpu.memory_space<hbm>> -> memref<256x128xf32, #tpu.memory_space<hbm>>
    tpu.enqueue_dma source(%arg9 : memref<256x128xf32, #tpu.memory_space<vmem>>) target(%dma_start3A_340 : memref<256x128xf32, #tpu.memory_space<hbm>>) target_semaphore(%arg15 : memref<!tpu.dma_semaphore, #tpu.memory_space<semaphore_mem>>)
    %scan3A_341 = arith.constant 0 : i32
    %scan3A_342 = arith.constant 1 : i32
    %scan3A_343 = arith.constant 49 : i32
    %scan3A_344 = arith.addi %scan3A_342, %scan3A_343 : i32
    %scan3A_345 = arith.constant 1 : i32
    scf.for %scan3A_359 = %scan3A_342 to %scan3A_344 step %scan3A_345  : i32 {
      %mul3A_360 = arith.constant 2 : i32
      %mul3A_361 = arith.muli %scan3A_359, %mul3A_360 : i32
      %add3A_362 = arith.constant 1 : i32
      %add3A_363 = arith.addi %mul3A_361, %add3A_362 : i32
      %sub3A_364 = arith.constant 2 : i32
      %sub3A_365 = arith.subi %mul3A_361, %sub3A_364 : i32
      %mul3A_366 = arith.constant 256 : i32
      %mul3A_367 = arith.muli %sub3A_365, %mul3A_366 : i32
      %add3A_368 = arith.addi %mul3A_2, %mul3A_367 : i32
      %dma_wait3A_369 = arith.constant 0 : i32
      %dma_wait3A_370 = tpu.memref_slice %arg5[%add3A_368, %dma_wait3A_369] : memref<819200x128xf32, #tpu.memory_space<hbm>> -> memref<256x128xf32, #tpu.memory_space<hbm>>
      %dma_wait3A_371 = arith.constant 0 : i32
      %dma_wait3A_372 = tpu.memref_slice %arg5[%add3A_368, %dma_wait3A_371] : memref<819200x128xf32, #tpu.memory_space<hbm>> -> memref<256x128xf32, #tpu.memory_space<hbm>>
      tpu.wait_dma2 semaphore(%arg14 : memref<!tpu.dma_semaphore, #tpu.memory_space<semaphore_mem>>) src(%arg8 : memref<256x128xf32, #tpu.memory_space<vmem>>) dst(%dma_wait3A_372 : memref<256x128xf32, #tpu.memory_space<hbm>>)
      %mul3A_373 = arith.constant 2 : i32
      %mul3A_374 = arith.muli %mul3A_361, %mul3A_373 : i32
      %add3A_375 = arith.constant 0 : i32
      %add3A_376 = arith.addi %mul3A_374, %add3A_375 : i32
      %dma_start3A_377 = arith.constant 0 : i32
      %dma_start3A_378 = arith.constant 0 : i32
      %dma_start3A_379 = tpu.memref_slice %arg8[%dma_start3A_377, %dma_start3A_378] : memref<256x128xf32, #tpu.memory_space<vmem>> -> memref<128x128xf32, #tpu.memory_space<vmem>>
      %dma_start3A_380 = arith.constant 0 : i32
      %dma_start3A_381 = tpu.memref_slice %arg6[%add3A_376, %dma_start3A_380] : memref<200x128xi32, #tpu.memory_space<vmem>> -> memref<1x128xi32, #tpu.memory_space<vmem>>
      %dma_start3A_382 = tpu.memref_squeeze %dma_start3A_381 : memref<1x128xi32, #tpu.memory_space<vmem>> -> memref<128xi32, #tpu.memory_space<vmem>>
      %dma_start3A_383 = arith.constant 0 : i32
      %dma_start3A_384 = arith.constant 0 : i32
      %dma_start3A_385 = tpu.memref_slice %arg3[%dma_start3A_383, %dma_start3A_384] : memref<100000x128xf32, #tpu.memory_space<hbm>> -> memref<100000x128xf32, #tpu.memory_space<hbm>>
      tpu.enqueue_indirect_dma source(%dma_start3A_385 : memref<100000x128xf32, #tpu.memory_space<hbm>>) target(%dma_start3A_379 : memref<128x128xf32, #tpu.memory_space<vmem>>) offsets(%dma_start3A_382 : memref<128xi32, #tpu.memory_space<vmem>>) semaphore(%arg10 : memref<!tpu.dma_semaphore, #tpu.memory_space<semaphore_mem>>)
      %mul3A_386 = arith.constant 2 : i32
      %mul3A_387 = arith.muli %mul3A_361, %mul3A_386 : i32
      %add3A_388 = arith.constant 1 : i32
      %add3A_389 = arith.addi %mul3A_387, %add3A_388 : i32
      %dma_start3A_390 = arith.constant 128 : i32
      %dma_start3A_391 = arith.constant 0 : i32
      %dma_start3A_392 = tpu.memref_slice %arg8[%dma_start3A_390, %dma_start3A_391] : memref<256x128xf32, #tpu.memory_space<vmem>> -> memref<128x128xf32, #tpu.memory_space<vmem>>
      %dma_start3A_393 = arith.constant 0 : i32
      %dma_start3A_394 = tpu.memref_slice %arg6[%add3A_389, %dma_start3A_393] : memref<200x128xi32, #tpu.memory_space<vmem>> -> memref<1x128xi32, #tpu.memory_space<vmem>>
      %dma_start3A_395 = tpu.memref_squeeze %dma_start3A_394 : memref<1x128xi32, #tpu.memory_space<vmem>> -> memref<128xi32, #tpu.memory_space<vmem>>
      %dma_start3A_396 = arith.constant 0 : i32
      %dma_start3A_397 = arith.constant 0 : i32
      %dma_start3A_398 = tpu.memref_slice %arg3[%dma_start3A_396, %dma_start3A_397] : memref<100000x128xf32, #tpu.memory_space<hbm>> -> memref<100000x128xf32, #tpu.memory_space<hbm>>
      tpu.enqueue_indirect_dma source(%dma_start3A_398 : memref<100000x128xf32, #tpu.memory_space<hbm>>) target(%dma_start3A_392 : memref<128x128xf32, #tpu.memory_space<vmem>>) offsets(%dma_start3A_395 : memref<128xi32, #tpu.memory_space<vmem>>) semaphore(%arg11 : memref<!tpu.dma_semaphore, #tpu.memory_space<semaphore_mem>>)
      %dma_wait3A_399 = arith.constant 0 : i32
      %dma_wait3A_400 = arith.constant 0 : i32
      %dma_wait3A_401 = tpu.memref_slice %arg8[%dma_wait3A_399, %dma_wait3A_400] : memref<256x128xf32, #tpu.memory_space<vmem>> -> memref<128x128xf32, #tpu.memory_space<vmem>>
      %dma_wait3A_402 = arith.constant 0 : i32
      %dma_wait3A_403 = tpu.memref_slice %arg6[%add3A_376, %dma_wait3A_402] : memref<200x128xi32, #tpu.memory_space<vmem>> -> memref<1x128xi32, #tpu.memory_space<vmem>>
      %dma_wait3A_404 = tpu.memref_squeeze %dma_wait3A_403 : memref<1x128xi32, #tpu.memory_space<vmem>> -> memref<128xi32, #tpu.memory_space<vmem>>
      %dma_wait3A_405 = arith.constant 0 : i32
      %dma_wait3A_406 = arith.constant 0 : i32
      %dma_wait3A_407 = tpu.memref_slice %arg3[%dma_wait3A_405, %dma_wait3A_406] : memref<100000x128xf32, #tpu.memory_space<hbm>> -> memref<100000x128xf32, #tpu.memory_space<hbm>>
      tpu.wait_indirect_dma semaphore(%arg10 : memref<!tpu.dma_semaphore, #tpu.memory_space<semaphore_mem>>) src(%dma_wait3A_407 : memref<100000x128xf32, #tpu.memory_space<hbm>>) dst(%dma_wait3A_401 : memref<128x128xf32, #tpu.memory_space<vmem>>)
      %mul3A_408 = arith.constant 256 : i32
      %mul3A_409 = arith.muli %mul3A_361, %mul3A_408 : i32
      %add3A_410 = arith.addi %mul3A_2, %mul3A_409 : i32
      %jit3A_411 = arith.constant 4096 : i32
      %div3A_412 = arith.divsi %add3A_410, %jit3A_411 : i32
      %sign3A_413 = arith.constant 0 : i32
      %sign3A_414 = arith.cmpi sgt, %add3A_410, %sign3A_413 : i32
      %sign3A_415 = arith.extui %sign3A_414 : i1 to i32
      %sign3A_416 = arith.constant 0 : i32
      %sign3A_417 = arith.cmpi slt, %add3A_410, %sign3A_416 : i32
      %sign3A_418 = arith.extui %sign3A_417 : i1 to i32
      %sign3A_419 = arith.subi %sign3A_415, %sign3A_418 : i32
      %sign3A_420 = arith.constant 0 : i32
      %sign3A_421 = arith.cmpi sgt, %jit3A_411, %sign3A_420 : i32
      %sign3A_422 = arith.extui %sign3A_421 : i1 to i32
      %sign3A_423 = arith.constant 0 : i32
      %sign3A_424 = arith.cmpi slt, %jit3A_411, %sign3A_423 : i32
      %sign3A_425 = arith.extui %sign3A_424 : i1 to i32
      %sign3A_426 = arith.subi %sign3A_422, %sign3A_425 : i32
      %ne3A_427 = arith.cmpi ne, %sign3A_419, %sign3A_426 : i32
      %rem3A_428 = arith.remsi %add3A_410, %jit3A_411 : i32
      %ne3A_429 = arith.constant 0 : i32
      %ne3A_430 = arith.cmpi ne, %rem3A_428, %ne3A_429 : i32
      %and3A_431 = arith.andi %ne3A_427, %ne3A_430 : i1
      %sub3A_432 = arith.constant 1 : i32
      %sub3A_433 = arith.subi %div3A_412, %sub3A_432 : i32
      %select_n3A_434 = arith.select %and3A_431, %sub3A_433, %div3A_412 : i32
      %get3A_435 = arith.index_cast %select_n3A_434 : i32 to index
      %get3A_436 = arith.constant 0 : index
      %get3A_437 = tpu.vector_load %arg7[%get3A_435, %get3A_436] {strides = array<i32>} : memref<200x128xf32, #tpu.memory_space<vmem>>, vector<1x16xf32>,
      %get3A_438 = vector.shape_cast %get3A_437 : vector<1x16xf32> to vector<16xf32>
      %get3A_439 = arith.index_cast %select_n3A_434 : i32 to index
      %get3A_440 = arith.constant 16 : index
      %get3A_441 = tpu.vector_load %arg7[%get3A_439, %get3A_440] {strides = array<i32>} : memref<200x128xf32, #tpu.memory_space<vmem>>, vector<1x16xf32>,
      %get3A_442 = vector.shape_cast %get3A_441 : vector<1x16xf32> to vector<16xf32>
      %get3A_443 = arith.index_cast %select_n3A_434 : i32 to index
      %get3A_444 = arith.constant 32 : index
      %get3A_445 = tpu.vector_load %arg7[%get3A_443, %get3A_444] {strides = array<i32>} : memref<200x128xf32, #tpu.memory_space<vmem>>, vector<1x16xf32>,
      %get3A_446 = vector.shape_cast %get3A_445 : vector<1x16xf32> to vector<16xf32>
      %get3A_447 = arith.index_cast %select_n3A_434 : i32 to index
      %get3A_448 = arith.constant 48 : index
      %get3A_449 = tpu.vector_load %arg7[%get3A_447, %get3A_448] {strides = array<i32>} : memref<200x128xf32, #tpu.memory_space<vmem>>, vector<1x16xf32>,
      %get3A_450 = vector.shape_cast %get3A_449 : vector<1x16xf32> to vector<16xf32>
      %get3A_451 = arith.index_cast %select_n3A_434 : i32 to index
      %get3A_452 = arith.constant 64 : index
      %get3A_453 = tpu.vector_load %arg7[%get3A_451, %get3A_452] {strides = array<i32>} : memref<200x128xf32, #tpu.memory_space<vmem>>, vector<1x16xf32>,
      %get3A_454 = vector.shape_cast %get3A_453 : vector<1x16xf32> to vector<16xf32>
      %get3A_455 = arith.index_cast %select_n3A_434 : i32 to index
      %get3A_456 = arith.constant 80 : index
      %get3A_457 = tpu.vector_load %arg7[%get3A_455, %get3A_456] {strides = array<i32>} : memref<200x128xf32, #tpu.memory_space<vmem>>, vector<1x16xf32>,
      %get3A_458 = vector.shape_cast %get3A_457 : vector<1x16xf32> to vector<16xf32>
      %get3A_459 = arith.index_cast %select_n3A_434 : i32 to index
      %get3A_460 = arith.constant 96 : index
      %get3A_461 = tpu.vector_load %arg7[%get3A_459, %get3A_460] {strides = array<i32>} : memref<200x128xf32, #tpu.memory_space<vmem>>, vector<1x16xf32>,
      %get3A_462 = vector.shape_cast %get3A_461 : vector<1x16xf32> to vector<16xf32>
      %get3A_463 = arith.index_cast %select_n3A_434 : i32 to index
      %get3A_464 = arith.constant 112 : index
      %get3A_465 = tpu.vector_load %arg7[%get3A_463, %get3A_464] {strides = array<i32>} : memref<200x128xf32, #tpu.memory_space<vmem>>, vector<1x16xf32>,
      %get3A_466 = vector.shape_cast %get3A_465 : vector<1x16xf32> to vector<16xf32>
      %scan3A_467 = arith.constant 0 : i32
      %scan3A_468 = arith.constant 0 : i32
      %scan3A_469 = arith.constant 128 : i32
      %scan3A_470 = arith.addi %scan3A_468, %scan3A_469 : i32
      %scan3A_471 = arith.constant 4 : i32
      scf.for %scan3A_744 = %scan3A_468 to %scan3A_470 step %scan3A_471  : i32 {
        %swap3A = arith.index_cast %scan3A_744 : i32 to index
        %swap3A_745 = arith.constant 0 : index
        %swap3A_746 = tpu.vector_load %arg8[%swap3A, %swap3A_745] {strides = array<i32>} : memref<256x128xf32, #tpu.memory_space<vmem>>, vector<1x16xf32>,
        %swap3A_747 = vector.shape_cast %swap3A_746 : vector<1x16xf32> to vector<16xf32>
        %swap3A_748 = vector.shape_cast %get3A_438 : vector<16xf32> to vector<1x16xf32>
        tpu.vector_store %arg8[%swap3A, %swap3A_745], %swap3A_748 {add = true, strides = array<i32>} : memref<256x128xf32, #tpu.memory_space<vmem>>, vector<1x16xf32>,
        %swap3A_749 = arith.index_cast %scan3A_744 : i32 to index
        %swap3A_750 = arith.constant 16 : index
        %swap3A_751 = tpu.vector_load %arg8[%swap3A_749, %swap3A_750] {strides = array<i32>} : memref<256x128xf32, #tpu.memory_space<vmem>>, vector<1x16xf32>,
        %swap3A_752 = vector.shape_cast %swap3A_751 : vector<1x16xf32> to vector<16xf32>
        %swap3A_753 = vector.shape_cast %get3A_442 : vector<16xf32> to vector<1x16xf32>
        tpu.vector_store %arg8[%swap3A_749, %swap3A_750], %swap3A_753 {add = true, strides = array<i32>} : memref<256x128xf32, #tpu.memory_space<vmem>>, vector<1x16xf32>,
        %swap3A_754 = arith.index_cast %scan3A_744 : i32 to index
        %swap3A_755 = arith.constant 32 : index
        %swap3A_756 = tpu.vector_load %arg8[%swap3A_754, %swap3A_755] {strides = array<i32>} : memref<256x128xf32, #tpu.memory_space<vmem>>, vector<1x16xf32>,
        %swap3A_757 = vector.shape_cast %swap3A_756 : vector<1x16xf32> to vector<16xf32>
        %swap3A_758 = vector.shape_cast %get3A_446 : vector<16xf32> to vector<1x16xf32>
        tpu.vector_store %arg8[%swap3A_754, %swap3A_755], %swap3A_758 {add = true, strides = array<i32>} : memref<256x128xf32, #tpu.memory_space<vmem>>, vector<1x16xf32>,
        %swap3A_759 = arith.index_cast %scan3A_744 : i32 to index
        %swap3A_760 = arith.constant 48 : index
        %swap3A_761 = tpu.vector_load %arg8[%swap3A_759, %swap3A_760] {strides = array<i32>} : memref<256x128xf32, #tpu.memory_space<vmem>>, vector<1x16xf32>,
        %swap3A_762 = vector.shape_cast %swap3A_761 : vector<1x16xf32> to vector<16xf32>
        %swap3A_763 = vector.shape_cast %get3A_450 : vector<16xf32> to vector<1x16xf32>
        tpu.vector_store %arg8[%swap3A_759, %swap3A_760], %swap3A_763 {add = true, strides = array<i32>} : memref<256x128xf32, #tpu.memory_space<vmem>>, vector<1x16xf32>,
        %swap3A_764 = arith.index_cast %scan3A_744 : i32 to index
        %swap3A_765 = arith.constant 64 : index
        %swap3A_766 = tpu.vector_load %arg8[%swap3A_764, %swap3A_765] {strides = array<i32>} : memref<256x128xf32, #tpu.memory_space<vmem>>, vector<1x16xf32>,
        %swap3A_767 = vector.shape_cast %swap3A_766 : vector<1x16xf32> to vector<16xf32>
        %swap3A_768 = vector.shape_cast %get3A_454 : vector<16xf32> to vector<1x16xf32>
        tpu.vector_store %arg8[%swap3A_764, %swap3A_765], %swap3A_768 {add = true, strides = array<i32>} : memref<256x128xf32, #tpu.memory_space<vmem>>, vector<1x16xf32>,
        %swap3A_769 = arith.index_cast %scan3A_744 : i32 to index
        %swap3A_770 = arith.constant 80 : index
        %swap3A_771 = tpu.vector_load %arg8[%swap3A_769, %swap3A_770] {strides = array<i32>} : memref<256x128xf32, #tpu.memory_space<vmem>>, vector<1x16xf32>,
        %swap3A_772 = vector.shape_cast %swap3A_771 : vector<1x16xf32> to vector<16xf32>
        %swap3A_773 = vector.shape_cast %get3A_458 : vector<16xf32> to vector<1x16xf32>
        tpu.vector_store %arg8[%swap3A_769, %swap3A_770], %swap3A_773 {add = true, strides = array<i32>} : memref<256x128xf32, #tpu.memory_space<vmem>>, vector<1x16xf32>,
        %swap3A_774 = arith.index_cast %scan3A_744 : i32 to index
        %swap3A_775 = arith.constant 96 : index
        %swap3A_776 = tpu.vector_load %arg8[%swap3A_774, %swap3A_775] {strides = array<i32>} : memref<256x128xf32, #tpu.memory_space<vmem>>, vector<1x16xf32>,
        %swap3A_777 = vector.shape_cast %swap3A_776 : vector<1x16xf32> to vector<16xf32>
        %swap3A_778 = vector.shape_cast %get3A_462 : vector<16xf32> to vector<1x16xf32>
        tpu.vector_store %arg8[%swap3A_774, %swap3A_775], %swap3A_778 {add = true, strides = array<i32>} : memref<256x128xf32, #tpu.memory_space<vmem>>, vector<1x16xf32>,
        %swap3A_779 = arith.index_cast %scan3A_744 : i32 to index
        %swap3A_780 = arith.constant 112 : index
        %swap3A_781 = tpu.vector_load %arg8[%swap3A_779, %swap3A_780] {strides = array<i32>} : memref<256x128xf32, #tpu.memory_space<vmem>>, vector<1x16xf32>,
        %swap3A_782 = vector.shape_cast %swap3A_781 : vector<1x16xf32> to vector<16xf32>
        %swap3A_783 = vector.shape_cast %get3A_466 : vector<16xf32> to vector<1x16xf32>
        tpu.vector_store %arg8[%swap3A_779, %swap3A_780], %swap3A_783 {add = true, strides = array<i32>} : memref<256x128xf32, #tpu.memory_space<vmem>>, vector<1x16xf32>,
        %scan3A_784 = arith.constant 1 : i32
        %scan3A_785 = arith.addi %scan3A_744, %scan3A_784 : i32
        %swap3A_786 = arith.index_cast %scan3A_785 : i32 to index
        %swap3A_787 = arith.constant 0 : index
        %swap3A_788 = tpu.vector_load %arg8[%swap3A_786, %swap3A_787] {strides = array<i32>} : memref<256x128xf32, #tpu.memory_space<vmem>>, vector<1x16xf32>,
        %swap3A_789 = vector.shape_cast %swap3A_788 : vector<1x16xf32> to vector<16xf32>
        %swap3A_790 = vector.shape_cast %get3A_438 : vector<16xf32> to vector<1x16xf32>
        tpu.vector_store %arg8[%swap3A_786, %swap3A_787], %swap3A_790 {add = true, strides = array<i32>} : memref<256x128xf32, #tpu.memory_space<vmem>>, vector<1x16xf32>,
        %swap3A_791 = arith.index_cast %scan3A_785 : i32 to index
        %swap3A_792 = arith.constant 16 : index
        %swap3A_793 = tpu.vector_load %arg8[%swap3A_791, %swap3A_792] {strides = array<i32>} : memref<256x128xf32, #tpu.memory_space<vmem>>, vector<1x16xf32>,
        %swap3A_794 = vector.shape_cast %swap3A_793 : vector<1x16xf32> to vector<16xf32>
        %swap3A_795 = vector.shape_cast %get3A_442 : vector<16xf32> to vector<1x16xf32>
        tpu.vector_store %arg8[%swap3A_791, %swap3A_792], %swap3A_795 {add = true, strides = array<i32>} : memref<256x128xf32, #tpu.memory_space<vmem>>, vector<1x16xf32>,
        %swap3A_796 = arith.index_cast %scan3A_785 : i32 to index
        %swap3A_797 = arith.constant 32 : index
        %swap3A_798 = tpu.vector_load %arg8[%swap3A_796, %swap3A_797] {strides = array<i32>} : memref<256x128xf32, #tpu.memory_space<vmem>>, vector<1x16xf32>,
        %swap3A_799 = vector.shape_cast %swap3A_798 : vector<1x16xf32> to vector<16xf32>
        %swap3A_800 = vector.shape_cast %get3A_446 : vector<16xf32> to vector<1x16xf32>
        tpu.vector_store %arg8[%swap3A_796, %swap3A_797], %swap3A_800 {add = true, strides = array<i32>} : memref<256x128xf32, #tpu.memory_space<vmem>>, vector<1x16xf32>,
        %swap3A_801 = arith.index_cast %scan3A_785 : i32 to index
        %swap3A_802 = arith.constant 48 : index
        %swap3A_803 = tpu.vector_load %arg8[%swap3A_801, %swap3A_802] {strides = array<i32>} : memref<256x128xf32, #tpu.memory_space<vmem>>, vector<1x16xf32>,
        %swap3A_804 = vector.shape_cast %swap3A_803 : vector<1x16xf32> to vector<16xf32>
        %swap3A_805 = vector.shape_cast %get3A_450 : vector<16xf32> to vector<1x16xf32>
        tpu.vector_store %arg8[%swap3A_801, %swap3A_802], %swap3A_805 {add = true, strides = array<i32>} : memref<256x128xf32, #tpu.memory_space<vmem>>, vector<1x16xf32>,
        %swap3A_806 = arith.index_cast %scan3A_785 : i32 to index
        %swap3A_807 = arith.constant 64 : index
        %swap3A_808 = tpu.vector_load %arg8[%swap3A_806, %swap3A_807] {strides = array<i32>} : memref<256x128xf32, #tpu.memory_space<vmem>>, vector<1x16xf32>,
        %swap3A_809 = vector.shape_cast %swap3A_808 : vector<1x16xf32> to vector<16xf32>
        %swap3A_810 = vector.shape_cast %get3A_454 : vector<16xf32> to vector<1x16xf32>
        tpu.vector_store %arg8[%swap3A_806, %swap3A_807], %swap3A_810 {add = true, strides = array<i32>} : memref<256x128xf32, #tpu.memory_space<vmem>>, vector<1x16xf32>,
        %swap3A_811 = arith.index_cast %scan3A_785 : i32 to index
        %swap3A_812 = arith.constant 80 : index
        %swap3A_813 = tpu.vector_load %arg8[%swap3A_811, %swap3A_812] {strides = array<i32>} : memref<256x128xf32, #tpu.memory_space<vmem>>, vector<1x16xf32>,
        %swap3A_814 = vector.shape_cast %swap3A_813 : vector<1x16xf32> to vector<16xf32>
        %swap3A_815 = vector.shape_cast %get3A_458 : vector<16xf32> to vector<1x16xf32>
        tpu.vector_store %arg8[%swap3A_811, %swap3A_812], %swap3A_815 {add = true, strides = array<i32>} : memref<256x128xf32, #tpu.memory_space<vmem>>, vector<1x16xf32>,
        %swap3A_816 = arith.index_cast %scan3A_785 : i32 to index
        %swap3A_817 = arith.constant 96 : index
        %swap3A_818 = tpu.vector_load %arg8[%swap3A_816, %swap3A_817] {strides = array<i32>} : memref<256x128xf32, #tpu.memory_space<vmem>>, vector<1x16xf32>,
        %swap3A_819 = vector.shape_cast %swap3A_818 : vector<1x16xf32> to vector<16xf32>
        %swap3A_820 = vector.shape_cast %get3A_462 : vector<16xf32> to vector<1x16xf32>
        tpu.vector_store %arg8[%swap3A_816, %swap3A_817], %swap3A_820 {add = true, strides = array<i32>} : memref<256x128xf32, #tpu.memory_space<vmem>>, vector<1x16xf32>,
        %swap3A_821 = arith.index_cast %scan3A_785 : i32 to index
        %swap3A_822 = arith.constant 112 : index
        %swap3A_823 = tpu.vector_load %arg8[%swap3A_821, %swap3A_822] {strides = array<i32>} : memref<256x128xf32, #tpu.memory_space<vmem>>, vector<1x16xf32>,
        %swap3A_824 = vector.shape_cast %swap3A_823 : vector<1x16xf32> to vector<16xf32>
        %swap3A_825 = vector.shape_cast %get3A_466 : vector<16xf32> to vector<1x16xf32>
        tpu.vector_store %arg8[%swap3A_821, %swap3A_822], %swap3A_825 {add = true, strides = array<i32>} : memref<256x128xf32, #tpu.memory_space<vmem>>, vector<1x16xf32>,
        %scan3A_826 = arith.constant 2 : i32
        %scan3A_827 = arith.addi %scan3A_744, %scan3A_826 : i32
        %swap3A_828 = arith.index_cast %scan3A_827 : i32 to index
        %swap3A_829 = arith.constant 0 : index
        %swap3A_830 = tpu.vector_load %arg8[%swap3A_828, %swap3A_829] {strides = array<i32>} : memref<256x128xf32, #tpu.memory_space<vmem>>, vector<1x16xf32>,
        %swap3A_831 = vector.shape_cast %swap3A_830 : vector<1x16xf32> to vector<16xf32>
        %swap3A_832 = vector.shape_cast %get3A_438 : vector<16xf32> to vector<1x16xf32>
        tpu.vector_store %arg8[%swap3A_828, %swap3A_829], %swap3A_832 {add = true, strides = array<i32>} : memref<256x128xf32, #tpu.memory_space<vmem>>, vector<1x16xf32>,
        %swap3A_833 = arith.index_cast %scan3A_827 : i32 to index
        %swap3A_834 = arith.constant 16 : index
        %swap3A_835 = tpu.vector_load %arg8[%swap3A_833, %swap3A_834] {strides = array<i32>} : memref<256x128xf32, #tpu.memory_space<vmem>>, vector<1x16xf32>,
        %swap3A_836 = vector.shape_cast %swap3A_835 : vector<1x16xf32> to vector<16xf32>
        %swap3A_837 = vector.shape_cast %get3A_442 : vector<16xf32> to vector<1x16xf32>
        tpu.vector_store %arg8[%swap3A_833, %swap3A_834], %swap3A_837 {add = true, strides = array<i32>} : memref<256x128xf32, #tpu.memory_space<vmem>>, vector<1x16xf32>,
        %swap3A_838 = arith.index_cast %scan3A_827 : i32 to index
        %swap3A_839 = arith.constant 32 : index
        %swap3A_840 = tpu.vector_load %arg8[%swap3A_838, %swap3A_839] {strides = array<i32>} : memref<256x128xf32, #tpu.memory_space<vmem>>, vector<1x16xf32>,
        %swap3A_841 = vector.shape_cast %swap3A_840 : vector<1x16xf32> to vector<16xf32>
        %swap3A_842 = vector.shape_cast %get3A_446 : vector<16xf32> to vector<1x16xf32>
        tpu.vector_store %arg8[%swap3A_838, %swap3A_839], %swap3A_842 {add = true, strides = array<i32>} : memref<256x128xf32, #tpu.memory_space<vmem>>, vector<1x16xf32>,
        %swap3A_843 = arith.index_cast %scan3A_827 : i32 to index
        %swap3A_844 = arith.constant 48 : index
        %swap3A_845 = tpu.vector_load %arg8[%swap3A_843, %swap3A_844] {strides = array<i32>} : memref<256x128xf32, #tpu.memory_space<vmem>>, vector<1x16xf32>,
        %swap3A_846 = vector.shape_cast %swap3A_845 : vector<1x16xf32> to vector<16xf32>
        %swap3A_847 = vector.shape_cast %get3A_450 : vector<16xf32> to vector<1x16xf32>
        tpu.vector_store %arg8[%swap3A_843, %swap3A_844], %swap3A_847 {add = true, strides = array<i32>} : memref<256x128xf32, #tpu.memory_space<vmem>>, vector<1x16xf32>,
        %swap3A_848 = arith.index_cast %scan3A_827 : i32 to index
        %swap3A_849 = arith.constant 64 : index
        %swap3A_850 = tpu.vector_load %arg8[%swap3A_848, %swap3A_849] {strides = array<i32>} : memref<256x128xf32, #tpu.memory_space<vmem>>, vector<1x16xf32>,
        %swap3A_851 = vector.shape_cast %swap3A_850 : vector<1x16xf32> to vector<16xf32>
        %swap3A_852 = vector.shape_cast %get3A_454 : vector<16xf32> to vector<1x16xf32>
        tpu.vector_store %arg8[%swap3A_848, %swap3A_849], %swap3A_852 {add = true, strides = array<i32>} : memref<256x128xf32, #tpu.memory_space<vmem>>, vector<1x16xf32>,
        %swap3A_853 = arith.index_cast %scan3A_827 : i32 to index
        %swap3A_854 = arith.constant 80 : index
        %swap3A_855 = tpu.vector_load %arg8[%swap3A_853, %swap3A_854] {strides = array<i32>} : memref<256x128xf32, #tpu.memory_space<vmem>>, vector<1x16xf32>,
        %swap3A_856 = vector.shape_cast %swap3A_855 : vector<1x16xf32> to vector<16xf32>
        %swap3A_857 = vector.shape_cast %get3A_458 : vector<16xf32> to vector<1x16xf32>
        tpu.vector_store %arg8[%swap3A_853, %swap3A_854], %swap3A_857 {add = true, strides = array<i32>} : memref<256x128xf32, #tpu.memory_space<vmem>>, vector<1x16xf32>,
        %swap3A_858 = arith.index_cast %scan3A_827 : i32 to index
        %swap3A_859 = arith.constant 96 : index
        %swap3A_860 = tpu.vector_load %arg8[%swap3A_858, %swap3A_859] {strides = array<i32>} : memref<256x128xf32, #tpu.memory_space<vmem>>, vector<1x16xf32>,
        %swap3A_861 = vector.shape_cast %swap3A_860 : vector<1x16xf32> to vector<16xf32>
        %swap3A_862 = vector.shape_cast %get3A_462 : vector<16xf32> to vector<1x16xf32>
        tpu.vector_store %arg8[%swap3A_858, %swap3A_859], %swap3A_862 {add = true, strides = array<i32>} : memref<256x128xf32, #tpu.memory_space<vmem>>, vector<1x16xf32>,
        %swap3A_863 = arith.index_cast %scan3A_827 : i32 to index
        %swap3A_864 = arith.constant 112 : index
        %swap3A_865 = tpu.vector_load %arg8[%swap3A_863, %swap3A_864] {strides = array<i32>} : memref<256x128xf32, #tpu.memory_space<vmem>>, vector<1x16xf32>,
        %swap3A_866 = vector.shape_cast %swap3A_865 : vector<1x16xf32> to vector<16xf32>
        %swap3A_867 = vector.shape_cast %get3A_466 : vector<16xf32> to vector<1x16xf32>
        tpu.vector_store %arg8[%swap3A_863, %swap3A_864], %swap3A_867 {add = true, strides = array<i32>} : memref<256x128xf32, #tpu.memory_space<vmem>>, vector<1x16xf32>,
        %scan3A_868 = arith.constant 3 : i32
        %scan3A_869 = arith.addi %scan3A_744, %scan3A_868 : i32
        %swap3A_870 = arith.index_cast %scan3A_869 : i32 to index
        %swap3A_871 = arith.constant 0 : index
        %swap3A_872 = tpu.vector_load %arg8[%swap3A_870, %swap3A_871] {strides = array<i32>} : memref<256x128xf32, #tpu.memory_space<vmem>>, vector<1x16xf32>,
        %swap3A_873 = vector.shape_cast %swap3A_872 : vector<1x16xf32> to vector<16xf32>
        %swap3A_874 = vector.shape_cast %get3A_438 : vector<16xf32> to vector<1x16xf32>
        tpu.vector_store %arg8[%swap3A_870, %swap3A_871], %swap3A_874 {add = true, strides = array<i32>} : memref<256x128xf32, #tpu.memory_space<vmem>>, vector<1x16xf32>,
        %swap3A_875 = arith.index_cast %scan3A_869 : i32 to index
        %swap3A_876 = arith.constant 16 : index
        %swap3A_877 = tpu.vector_load %arg8[%swap3A_875, %swap3A_876] {strides = array<i32>} : memref<256x128xf32, #tpu.memory_space<vmem>>, vector<1x16xf32>,
        %swap3A_878 = vector.shape_cast %swap3A_877 : vector<1x16xf32> to vector<16xf32>
        %swap3A_879 = vector.shape_cast %get3A_442 : vector<16xf32> to vector<1x16xf32>
        tpu.vector_store %arg8[%swap3A_875, %swap3A_876], %swap3A_879 {add = true, strides = array<i32>} : memref<256x128xf32, #tpu.memory_space<vmem>>, vector<1x16xf32>,
        %swap3A_880 = arith.index_cast %scan3A_869 : i32 to index
        %swap3A_881 = arith.constant 32 : index
        %swap3A_882 = tpu.vector_load %arg8[%swap3A_880, %swap3A_881] {strides = array<i32>} : memref<256x128xf32, #tpu.memory_space<vmem>>, vector<1x16xf32>,
        %swap3A_883 = vector.shape_cast %swap3A_882 : vector<1x16xf32> to vector<16xf32>
        %swap3A_884 = vector.shape_cast %get3A_446 : vector<16xf32> to vector<1x16xf32>
        tpu.vector_store %arg8[%swap3A_880, %swap3A_881], %swap3A_884 {add = true, strides = array<i32>} : memref<256x128xf32, #tpu.memory_space<vmem>>, vector<1x16xf32>,
        %swap3A_885 = arith.index_cast %scan3A_869 : i32 to index
        %swap3A_886 = arith.constant 48 : index
        %swap3A_887 = tpu.vector_load %arg8[%swap3A_885, %swap3A_886] {strides = array<i32>} : memref<256x128xf32, #tpu.memory_space<vmem>>, vector<1x16xf32>,
        %swap3A_888 = vector.shape_cast %swap3A_887 : vector<1x16xf32> to vector<16xf32>
        %swap3A_889 = vector.shape_cast %get3A_450 : vector<16xf32> to vector<1x16xf32>
        tpu.vector_store %arg8[%swap3A_885, %swap3A_886], %swap3A_889 {add = true, strides = array<i32>} : memref<256x128xf32, #tpu.memory_space<vmem>>, vector<1x16xf32>,
        %swap3A_890 = arith.index_cast %scan3A_869 : i32 to index
        %swap3A_891 = arith.constant 64 : index
        %swap3A_892 = tpu.vector_load %arg8[%swap3A_890, %swap3A_891] {strides = array<i32>} : memref<256x128xf32, #tpu.memory_space<vmem>>, vector<1x16xf32>,
        %swap3A_893 = vector.shape_cast %swap3A_892 : vector<1x16xf32> to vector<16xf32>
        %swap3A_894 = vector.shape_cast %get3A_454 : vector<16xf32> to vector<1x16xf32>
        tpu.vector_store %arg8[%swap3A_890, %swap3A_891], %swap3A_894 {add = true, strides = array<i32>} : memref<256x128xf32, #tpu.memory_space<vmem>>, vector<1x16xf32>,
        %swap3A_895 = arith.index_cast %scan3A_869 : i32 to index
        %swap3A_896 = arith.constant 80 : index
        %swap3A_897 = tpu.vector_load %arg8[%swap3A_895, %swap3A_896] {strides = array<i32>} : memref<256x128xf32, #tpu.memory_space<vmem>>, vector<1x16xf32>,
        %swap3A_898 = vector.shape_cast %swap3A_897 : vector<1x16xf32> to vector<16xf32>
        %swap3A_899 = vector.shape_cast %get3A_458 : vector<16xf32> to vector<1x16xf32>
        tpu.vector_store %arg8[%swap3A_895, %swap3A_896], %swap3A_899 {add = true, strides = array<i32>} : memref<256x128xf32, #tpu.memory_space<vmem>>, vector<1x16xf32>,
        %swap3A_900 = arith.index_cast %scan3A_869 : i32 to index
        %swap3A_901 = arith.constant 96 : index
        %swap3A_902 = tpu.vector_load %arg8[%swap3A_900, %swap3A_901] {strides = array<i32>} : memref<256x128xf32, #tpu.memory_space<vmem>>, vector<1x16xf32>,
        %swap3A_903 = vector.shape_cast %swap3A_902 : vector<1x16xf32> to vector<16xf32>
        %swap3A_904 = vector.shape_cast %get3A_462 : vector<16xf32> to vector<1x16xf32>
        tpu.vector_store %arg8[%swap3A_900, %swap3A_901], %swap3A_904 {add = true, strides = array<i32>} : memref<256x128xf32, #tpu.memory_space<vmem>>, vector<1x16xf32>,
        %swap3A_905 = arith.index_cast %scan3A_869 : i32 to index
        %swap3A_906 = arith.constant 112 : index
        %swap3A_907 = tpu.vector_load %arg8[%swap3A_905, %swap3A_906] {strides = array<i32>} : memref<256x128xf32, #tpu.memory_space<vmem>>, vector<1x16xf32>,
        %swap3A_908 = vector.shape_cast %swap3A_907 : vector<1x16xf32> to vector<16xf32>
        %swap3A_909 = vector.shape_cast %get3A_466 : vector<16xf32> to vector<1x16xf32>
        tpu.vector_store %arg8[%swap3A_905, %swap3A_906], %swap3A_909 {add = true, strides = array<i32>} : memref<256x128xf32, #tpu.memory_space<vmem>>, vector<1x16xf32>,
      }
      %scan3A_472 = arith.constant 128 : i32
      %sub3A_473 = arith.constant 2 : i32
      %sub3A_474 = arith.subi %add3A_363, %sub3A_473 : i32
      %mul3A_475 = arith.constant 256 : i32
      %mul3A_476 = arith.muli %sub3A_474, %mul3A_475 : i32
      %add3A_477 = arith.addi %mul3A_2, %mul3A_476 : i32
      %dma_wait3A_478 = arith.constant 0 : i32
      %dma_wait3A_479 = tpu.memref_slice %arg5[%add3A_477, %dma_wait3A_478] : memref<819200x128xf32, #tpu.memory_space<hbm>> -> memref<256x128xf32, #tpu.memory_space<hbm>>
      %dma_wait3A_480 = arith.constant 0 : i32
      %dma_wait3A_481 = tpu.memref_slice %arg5[%add3A_477, %dma_wait3A_480] : memref<819200x128xf32, #tpu.memory_space<hbm>> -> memref<256x128xf32, #tpu.memory_space<hbm>>
      tpu.wait_dma2 semaphore(%arg15 : memref<!tpu.dma_semaphore, #tpu.memory_space<semaphore_mem>>) src(%arg9 : memref<256x128xf32, #tpu.memory_space<vmem>>) dst(%dma_wait3A_481 : memref<256x128xf32, #tpu.memory_space<hbm>>)
      %mul3A_482 = arith.constant 2 : i32
      %mul3A_483 = arith.muli %add3A_363, %mul3A_482 : i32
      %add3A_484 = arith.constant 0 : i32
      %add3A_485 = arith.addi %mul3A_483, %add3A_484 : i32
      %dma_start3A_486 = arith.constant 0 : i32
      %dma_start3A_487 = arith.constant 0 : i32
      %dma_start3A_488 = tpu.memref_slice %arg9[%dma_start3A_486, %dma_start3A_487] : memref<256x128xf32, #tpu.memory_space<vmem>> -> memref<128x128xf32, #tpu.memory_space<vmem>>
      %dma_start3A_489 = arith.constant 0 : i32
      %dma_start3A_490 = tpu.memref_slice %arg6[%add3A_485, %dma_start3A_489] : memref<200x128xi32, #tpu.memory_space<vmem>> -> memref<1x128xi32, #tpu.memory_space<vmem>>
      %dma_start3A_491 = tpu.memref_squeeze %dma_start3A_490 : memref<1x128xi32, #tpu.memory_space<vmem>> -> memref<128xi32, #tpu.memory_space<vmem>>
      %dma_start3A_492 = arith.constant 0 : i32
      %dma_start3A_493 = arith.constant 0 : i32
      %dma_start3A_494 = tpu.memref_slice %arg3[%dma_start3A_492, %dma_start3A_493] : memref<100000x128xf32, #tpu.memory_space<hbm>> -> memref<100000x128xf32, #tpu.memory_space<hbm>>
      tpu.enqueue_indirect_dma source(%dma_start3A_494 : memref<100000x128xf32, #tpu.memory_space<hbm>>) target(%dma_start3A_488 : memref<128x128xf32, #tpu.memory_space<vmem>>) offsets(%dma_start3A_491 : memref<128xi32, #tpu.memory_space<vmem>>) semaphore(%arg12 : memref<!tpu.dma_semaphore, #tpu.memory_space<semaphore_mem>>)
      %dma_wait3A_495 = arith.constant 128 : i32
      %dma_wait3A_496 = arith.constant 0 : i32
      %dma_wait3A_497 = tpu.memref_slice %arg8[%dma_wait3A_495, %dma_wait3A_496] : memref<256x128xf32, #tpu.memory_space<vmem>> -> memref<128x128xf32, #tpu.memory_space<vmem>>
      %dma_wait3A_498 = arith.constant 0 : i32
      %dma_wait3A_499 = tpu.memref_slice %arg6[%add3A_389, %dma_wait3A_498] : memref<200x128xi32, #tpu.memory_space<vmem>> -> memref<1x128xi32, #tpu.memory_space<vmem>>
      %dma_wait3A_500 = tpu.memref_squeeze %dma_wait3A_499 : memref<1x128xi32, #tpu.memory_space<vmem>> -> memref<128xi32, #tpu.memory_space<vmem>>
      %dma_wait3A_501 = arith.constant 0 : i32
      %dma_wait3A_502 = arith.constant 0 : i32
      %dma_wait3A_503 = tpu.memref_slice %arg3[%dma_wait3A_501, %dma_wait3A_502] : memref<100000x128xf32, #tpu.memory_space<hbm>> -> memref<100000x128xf32, #tpu.memory_space<hbm>>
      tpu.wait_indirect_dma semaphore(%arg11 : memref<!tpu.dma_semaphore, #tpu.memory_space<semaphore_mem>>) src(%dma_wait3A_503 : memref<100000x128xf32, #tpu.memory_space<hbm>>) dst(%dma_wait3A_497 : memref<128x128xf32, #tpu.memory_space<vmem>>)
      %mul3A_504 = arith.constant 256 : i32
      %mul3A_505 = arith.muli %mul3A_361, %mul3A_504 : i32
      %add3A_506 = arith.addi %mul3A_2, %mul3A_505 : i32
      %jit3A_507 = arith.constant 4096 : i32
      %div3A_508 = arith.divsi %add3A_506, %jit3A_507 : i32
      %sign3A_509 = arith.constant 0 : i32
      %sign3A_510 = arith.cmpi sgt, %add3A_506, %sign3A_509 : i32
      %sign3A_511 = arith.extui %sign3A_510 : i1 to i32
      %sign3A_512 = arith.constant 0 : i32
      %sign3A_513 = arith.cmpi slt, %add3A_506, %sign3A_512 : i32
      %sign3A_514 = arith.extui %sign3A_513 : i1 to i32
      %sign3A_515 = arith.subi %sign3A_511, %sign3A_514 : i32
      %sign3A_516 = arith.constant 0 : i32
      %sign3A_517 = arith.cmpi sgt, %jit3A_507, %sign3A_516 : i32
      %sign3A_518 = arith.extui %sign3A_517 : i1 to i32
      %sign3A_519 = arith.constant 0 : i32
      %sign3A_520 = arith.cmpi slt, %jit3A_507, %sign3A_519 : i32
      %sign3A_521 = arith.extui %sign3A_520 : i1 to i32
      %sign3A_522 = arith.subi %sign3A_518, %sign3A_521 : i32
      %ne3A_523 = arith.cmpi ne, %sign3A_515, %sign3A_522 : i32
      %rem3A_524 = arith.remsi %add3A_506, %jit3A_507 : i32
      %ne3A_525 = arith.constant 0 : i32
      %ne3A_526 = arith.cmpi ne, %rem3A_524, %ne3A_525 : i32
      %and3A_527 = arith.andi %ne3A_523, %ne3A_526 : i1
      %sub3A_528 = arith.constant 1 : i32
      %sub3A_529 = arith.subi %div3A_508, %sub3A_528 : i32
      %select_n3A_530 = arith.select %and3A_527, %sub3A_529, %div3A_508 : i32
      %get3A_531 = arith.index_cast %select_n3A_530 : i32 to index
      %get3A_532 = arith.constant 0 : index
      %get3A_533 = tpu.vector_load %arg7[%get3A_531, %get3A_532] {strides = array<i32>} : memref<200x128xf32, #tpu.memory_space<vmem>>, vector<1x16xf32>,
      %get3A_534 = vector.shape_cast %get3A_533 : vector<1x16xf32> to vector<16xf32>
      %get3A_535 = arith.index_cast %select_n3A_530 : i32 to index
      %get3A_536 = arith.constant 16 : index
      %get3A_537 = tpu.vector_load %arg7[%get3A_535, %get3A_536] {strides = array<i32>} : memref<200x128xf32, #tpu.memory_space<vmem>>, vector<1x16xf32>,
      %get3A_538 = vector.shape_cast %get3A_537 : vector<1x16xf32> to vector<16xf32>
      %get3A_539 = arith.index_cast %select_n3A_530 : i32 to index
      %get3A_540 = arith.constant 32 : index
      %get3A_541 = tpu.vector_load %arg7[%get3A_539, %get3A_540] {strides = array<i32>} : memref<200x128xf32, #tpu.memory_space<vmem>>, vector<1x16xf32>,
      %get3A_542 = vector.shape_cast %get3A_541 : vector<1x16xf32> to vector<16xf32>
      %get3A_543 = arith.index_cast %select_n3A_530 : i32 to index
      %get3A_544 = arith.constant 48 : index
      %get3A_545 = tpu.vector_load %arg7[%get3A_543, %get3A_544] {strides = array<i32>} : memref<200x128xf32, #tpu.memory_space<vmem>>, vector<1x16xf32>,
      %get3A_546 = vector.shape_cast %get3A_545 : vector<1x16xf32> to vector<16xf32>
      %get3A_547 = arith.index_cast %select_n3A_530 : i32 to index
      %get3A_548 = arith.constant 64 : index
      %get3A_549 = tpu.vector_load %arg7[%get3A_547, %get3A_548] {strides = array<i32>} : memref<200x128xf32, #tpu.memory_space<vmem>>, vector<1x16xf32>,
      %get3A_550 = vector.shape_cast %get3A_549 : vector<1x16xf32> to vector<16xf32>
      %get3A_551 = arith.index_cast %select_n3A_530 : i32 to index
      %get3A_552 = arith.constant 80 : index
      %get3A_553 = tpu.vector_load %arg7[%get3A_551, %get3A_552] {strides = array<i32>} : memref<200x128xf32, #tpu.memory_space<vmem>>, vector<1x16xf32>,
      %get3A_554 = vector.shape_cast %get3A_553 : vector<1x16xf32> to vector<16xf32>
      %get3A_555 = arith.index_cast %select_n3A_530 : i32 to index
      %get3A_556 = arith.constant 96 : index
      %get3A_557 = tpu.vector_load %arg7[%get3A_555, %get3A_556] {strides = array<i32>} : memref<200x128xf32, #tpu.memory_space<vmem>>, vector<1x16xf32>,
      %get3A_558 = vector.shape_cast %get3A_557 : vector<1x16xf32> to vector<16xf32>
      %get3A_559 = arith.index_cast %select_n3A_530 : i32 to index
      %get3A_560 = arith.constant 112 : index
      %get3A_561 = tpu.vector_load %arg7[%get3A_559, %get3A_560] {strides = array<i32>} : memref<200x128xf32, #tpu.memory_space<vmem>>, vector<1x16xf32>,
      %get3A_562 = vector.shape_cast %get3A_561 : vector<1x16xf32> to vector<16xf32>
      %scan3A_563 = arith.constant 0 : i32
      %scan3A_564 = arith.constant 128 : i32
      %scan3A_565 = arith.constant 128 : i32
      %scan3A_566 = arith.addi %scan3A_564, %scan3A_565 : i32
      %scan3A_567 = arith.constant 4 : i32
      scf.for %scan3A_744 = %scan3A_564 to %scan3A_566 step %scan3A_567  : i32 {
        %swap3A = arith.index_cast %scan3A_744 : i32 to index
        %swap3A_745 = arith.constant 0 : index
        %swap3A_746 = tpu.vector_load %arg8[%swap3A, %swap3A_745] {strides = array<i32>} : memref<256x128xf32, #tpu.memory_space<vmem>>, vector<1x16xf32>,
        %swap3A_747 = vector.shape_cast %swap3A_746 : vector<1x16xf32> to vector<16xf32>
        %swap3A_748 = vector.shape_cast %get3A_534 : vector<16xf32> to vector<1x16xf32>
        tpu.vector_store %arg8[%swap3A, %swap3A_745], %swap3A_748 {add = true, strides = array<i32>} : memref<256x128xf32, #tpu.memory_space<vmem>>, vector<1x16xf32>,
        %swap3A_749 = arith.index_cast %scan3A_744 : i32 to index
        %swap3A_750 = arith.constant 16 : index
        %swap3A_751 = tpu.vector_load %arg8[%swap3A_749, %swap3A_750] {strides = array<i32>} : memref<256x128xf32, #tpu.memory_space<vmem>>, vector<1x16xf32>,
        %swap3A_752 = vector.shape_cast %swap3A_751 : vector<1x16xf32> to vector<16xf32>
        %swap3A_753 = vector.shape_cast %get3A_538 : vector<16xf32> to vector<1x16xf32>
        tpu.vector_store %arg8[%swap3A_749, %swap3A_750], %swap3A_753 {add = true, strides = array<i32>} : memref<256x128xf32, #tpu.memory_space<vmem>>, vector<1x16xf32>,
        %swap3A_754 = arith.index_cast %scan3A_744 : i32 to index
        %swap3A_755 = arith.constant 32 : index
        %swap3A_756 = tpu.vector_load %arg8[%swap3A_754, %swap3A_755] {strides = array<i32>} : memref<256x128xf32, #tpu.memory_space<vmem>>, vector<1x16xf32>,
        %swap3A_757 = vector.shape_cast %swap3A_756 : vector<1x16xf32> to vector<16xf32>
        %swap3A_758 = vector.shape_cast %get3A_542 : vector<16xf32> to vector<1x16xf32>
        tpu.vector_store %arg8[%swap3A_754, %swap3A_755], %swap3A_758 {add = true, strides = array<i32>} : memref<256x128xf32, #tpu.memory_space<vmem>>, vector<1x16xf32>,
        %swap3A_759 = arith.index_cast %scan3A_744 : i32 to index
        %swap3A_760 = arith.constant 48 : index
        %swap3A_761 = tpu.vector_load %arg8[%swap3A_759, %swap3A_760] {strides = array<i32>} : memref<256x128xf32, #tpu.memory_space<vmem>>, vector<1x16xf32>,
        %swap3A_762 = vector.shape_cast %swap3A_761 : vector<1x16xf32> to vector<16xf32>
        %swap3A_763 = vector.shape_cast %get3A_546 : vector<16xf32> to vector<1x16xf32>
        tpu.vector_store %arg8[%swap3A_759, %swap3A_760], %swap3A_763 {add = true, strides = array<i32>} : memref<256x128xf32, #tpu.memory_space<vmem>>, vector<1x16xf32>,
        %swap3A_764 = arith.index_cast %scan3A_744 : i32 to index
        %swap3A_765 = arith.constant 64 : index
        %swap3A_766 = tpu.vector_load %arg8[%swap3A_764, %swap3A_765] {strides = array<i32>} : memref<256x128xf32, #tpu.memory_space<vmem>>, vector<1x16xf32>,
        %swap3A_767 = vector.shape_cast %swap3A_766 : vector<1x16xf32> to vector<16xf32>
        %swap3A_768 = vector.shape_cast %get3A_550 : vector<16xf32> to vector<1x16xf32>
        tpu.vector_store %arg8[%swap3A_764, %swap3A_765], %swap3A_768 {add = true, strides = array<i32>} : memref<256x128xf32, #tpu.memory_space<vmem>>, vector<1x16xf32>,
        %swap3A_769 = arith.index_cast %scan3A_744 : i32 to index
        %swap3A_770 = arith.constant 80 : index
        %swap3A_771 = tpu.vector_load %arg8[%swap3A_769, %swap3A_770] {strides = array<i32>} : memref<256x128xf32, #tpu.memory_space<vmem>>, vector<1x16xf32>,
        %swap3A_772 = vector.shape_cast %swap3A_771 : vector<1x16xf32> to vector<16xf32>
        %swap3A_773 = vector.shape_cast %get3A_554 : vector<16xf32> to vector<1x16xf32>
        tpu.vector_store %arg8[%swap3A_769, %swap3A_770], %swap3A_773 {add = true, strides = array<i32>} : memref<256x128xf32, #tpu.memory_space<vmem>>, vector<1x16xf32>,
        %swap3A_774 = arith.index_cast %scan3A_744 : i32 to index
        %swap3A_775 = arith.constant 96 : index
        %swap3A_776 = tpu.vector_load %arg8[%swap3A_774, %swap3A_775] {strides = array<i32>} : memref<256x128xf32, #tpu.memory_space<vmem>>, vector<1x16xf32>,
        %swap3A_777 = vector.shape_cast %swap3A_776 : vector<1x16xf32> to vector<16xf32>
        %swap3A_778 = vector.shape_cast %get3A_558 : vector<16xf32> to vector<1x16xf32>
        tpu.vector_store %arg8[%swap3A_774, %swap3A_775], %swap3A_778 {add = true, strides = array<i32>} : memref<256x128xf32, #tpu.memory_space<vmem>>, vector<1x16xf32>,
        %swap3A_779 = arith.index_cast %scan3A_744 : i32 to index
        %swap3A_780 = arith.constant 112 : index
        %swap3A_781 = tpu.vector_load %arg8[%swap3A_779, %swap3A_780] {strides = array<i32>} : memref<256x128xf32, #tpu.memory_space<vmem>>, vector<1x16xf32>,
        %swap3A_782 = vector.shape_cast %swap3A_781 : vector<1x16xf32> to vector<16xf32>
        %swap3A_783 = vector.shape_cast %get3A_562 : vector<16xf32> to vector<1x16xf32>
        tpu.vector_store %arg8[%swap3A_779, %swap3A_780], %swap3A_783 {add = true, strides = array<i32>} : memref<256x128xf32, #tpu.memory_space<vmem>>, vector<1x16xf32>,
        %scan3A_784 = arith.constant 1 : i32
        %scan3A_785 = arith.addi %scan3A_744, %scan3A_784 : i32
        %swap3A_786 = arith.index_cast %scan3A_785 : i32 to index
        %swap3A_787 = arith.constant 0 : index
        %swap3A_788 = tpu.vector_load %arg8[%swap3A_786, %swap3A_787] {strides = array<i32>} : memref<256x128xf32, #tpu.memory_space<vmem>>, vector<1x16xf32>,
        %swap3A_789 = vector.shape_cast %swap3A_788 : vector<1x16xf32> to vector<16xf32>
        %swap3A_790 = vector.shape_cast %get3A_534 : vector<16xf32> to vector<1x16xf32>
        tpu.vector_store %arg8[%swap3A_786, %swap3A_787], %swap3A_790 {add = true, strides = array<i32>} : memref<256x128xf32, #tpu.memory_space<vmem>>, vector<1x16xf32>,
        %swap3A_791 = arith.index_cast %scan3A_785 : i32 to index
        %swap3A_792 = arith.constant 16 : index
        %swap3A_793 = tpu.vector_load %arg8[%swap3A_791, %swap3A_792] {strides = array<i32>} : memref<256x128xf32, #tpu.memory_space<vmem>>, vector<1x16xf32>,
        %swap3A_794 = vector.shape_cast %swap3A_793 : vector<1x16xf32> to vector<16xf32>
        %swap3A_795 = vector.shape_cast %get3A_538 : vector<16xf32> to vector<1x16xf32>
        tpu.vector_store %arg8[%swap3A_791, %swap3A_792], %swap3A_795 {add = true, strides = array<i32>} : memref<256x128xf32, #tpu.memory_space<vmem>>, vector<1x16xf32>,
        %swap3A_796 = arith.index_cast %scan3A_785 : i32 to index
        %swap3A_797 = arith.constant 32 : index
        %swap3A_798 = tpu.vector_load %arg8[%swap3A_796, %swap3A_797] {strides = array<i32>} : memref<256x128xf32, #tpu.memory_space<vmem>>, vector<1x16xf32>,
        %swap3A_799 = vector.shape_cast %swap3A_798 : vector<1x16xf32> to vector<16xf32>
        %swap3A_800 = vector.shape_cast %get3A_542 : vector<16xf32> to vector<1x16xf32>
        tpu.vector_store %arg8[%swap3A_796, %swap3A_797], %swap3A_800 {add = true, strides = array<i32>} : memref<256x128xf32, #tpu.memory_space<vmem>>, vector<1x16xf32>,
        %swap3A_801 = arith.index_cast %scan3A_785 : i32 to index
        %swap3A_802 = arith.constant 48 : index
        %swap3A_803 = tpu.vector_load %arg8[%swap3A_801, %swap3A_802] {strides = array<i32>} : memref<256x128xf32, #tpu.memory_space<vmem>>, vector<1x16xf32>,
        %swap3A_804 = vector.shape_cast %swap3A_803 : vector<1x16xf32> to vector<16xf32>
        %swap3A_805 = vector.shape_cast %get3A_546 : vector<16xf32> to vector<1x16xf32>
        tpu.vector_store %arg8[%swap3A_801, %swap3A_802], %swap3A_805 {add = true, strides = array<i32>} : memref<256x128xf32, #tpu.memory_space<vmem>>, vector<1x16xf32>,
        %swap3A_806 = arith.index_cast %scan3A_785 : i32 to index
        %swap3A_807 = arith.constant 64 : index
        %swap3A_808 = tpu.vector_load %arg8[%swap3A_806, %swap3A_807] {strides = array<i32>} : memref<256x128xf32, #tpu.memory_space<vmem>>, vector<1x16xf32>,
        %swap3A_809 = vector.shape_cast %swap3A_808 : vector<1x16xf32> to vector<16xf32>
        %swap3A_810 = vector.shape_cast %get3A_550 : vector<16xf32> to vector<1x16xf32>
        tpu.vector_store %arg8[%swap3A_806, %swap3A_807], %swap3A_810 {add = true, strides = array<i32>} : memref<256x128xf32, #tpu.memory_space<vmem>>, vector<1x16xf32>,
        %swap3A_811 = arith.index_cast %scan3A_785 : i32 to index
        %swap3A_812 = arith.constant 80 : index
        %swap3A_813 = tpu.vector_load %arg8[%swap3A_811, %swap3A_812] {strides = array<i32>} : memref<256x128xf32, #tpu.memory_space<vmem>>, vector<1x16xf32>,
        %swap3A_814 = vector.shape_cast %swap3A_813 : vector<1x16xf32> to vector<16xf32>
        %swap3A_815 = vector.shape_cast %get3A_554 : vector<16xf32> to vector<1x16xf32>
        tpu.vector_store %arg8[%swap3A_811, %swap3A_812], %swap3A_815 {add = true, strides = array<i32>} : memref<256x128xf32, #tpu.memory_space<vmem>>, vector<1x16xf32>,
        %swap3A_816 = arith.index_cast %scan3A_785 : i32 to index
        %swap3A_817 = arith.constant 96 : index
        %swap3A_818 = tpu.vector_load %arg8[%swap3A_816, %swap3A_817] {strides = array<i32>} : memref<256x128xf32, #tpu.memory_space<vmem>>, vector<1x16xf32>,
        %swap3A_819 = vector.shape_cast %swap3A_818 : vector<1x16xf32> to vector<16xf32>
        %swap3A_820 = vector.shape_cast %get3A_558 : vector<16xf32> to vector<1x16xf32>
        tpu.vector_store %arg8[%swap3A_816, %swap3A_817], %swap3A_820 {add = true, strides = array<i32>} : memref<256x128xf32, #tpu.memory_space<vmem>>, vector<1x16xf32>,
        %swap3A_821 = arith.index_cast %scan3A_785 : i32 to index
        %swap3A_822 = arith.constant 112 : index
        %swap3A_823 = tpu.vector_load %arg8[%swap3A_821, %swap3A_822] {strides = array<i32>} : memref<256x128xf32, #tpu.memory_space<vmem>>, vector<1x16xf32>,
        %swap3A_824 = vector.shape_cast %swap3A_823 : vector<1x16xf32> to vector<16xf32>
        %swap3A_825 = vector.shape_cast %get3A_562 : vector<16xf32> to vector<1x16xf32>
        tpu.vector_store %arg8[%swap3A_821, %swap3A_822], %swap3A_825 {add = true, strides = array<i32>} : memref<256x128xf32, #tpu.memory_space<vmem>>, vector<1x16xf32>,
        %scan3A_826 = arith.constant 2 : i32
        %scan3A_827 = arith.addi %scan3A_744, %scan3A_826 : i32
        %swap3A_828 = arith.index_cast %scan3A_827 : i32 to index
        %swap3A_829 = arith.constant 0 : index
        %swap3A_830 = tpu.vector_load %arg8[%swap3A_828, %swap3A_829] {strides = array<i32>} : memref<256x128xf32, #tpu.memory_space<vmem>>, vector<1x16xf32>,
        %swap3A_831 = vector.shape_cast %swap3A_830 : vector<1x16xf32> to vector<16xf32>
        %swap3A_832 = vector.shape_cast %get3A_534 : vector<16xf32> to vector<1x16xf32>
        tpu.vector_store %arg8[%swap3A_828, %swap3A_829], %swap3A_832 {add = true, strides = array<i32>} : memref<256x128xf32, #tpu.memory_space<vmem>>, vector<1x16xf32>,
        %swap3A_833 = arith.index_cast %scan3A_827 : i32 to index
        %swap3A_834 = arith.constant 16 : index
        %swap3A_835 = tpu.vector_load %arg8[%swap3A_833, %swap3A_834] {strides = array<i32>} : memref<256x128xf32, #tpu.memory_space<vmem>>, vector<1x16xf32>,
        %swap3A_836 = vector.shape_cast %swap3A_835 : vector<1x16xf32> to vector<16xf32>
        %swap3A_837 = vector.shape_cast %get3A_538 : vector<16xf32> to vector<1x16xf32>
        tpu.vector_store %arg8[%swap3A_833, %swap3A_834], %swap3A_837 {add = true, strides = array<i32>} : memref<256x128xf32, #tpu.memory_space<vmem>>, vector<1x16xf32>,
        %swap3A_838 = arith.index_cast %scan3A_827 : i32 to index
        %swap3A_839 = arith.constant 32 : index
        %swap3A_840 = tpu.vector_load %arg8[%swap3A_838, %swap3A_839] {strides = array<i32>} : memref<256x128xf32, #tpu.memory_space<vmem>>, vector<1x16xf32>,
        %swap3A_841 = vector.shape_cast %swap3A_840 : vector<1x16xf32> to vector<16xf32>
        %swap3A_842 = vector.shape_cast %get3A_542 : vector<16xf32> to vector<1x16xf32>
        tpu.vector_store %arg8[%swap3A_838, %swap3A_839], %swap3A_842 {add = true, strides = array<i32>} : memref<256x128xf32, #tpu.memory_space<vmem>>, vector<1x16xf32>,
        %swap3A_843 = arith.index_cast %scan3A_827 : i32 to index
        %swap3A_844 = arith.constant 48 : index
        %swap3A_845 = tpu.vector_load %arg8[%swap3A_843, %swap3A_844] {strides = array<i32>} : memref<256x128xf32, #tpu.memory_space<vmem>>, vector<1x16xf32>,
        %swap3A_846 = vector.shape_cast %swap3A_845 : vector<1x16xf32> to vector<16xf32>
        %swap3A_847 = vector.shape_cast %get3A_546 : vector<16xf32> to vector<1x16xf32>
        tpu.vector_store %arg8[%swap3A_843, %swap3A_844], %swap3A_847 {add = true, strides = array<i32>} : memref<256x128xf32, #tpu.memory_space<vmem>>, vector<1x16xf32>,
        %swap3A_848 = arith.index_cast %scan3A_827 : i32 to index
        %swap3A_849 = arith.constant 64 : index
        %swap3A_850 = tpu.vector_load %arg8[%swap3A_848, %swap3A_849] {strides = array<i32>} : memref<256x128xf32, #tpu.memory_space<vmem>>, vector<1x16xf32>,
        %swap3A_851 = vector.shape_cast %swap3A_850 : vector<1x16xf32> to vector<16xf32>
        %swap3A_852 = vector.shape_cast %get3A_550 : vector<16xf32> to vector<1x16xf32>
        tpu.vector_store %arg8[%swap3A_848, %swap3A_849], %swap3A_852 {add = true, strides = array<i32>} : memref<256x128xf32, #tpu.memory_space<vmem>>, vector<1x16xf32>,
        %swap3A_853 = arith.index_cast %scan3A_827 : i32 to index
        %swap3A_854 = arith.constant 80 : index
        %swap3A_855 = tpu.vector_load %arg8[%swap3A_853, %swap3A_854] {strides = array<i32>} : memref<256x128xf32, #tpu.memory_space<vmem>>, vector<1x16xf32>,
        %swap3A_856 = vector.shape_cast %swap3A_855 : vector<1x16xf32> to vector<16xf32>
        %swap3A_857 = vector.shape_cast %get3A_554 : vector<16xf32> to vector<1x16xf32>
        tpu.vector_store %arg8[%swap3A_853, %swap3A_854], %swap3A_857 {add = true, strides = array<i32>} : memref<256x128xf32, #tpu.memory_space<vmem>>, vector<1x16xf32>,
        %swap3A_858 = arith.index_cast %scan3A_827 : i32 to index
        %swap3A_859 = arith.constant 96 : index
        %swap3A_860 = tpu.vector_load %arg8[%swap3A_858, %swap3A_859] {strides = array<i32>} : memref<256x128xf32, #tpu.memory_space<vmem>>, vector<1x16xf32>,
        %swap3A_861 = vector.shape_cast %swap3A_860 : vector<1x16xf32> to vector<16xf32>
        %swap3A_862 = vector.shape_cast %get3A_558 : vector<16xf32> to vector<1x16xf32>
        tpu.vector_store %arg8[%swap3A_858, %swap3A_859], %swap3A_862 {add = true, strides = array<i32>} : memref<256x128xf32, #tpu.memory_space<vmem>>, vector<1x16xf32>,
        %swap3A_863 = arith.index_cast %scan3A_827 : i32 to index
        %swap3A_864 = arith.constant 112 : index
        %swap3A_865 = tpu.vector_load %arg8[%swap3A_863, %swap3A_864] {strides = array<i32>} : memref<256x128xf32, #tpu.memory_space<vmem>>, vector<1x16xf32>,
        %swap3A_866 = vector.shape_cast %swap3A_865 : vector<1x16xf32> to vector<16xf32>
        %swap3A_867 = vector.shape_cast %get3A_562 : vector<16xf32> to vector<1x16xf32>
        tpu.vector_store %arg8[%swap3A_863, %swap3A_864], %swap3A_867 {add = true, strides = array<i32>} : memref<256x128xf32, #tpu.memory_space<vmem>>, vector<1x16xf32>,
        %scan3A_868 = arith.constant 3 : i32
        %scan3A_869 = arith.addi %scan3A_744, %scan3A_868 : i32
        %swap3A_870 = arith.index_cast %scan3A_869 : i32 to index
        %swap3A_871 = arith.constant 0 : index
        %swap3A_872 = tpu.vector_load %arg8[%swap3A_870, %swap3A_871] {strides = array<i32>} : memref<256x128xf32, #tpu.memory_space<vmem>>, vector<1x16xf32>,
        %swap3A_873 = vector.shape_cast %swap3A_872 : vector<1x16xf32> to vector<16xf32>
        %swap3A_874 = vector.shape_cast %get3A_534 : vector<16xf32> to vector<1x16xf32>
        tpu.vector_store %arg8[%swap3A_870, %swap3A_871], %swap3A_874 {add = true, strides = array<i32>} : memref<256x128xf32, #tpu.memory_space<vmem>>, vector<1x16xf32>,
        %swap3A_875 = arith.index_cast %scan3A_869 : i32 to index
        %swap3A_876 = arith.constant 16 : index
        %swap3A_877 = tpu.vector_load %arg8[%swap3A_875, %swap3A_876] {strides = array<i32>} : memref<256x128xf32, #tpu.memory_space<vmem>>, vector<1x16xf32>,
        %swap3A_878 = vector.shape_cast %swap3A_877 : vector<1x16xf32> to vector<16xf32>
        %swap3A_879 = vector.shape_cast %get3A_538 : vector<16xf32> to vector<1x16xf32>
        tpu.vector_store %arg8[%swap3A_875, %swap3A_876], %swap3A_879 {add = true, strides = array<i32>} : memref<256x128xf32, #tpu.memory_space<vmem>>, vector<1x16xf32>,
        %swap3A_880 = arith.index_cast %scan3A_869 : i32 to index
        %swap3A_881 = arith.constant 32 : index
        %swap3A_882 = tpu.vector_load %arg8[%swap3A_880, %swap3A_881] {strides = array<i32>} : memref<256x128xf32, #tpu.memory_space<vmem>>, vector<1x16xf32>,
        %swap3A_883 = vector.shape_cast %swap3A_882 : vector<1x16xf32> to vector<16xf32>
        %swap3A_884 = vector.shape_cast %get3A_542 : vector<16xf32> to vector<1x16xf32>
        tpu.vector_store %arg8[%swap3A_880, %swap3A_881], %swap3A_884 {add = true, strides = array<i32>} : memref<256x128xf32, #tpu.memory_space<vmem>>, vector<1x16xf32>,
        %swap3A_885 = arith.index_cast %scan3A_869 : i32 to index
        %swap3A_886 = arith.constant 48 : index
        %swap3A_887 = tpu.vector_load %arg8[%swap3A_885, %swap3A_886] {strides = array<i32>} : memref<256x128xf32, #tpu.memory_space<vmem>>, vector<1x16xf32>,
        %swap3A_888 = vector.shape_cast %swap3A_887 : vector<1x16xf32> to vector<16xf32>
        %swap3A_889 = vector.shape_cast %get3A_546 : vector<16xf32> to vector<1x16xf32>
        tpu.vector_store %arg8[%swap3A_885, %swap3A_886], %swap3A_889 {add = true, strides = array<i32>} : memref<256x128xf32, #tpu.memory_space<vmem>>, vector<1x16xf32>,
        %swap3A_890 = arith.index_cast %scan3A_869 : i32 to index
        %swap3A_891 = arith.constant 64 : index
        %swap3A_892 = tpu.vector_load %arg8[%swap3A_890, %swap3A_891] {strides = array<i32>} : memref<256x128xf32, #tpu.memory_space<vmem>>, vector<1x16xf32>,
        %swap3A_893 = vector.shape_cast %swap3A_892 : vector<1x16xf32> to vector<16xf32>
        %swap3A_894 = vector.shape_cast %get3A_550 : vector<16xf32> to vector<1x16xf32>
        tpu.vector_store %arg8[%swap3A_890, %swap3A_891], %swap3A_894 {add = true, strides = array<i32>} : memref<256x128xf32, #tpu.memory_space<vmem>>, vector<1x16xf32>,
        %swap3A_895 = arith.index_cast %scan3A_869 : i32 to index
        %swap3A_896 = arith.constant 80 : index
        %swap3A_897 = tpu.vector_load %arg8[%swap3A_895, %swap3A_896] {strides = array<i32>} : memref<256x128xf32, #tpu.memory_space<vmem>>, vector<1x16xf32>,
        %swap3A_898 = vector.shape_cast %swap3A_897 : vector<1x16xf32> to vector<16xf32>
        %swap3A_899 = vector.shape_cast %get3A_554 : vector<16xf32> to vector<1x16xf32>
        tpu.vector_store %arg8[%swap3A_895, %swap3A_896], %swap3A_899 {add = true, strides = array<i32>} : memref<256x128xf32, #tpu.memory_space<vmem>>, vector<1x16xf32>,
        %swap3A_900 = arith.index_cast %scan3A_869 : i32 to index
        %swap3A_901 = arith.constant 96 : index
        %swap3A_902 = tpu.vector_load %arg8[%swap3A_900, %swap3A_901] {strides = array<i32>} : memref<256x128xf32, #tpu.memory_space<vmem>>, vector<1x16xf32>,
        %swap3A_903 = vector.shape_cast %swap3A_902 : vector<1x16xf32> to vector<16xf32>
        %swap3A_904 = vector.shape_cast %get3A_558 : vector<16xf32> to vector<1x16xf32>
        tpu.vector_store %arg8[%swap3A_900, %swap3A_901], %swap3A_904 {add = true, strides = array<i32>} : memref<256x128xf32, #tpu.memory_space<vmem>>, vector<1x16xf32>,
        %swap3A_905 = arith.index_cast %scan3A_869 : i32 to index
        %swap3A_906 = arith.constant 112 : index
        %swap3A_907 = tpu.vector_load %arg8[%swap3A_905, %swap3A_906] {strides = array<i32>} : memref<256x128xf32, #tpu.memory_space<vmem>>, vector<1x16xf32>,
        %swap3A_908 = vector.shape_cast %swap3A_907 : vector<1x16xf32> to vector<16xf32>
        %swap3A_909 = vector.shape_cast %get3A_562 : vector<16xf32> to vector<1x16xf32>
        tpu.vector_store %arg8[%swap3A_905, %swap3A_906], %swap3A_909 {add = true, strides = array<i32>} : memref<256x128xf32, #tpu.memory_space<vmem>>, vector<1x16xf32>,
      }
      %scan3A_568 = arith.constant 128 : i32
      %mul3A_569 = arith.constant 256 : i32
      %mul3A_570 = arith.muli %mul3A_361, %mul3A_569 : i32
      %add3A_571 = arith.addi %mul3A_2, %mul3A_570 : i32
      %dma_start3A_572 = arith.constant 0 : i32
      %dma_start3A_573 = tpu.memref_slice %arg5[%add3A_571, %dma_start3A_572] : memref<819200x128xf32, #tpu.memory_space<hbm>> -> memref<256x128xf32, #tpu.memory_space<hbm>>
      %dma_start3A_574 = arith.constant 0 : i32
      %dma_start3A_575 = tpu.memref_slice %arg5[%add3A_571, %dma_start3A_574] : memref<819200x128xf32, #tpu.memory_space<hbm>> -> memref<256x128xf32, #tpu.memory_space<hbm>>
      tpu.enqueue_dma source(%arg8 : memref<256x128xf32, #tpu.memory_space<vmem>>) target(%dma_start3A_575 : memref<256x128xf32, #tpu.memory_space<hbm>>) target_semaphore(%arg14 : memref<!tpu.dma_semaphore, #tpu.memory_space<semaphore_mem>>)
      %mul3A_576 = arith.constant 2 : i32
      %mul3A_577 = arith.muli %add3A_363, %mul3A_576 : i32
      %add3A_578 = arith.constant 1 : i32
      %add3A_579 = arith.addi %mul3A_577, %add3A_578 : i32
      %dma_start3A_580 = arith.constant 128 : i32
      %dma_start3A_581 = arith.constant 0 : i32
      %dma_start3A_582 = tpu.memref_slice %arg9[%dma_start3A_580, %dma_start3A_581] : memref<256x128xf32, #tpu.memory_space<vmem>> -> memref<128x128xf32, #tpu.memory_space<vmem>>
      %dma_start3A_583 = arith.constant 0 : i32
      %dma_start3A_584 = tpu.memref_slice %arg6[%add3A_579, %dma_start3A_583] : memref<200x128xi32, #tpu.memory_space<vmem>> -> memref<1x128xi32, #tpu.memory_space<vmem>>
      %dma_start3A_585 = tpu.memref_squeeze %dma_start3A_584 : memref<1x128xi32, #tpu.memory_space<vmem>> -> memref<128xi32, #tpu.memory_space<vmem>>
      %dma_start3A_586 = arith.constant 0 : i32
      %dma_start3A_587 = arith.constant 0 : i32
      %dma_start3A_588 = tpu.memref_slice %arg3[%dma_start3A_586, %dma_start3A_587] : memref<100000x128xf32, #tpu.memory_space<hbm>> -> memref<100000x128xf32, #tpu.memory_space<hbm>>
      tpu.enqueue_indirect_dma source(%dma_start3A_588 : memref<100000x128xf32, #tpu.memory_space<hbm>>) target(%dma_start3A_582 : memref<128x128xf32, #tpu.memory_space<vmem>>) offsets(%dma_start3A_585 : memref<128xi32, #tpu.memory_space<vmem>>) semaphore(%arg13 : memref<!tpu.dma_semaphore, #tpu.memory_space<semaphore_mem>>)
      %dma_wait3A_589 = arith.constant 0 : i32
      %dma_wait3A_590 = arith.constant 0 : i32
      %dma_wait3A_591 = tpu.memref_slice %arg9[%dma_wait3A_589, %dma_wait3A_590] : memref<256x128xf32, #tpu.memory_space<vmem>> -> memref<128x128xf32, #tpu.memory_space<vmem>>
      %dma_wait3A_592 = arith.constant 0 : i32
      %dma_wait3A_593 = tpu.memref_slice %arg6[%add3A_485, %dma_wait3A_592] : memref<200x128xi32, #tpu.memory_space<vmem>> -> memref<1x128xi32, #tpu.memory_space<vmem>>
      %dma_wait3A_594 = tpu.memref_squeeze %dma_wait3A_593 : memref<1x128xi32, #tpu.memory_space<vmem>> -> memref<128xi32, #tpu.memory_space<vmem>>
      %dma_wait3A_595 = arith.constant 0 : i32
      %dma_wait3A_596 = arith.constant 0 : i32
      %dma_wait3A_597 = tpu.memref_slice %arg3[%dma_wait3A_595, %dma_wait3A_596] : memref<100000x128xf32, #tpu.memory_space<hbm>> -> memref<100000x128xf32, #tpu.memory_space<hbm>>
      tpu.wait_indirect_dma semaphore(%arg12 : memref<!tpu.dma_semaphore, #tpu.memory_space<semaphore_mem>>) src(%dma_wait3A_597 : memref<100000x128xf32, #tpu.memory_space<hbm>>) dst(%dma_wait3A_591 : memref<128x128xf32, #tpu.memory_space<vmem>>)
      %mul3A_598 = arith.constant 256 : i32
      %mul3A_599 = arith.muli %add3A_363, %mul3A_598 : i32
      %add3A_600 = arith.addi %mul3A_2, %mul3A_599 : i32
      %jit3A_601 = arith.constant 4096 : i32
      %div3A_602 = arith.divsi %add3A_600, %jit3A_601 : i32
      %sign3A_603 = arith.constant 0 : i32
      %sign3A_604 = arith.cmpi sgt, %add3A_600, %sign3A_603 : i32
      %sign3A_605 = arith.extui %sign3A_604 : i1 to i32
      %sign3A_606 = arith.constant 0 : i32
      %sign3A_607 = arith.cmpi slt, %add3A_600, %sign3A_606 : i32
      %sign3A_608 = arith.extui %sign3A_607 : i1 to i32
      %sign3A_609 = arith.subi %sign3A_605, %sign3A_608 : i32
      %sign3A_610 = arith.constant 0 : i32
      %sign3A_611 = arith.cmpi sgt, %jit3A_601, %sign3A_610 : i32
      %sign3A_612 = arith.extui %sign3A_611 : i1 to i32
      %sign3A_613 = arith.constant 0 : i32
      %sign3A_614 = arith.cmpi slt, %jit3A_601, %sign3A_613 : i32
      %sign3A_615 = arith.extui %sign3A_614 : i1 to i32
      %sign3A_616 = arith.subi %sign3A_612, %sign3A_615 : i32
      %ne3A_617 = arith.cmpi ne, %sign3A_609, %sign3A_616 : i32
      %rem3A_618 = arith.remsi %add3A_600, %jit3A_601 : i32
      %ne3A_619 = arith.constant 0 : i32
      %ne3A_620 = arith.cmpi ne, %rem3A_618, %ne3A_619 : i32
      %and3A_621 = arith.andi %ne3A_617, %ne3A_620 : i1
      %sub3A_622 = arith.constant 1 : i32
      %sub3A_623 = arith.subi %div3A_602, %sub3A_622 : i32
      %select_n3A_624 = arith.select %and3A_621, %sub3A_623, %div3A_602 : i32
      %get3A_625 = arith.index_cast %select_n3A_624 : i32 to index
      %get3A_626 = arith.constant 0 : index
      %get3A_627 = tpu.vector_load %arg7[%get3A_625, %get3A_626] {strides = array<i32>} : memref<200x128xf32, #tpu.memory_space<vmem>>, vector<1x16xf32>,
      %get3A_628 = vector.shape_cast %get3A_627 : vector<1x16xf32> to vector<16xf32>
      %get3A_629 = arith.index_cast %select_n3A_624 : i32 to index
      %get3A_630 = arith.constant 16 : index
      %get3A_631 = tpu.vector_load %arg7[%get3A_629, %get3A_630] {strides = array<i32>} : memref<200x128xf32, #tpu.memory_space<vmem>>, vector<1x16xf32>,
      %get3A_632 = vector.shape_cast %get3A_631 : vector<1x16xf32> to vector<16xf32>
      %get3A_633 = arith.index_cast %select_n3A_624 : i32 to index
      %get3A_634 = arith.constant 32 : index
      %get3A_635 = tpu.vector_load %arg7[%get3A_633, %get3A_634] {strides = array<i32>} : memref<200x128xf32, #tpu.memory_space<vmem>>, vector<1x16xf32>,
      %get3A_636 = vector.shape_cast %get3A_635 : vector<1x16xf32> to vector<16xf32>
      %get3A_637 = arith.index_cast %select_n3A_624 : i32 to index
      %get3A_638 = arith.constant 48 : index
      %get3A_639 = tpu.vector_load %arg7[%get3A_637, %get3A_638] {strides = array<i32>} : memref<200x128xf32, #tpu.memory_space<vmem>>, vector<1x16xf32>,
      %get3A_640 = vector.shape_cast %get3A_639 : vector<1x16xf32> to vector<16xf32>
      %get3A_641 = arith.index_cast %select_n3A_624 : i32 to index
      %get3A_642 = arith.constant 64 : index
      %get3A_643 = tpu.vector_load %arg7[%get3A_641, %get3A_642] {strides = array<i32>} : memref<200x128xf32, #tpu.memory_space<vmem>>, vector<1x16xf32>,
      %get3A_644 = vector.shape_cast %get3A_643 : vector<1x16xf32> to vector<16xf32>
      %get3A_645 = arith.index_cast %select_n3A_624 : i32 to index
      %get3A_646 = arith.constant 80 : index
      %get3A_647 = tpu.vector_load %arg7[%get3A_645, %get3A_646] {strides = array<i32>} : memref<200x128xf32, #tpu.memory_space<vmem>>, vector<1x16xf32>,
      %get3A_648 = vector.shape_cast %get3A_647 : vector<1x16xf32> to vector<16xf32>
      %get3A_649 = arith.index_cast %select_n3A_624 : i32 to index
      %get3A_650 = arith.constant 96 : index
      %get3A_651 = tpu.vector_load %arg7[%get3A_649, %get3A_650] {strides = array<i32>} : memref<200x128xf32, #tpu.memory_space<vmem>>, vector<1x16xf32>,
      %get3A_652 = vector.shape_cast %get3A_651 : vector<1x16xf32> to vector<16xf32>
      %get3A_653 = arith.index_cast %select_n3A_624 : i32 to index
      %get3A_654 = arith.constant 112 : index
      %get3A_655 = tpu.vector_load %arg7[%get3A_653, %get3A_654] {strides = array<i32>} : memref<200x128xf32, #tpu.memory_space<vmem>>, vector<1x16xf32>,
      %get3A_656 = vector.shape_cast %get3A_655 : vector<1x16xf32> to vector<16xf32>
      %scan3A_657 = arith.constant 0 : i32
      %scan3A_658 = arith.constant 0 : i32
      %scan3A_659 = arith.constant 128 : i32
      %scan3A_660 = arith.addi %scan3A_658, %scan3A_659 : i32
      %scan3A_661 = arith.constant 4 : i32
      scf.for %scan3A_744 = %scan3A_658 to %scan3A_660 step %scan3A_661  : i32 {
        %swap3A = arith.index_cast %scan3A_744 : i32 to index
        %swap3A_745 = arith.constant 0 : index
        %swap3A_746 = tpu.vector_load %arg9[%swap3A, %swap3A_745] {strides = array<i32>} : memref<256x128xf32, #tpu.memory_space<vmem>>, vector<1x16xf32>,
        %swap3A_747 = vector.shape_cast %swap3A_746 : vector<1x16xf32> to vector<16xf32>
        %swap3A_748 = vector.shape_cast %get3A_628 : vector<16xf32> to vector<1x16xf32>
        tpu.vector_store %arg9[%swap3A, %swap3A_745], %swap3A_748 {add = true, strides = array<i32>} : memref<256x128xf32, #tpu.memory_space<vmem>>, vector<1x16xf32>,
        %swap3A_749 = arith.index_cast %scan3A_744 : i32 to index
        %swap3A_750 = arith.constant 16 : index
        %swap3A_751 = tpu.vector_load %arg9[%swap3A_749, %swap3A_750] {strides = array<i32>} : memref<256x128xf32, #tpu.memory_space<vmem>>, vector<1x16xf32>,
        %swap3A_752 = vector.shape_cast %swap3A_751 : vector<1x16xf32> to vector<16xf32>
        %swap3A_753 = vector.shape_cast %get3A_632 : vector<16xf32> to vector<1x16xf32>
        tpu.vector_store %arg9[%swap3A_749, %swap3A_750], %swap3A_753 {add = true, strides = array<i32>} : memref<256x128xf32, #tpu.memory_space<vmem>>, vector<1x16xf32>,
        %swap3A_754 = arith.index_cast %scan3A_744 : i32 to index
        %swap3A_755 = arith.constant 32 : index
        %swap3A_756 = tpu.vector_load %arg9[%swap3A_754, %swap3A_755] {strides = array<i32>} : memref<256x128xf32, #tpu.memory_space<vmem>>, vector<1x16xf32>,
        %swap3A_757 = vector.shape_cast %swap3A_756 : vector<1x16xf32> to vector<16xf32>
        %swap3A_758 = vector.shape_cast %get3A_636 : vector<16xf32> to vector<1x16xf32>
        tpu.vector_store %arg9[%swap3A_754, %swap3A_755], %swap3A_758 {add = true, strides = array<i32>} : memref<256x128xf32, #tpu.memory_space<vmem>>, vector<1x16xf32>,
        %swap3A_759 = arith.index_cast %scan3A_744 : i32 to index
        %swap3A_760 = arith.constant 48 : index
        %swap3A_761 = tpu.vector_load %arg9[%swap3A_759, %swap3A_760] {strides = array<i32>} : memref<256x128xf32, #tpu.memory_space<vmem>>, vector<1x16xf32>,
        %swap3A_762 = vector.shape_cast %swap3A_761 : vector<1x16xf32> to vector<16xf32>
        %swap3A_763 = vector.shape_cast %get3A_640 : vector<16xf32> to vector<1x16xf32>
        tpu.vector_store %arg9[%swap3A_759, %swap3A_760], %swap3A_763 {add = true, strides = array<i32>} : memref<256x128xf32, #tpu.memory_space<vmem>>, vector<1x16xf32>,
        %swap3A_764 = arith.index_cast %scan3A_744 : i32 to index
        %swap3A_765 = arith.constant 64 : index
        %swap3A_766 = tpu.vector_load %arg9[%swap3A_764, %swap3A_765] {strides = array<i32>} : memref<256x128xf32, #tpu.memory_space<vmem>>, vector<1x16xf32>,
        %swap3A_767 = vector.shape_cast %swap3A_766 : vector<1x16xf32> to vector<16xf32>
        %swap3A_768 = vector.shape_cast %get3A_644 : vector<16xf32> to vector<1x16xf32>
        tpu.vector_store %arg9[%swap3A_764, %swap3A_765], %swap3A_768 {add = true, strides = array<i32>} : memref<256x128xf32, #tpu.memory_space<vmem>>, vector<1x16xf32>,
        %swap3A_769 = arith.index_cast %scan3A_744 : i32 to index
        %swap3A_770 = arith.constant 80 : index
        %swap3A_771 = tpu.vector_load %arg9[%swap3A_769, %swap3A_770] {strides = array<i32>} : memref<256x128xf32, #tpu.memory_space<vmem>>, vector<1x16xf32>,
        %swap3A_772 = vector.shape_cast %swap3A_771 : vector<1x16xf32> to vector<16xf32>
        %swap3A_773 = vector.shape_cast %get3A_648 : vector<16xf32> to vector<1x16xf32>
        tpu.vector_store %arg9[%swap3A_769, %swap3A_770], %swap3A_773 {add = true, strides = array<i32>} : memref<256x128xf32, #tpu.memory_space<vmem>>, vector<1x16xf32>,
        %swap3A_774 = arith.index_cast %scan3A_744 : i32 to index
        %swap3A_775 = arith.constant 96 : index
        %swap3A_776 = tpu.vector_load %arg9[%swap3A_774, %swap3A_775] {strides = array<i32>} : memref<256x128xf32, #tpu.memory_space<vmem>>, vector<1x16xf32>,
        %swap3A_777 = vector.shape_cast %swap3A_776 : vector<1x16xf32> to vector<16xf32>
        %swap3A_778 = vector.shape_cast %get3A_652 : vector<16xf32> to vector<1x16xf32>
        tpu.vector_store %arg9[%swap3A_774, %swap3A_775], %swap3A_778 {add = true, strides = array<i32>} : memref<256x128xf32, #tpu.memory_space<vmem>>, vector<1x16xf32>,
        %swap3A_779 = arith.index_cast %scan3A_744 : i32 to index
        %swap3A_780 = arith.constant 112 : index
        %swap3A_781 = tpu.vector_load %arg9[%swap3A_779, %swap3A_780] {strides = array<i32>} : memref<256x128xf32, #tpu.memory_space<vmem>>, vector<1x16xf32>,
        %swap3A_782 = vector.shape_cast %swap3A_781 : vector<1x16xf32> to vector<16xf32>
        %swap3A_783 = vector.shape_cast %get3A_656 : vector<16xf32> to vector<1x16xf32>
        tpu.vector_store %arg9[%swap3A_779, %swap3A_780], %swap3A_783 {add = true, strides = array<i32>} : memref<256x128xf32, #tpu.memory_space<vmem>>, vector<1x16xf32>,
        %scan3A_784 = arith.constant 1 : i32
        %scan3A_785 = arith.addi %scan3A_744, %scan3A_784 : i32
        %swap3A_786 = arith.index_cast %scan3A_785 : i32 to index
        %swap3A_787 = arith.constant 0 : index
        %swap3A_788 = tpu.vector_load %arg9[%swap3A_786, %swap3A_787] {strides = array<i32>} : memref<256x128xf32, #tpu.memory_space<vmem>>, vector<1x16xf32>,
        %swap3A_789 = vector.shape_cast %swap3A_788 : vector<1x16xf32> to vector<16xf32>
        %swap3A_790 = vector.shape_cast %get3A_628 : vector<16xf32> to vector<1x16xf32>
        tpu.vector_store %arg9[%swap3A_786, %swap3A_787], %swap3A_790 {add = true, strides = array<i32>} : memref<256x128xf32, #tpu.memory_space<vmem>>, vector<1x16xf32>,
        %swap3A_791 = arith.index_cast %scan3A_785 : i32 to index
        %swap3A_792 = arith.constant 16 : index
        %swap3A_793 = tpu.vector_load %arg9[%swap3A_791, %swap3A_792] {strides = array<i32>} : memref<256x128xf32, #tpu.memory_space<vmem>>, vector<1x16xf32>,
        %swap3A_794 = vector.shape_cast %swap3A_793 : vector<1x16xf32> to vector<16xf32>
        %swap3A_795 = vector.shape_cast %get3A_632 : vector<16xf32> to vector<1x16xf32>
        tpu.vector_store %arg9[%swap3A_791, %swap3A_792], %swap3A_795 {add = true, strides = array<i32>} : memref<256x128xf32, #tpu.memory_space<vmem>>, vector<1x16xf32>,
        %swap3A_796 = arith.index_cast %scan3A_785 : i32 to index
        %swap3A_797 = arith.constant 32 : index
        %swap3A_798 = tpu.vector_load %arg9[%swap3A_796, %swap3A_797] {strides = array<i32>} : memref<256x128xf32, #tpu.memory_space<vmem>>, vector<1x16xf32>,
        %swap3A_799 = vector.shape_cast %swap3A_798 : vector<1x16xf32> to vector<16xf32>
        %swap3A_800 = vector.shape_cast %get3A_636 : vector<16xf32> to vector<1x16xf32>
        tpu.vector_store %arg9[%swap3A_796, %swap3A_797], %swap3A_800 {add = true, strides = array<i32>} : memref<256x128xf32, #tpu.memory_space<vmem>>, vector<1x16xf32>,
        %swap3A_801 = arith.index_cast %scan3A_785 : i32 to index
        %swap3A_802 = arith.constant 48 : index
        %swap3A_803 = tpu.vector_load %arg9[%swap3A_801, %swap3A_802] {strides = array<i32>} : memref<256x128xf32, #tpu.memory_space<vmem>>, vector<1x16xf32>,
        %swap3A_804 = vector.shape_cast %swap3A_803 : vector<1x16xf32> to vector<16xf32>
        %swap3A_805 = vector.shape_cast %get3A_640 : vector<16xf32> to vector<1x16xf32>
        tpu.vector_store %arg9[%swap3A_801, %swap3A_802], %swap3A_805 {add = true, strides = array<i32>} : memref<256x128xf32, #tpu.memory_space<vmem>>, vector<1x16xf32>,
        %swap3A_806 = arith.index_cast %scan3A_785 : i32 to index
        %swap3A_807 = arith.constant 64 : index
        %swap3A_808 = tpu.vector_load %arg9[%swap3A_806, %swap3A_807] {strides = array<i32>} : memref<256x128xf32, #tpu.memory_space<vmem>>, vector<1x16xf32>,
        %swap3A_809 = vector.shape_cast %swap3A_808 : vector<1x16xf32> to vector<16xf32>
        %swap3A_810 = vector.shape_cast %get3A_644 : vector<16xf32> to vector<1x16xf32>
        tpu.vector_store %arg9[%swap3A_806, %swap3A_807], %swap3A_810 {add = true, strides = array<i32>} : memref<256x128xf32, #tpu.memory_space<vmem>>, vector<1x16xf32>,
        %swap3A_811 = arith.index_cast %scan3A_785 : i32 to index
        %swap3A_812 = arith.constant 80 : index
        %swap3A_813 = tpu.vector_load %arg9[%swap3A_811, %swap3A_812] {strides = array<i32>} : memref<256x128xf32, #tpu.memory_space<vmem>>, vector<1x16xf32>,
        %swap3A_814 = vector.shape_cast %swap3A_813 : vector<1x16xf32> to vector<16xf32>
        %swap3A_815 = vector.shape_cast %get3A_648 : vector<16xf32> to vector<1x16xf32>
        tpu.vector_store %arg9[%swap3A_811, %swap3A_812], %swap3A_815 {add = true, strides = array<i32>} : memref<256x128xf32, #tpu.memory_space<vmem>>, vector<1x16xf32>,
        %swap3A_816 = arith.index_cast %scan3A_785 : i32 to index
        %swap3A_817 = arith.constant 96 : index
        %swap3A_818 = tpu.vector_load %arg9[%swap3A_816, %swap3A_817] {strides = array<i32>} : memref<256x128xf32, #tpu.memory_space<vmem>>, vector<1x16xf32>,
        %swap3A_819 = vector.shape_cast %swap3A_818 : vector<1x16xf32> to vector<16xf32>
        %swap3A_820 = vector.shape_cast %get3A_652 : vector<16xf32> to vector<1x16xf32>
        tpu.vector_store %arg9[%swap3A_816, %swap3A_817], %swap3A_820 {add = true, strides = array<i32>} : memref<256x128xf32, #tpu.memory_space<vmem>>, vector<1x16xf32>,
        %swap3A_821 = arith.index_cast %scan3A_785 : i32 to index
        %swap3A_822 = arith.constant 112 : index
        %swap3A_823 = tpu.vector_load %arg9[%swap3A_821, %swap3A_822] {strides = array<i32>} : memref<256x128xf32, #tpu.memory_space<vmem>>, vector<1x16xf32>,
        %swap3A_824 = vector.shape_cast %swap3A_823 : vector<1x16xf32> to vector<16xf32>
        %swap3A_825 = vector.shape_cast %get3A_656 : vector<16xf32> to vector<1x16xf32>
        tpu.vector_store %arg9[%swap3A_821, %swap3A_822], %swap3A_825 {add = true, strides = array<i32>} : memref<256x128xf32, #tpu.memory_space<vmem>>, vector<1x16xf32>,
        %scan3A_826 = arith.constant 2 : i32
        %scan3A_827 = arith.addi %scan3A_744, %scan3A_826 : i32
        %swap3A_828 = arith.index_cast %scan3A_827 : i32 to index
        %swap3A_829 = arith.constant 0 : index
        %swap3A_830 = tpu.vector_load %arg9[%swap3A_828, %swap3A_829] {strides = array<i32>} : memref<256x128xf32, #tpu.memory_space<vmem>>, vector<1x16xf32>,
        %swap3A_831 = vector.shape_cast %swap3A_830 : vector<1x16xf32> to vector<16xf32>
        %swap3A_832 = vector.shape_cast %get3A_628 : vector<16xf32> to vector<1x16xf32>
        tpu.vector_store %arg9[%swap3A_828, %swap3A_829], %swap3A_832 {add = true, strides = array<i32>} : memref<256x128xf32, #tpu.memory_space<vmem>>, vector<1x16xf32>,
        %swap3A_833 = arith.index_cast %scan3A_827 : i32 to index
        %swap3A_834 = arith.constant 16 : index
        %swap3A_835 = tpu.vector_load %arg9[%swap3A_833, %swap3A_834] {strides = array<i32>} : memref<256x128xf32, #tpu.memory_space<vmem>>, vector<1x16xf32>,
        %swap3A_836 = vector.shape_cast %swap3A_835 : vector<1x16xf32> to vector<16xf32>
        %swap3A_837 = vector.shape_cast %get3A_632 : vector<16xf32> to vector<1x16xf32>
        tpu.vector_store %arg9[%swap3A_833, %swap3A_834], %swap3A_837 {add = true, strides = array<i32>} : memref<256x128xf32, #tpu.memory_space<vmem>>, vector<1x16xf32>,
        %swap3A_838 = arith.index_cast %scan3A_827 : i32 to index
        %swap3A_839 = arith.constant 32 : index
        %swap3A_840 = tpu.vector_load %arg9[%swap3A_838, %swap3A_839] {strides = array<i32>} : memref<256x128xf32, #tpu.memory_space<vmem>>, vector<1x16xf32>,
        %swap3A_841 = vector.shape_cast %swap3A_840 : vector<1x16xf32> to vector<16xf32>
        %swap3A_842 = vector.shape_cast %get3A_636 : vector<16xf32> to vector<1x16xf32>
        tpu.vector_store %arg9[%swap3A_838, %swap3A_839], %swap3A_842 {add = true, strides = array<i32>} : memref<256x128xf32, #tpu.memory_space<vmem>>, vector<1x16xf32>,
        %swap3A_843 = arith.index_cast %scan3A_827 : i32 to index
        %swap3A_844 = arith.constant 48 : index
        %swap3A_845 = tpu.vector_load %arg9[%swap3A_843, %swap3A_844] {strides = array<i32>} : memref<256x128xf32, #tpu.memory_space<vmem>>, vector<1x16xf32>,
        %swap3A_846 = vector.shape_cast %swap3A_845 : vector<1x16xf32> to vector<16xf32>
        %swap3A_847 = vector.shape_cast %get3A_640 : vector<16xf32> to vector<1x16xf32>
        tpu.vector_store %arg9[%swap3A_843, %swap3A_844], %swap3A_847 {add = true, strides = array<i32>} : memref<256x128xf32, #tpu.memory_space<vmem>>, vector<1x16xf32>,
        %swap3A_848 = arith.index_cast %scan3A_827 : i32 to index
        %swap3A_849 = arith.constant 64 : index
        %swap3A_850 = tpu.vector_load %arg9[%swap3A_848, %swap3A_849] {strides = array<i32>} : memref<256x128xf32, #tpu.memory_space<vmem>>, vector<1x16xf32>,
        %swap3A_851 = vector.shape_cast %swap3A_850 : vector<1x16xf32> to vector<16xf32>
        %swap3A_852 = vector.shape_cast %get3A_644 : vector<16xf32> to vector<1x16xf32>
        tpu.vector_store %arg9[%swap3A_848, %swap3A_849], %swap3A_852 {add = true, strides = array<i32>} : memref<256x128xf32, #tpu.memory_space<vmem>>, vector<1x16xf32>,
        %swap3A_853 = arith.index_cast %scan3A_827 : i32 to index
        %swap3A_854 = arith.constant 80 : index
        %swap3A_855 = tpu.vector_load %arg9[%swap3A_853, %swap3A_854] {strides = array<i32>} : memref<256x128xf32, #tpu.memory_space<vmem>>, vector<1x16xf32>,
        %swap3A_856 = vector.shape_cast %swap3A_855 : vector<1x16xf32> to vector<16xf32>
        %swap3A_857 = vector.shape_cast %get3A_648 : vector<16xf32> to vector<1x16xf32>
        tpu.vector_store %arg9[%swap3A_853, %swap3A_854], %swap3A_857 {add = true, strides = array<i32>} : memref<256x128xf32, #tpu.memory_space<vmem>>, vector<1x16xf32>,
        %swap3A_858 = arith.index_cast %scan3A_827 : i32 to index
        %swap3A_859 = arith.constant 96 : index
        %swap3A_860 = tpu.vector_load %arg9[%swap3A_858, %swap3A_859] {strides = array<i32>} : memref<256x128xf32, #tpu.memory_space<vmem>>, vector<1x16xf32>,
        %swap3A_861 = vector.shape_cast %swap3A_860 : vector<1x16xf32> to vector<16xf32>
        %swap3A_862 = vector.shape_cast %get3A_652 : vector<16xf32> to vector<1x16xf32>
        tpu.vector_store %arg9[%swap3A_858, %swap3A_859], %swap3A_862 {add = true, strides = array<i32>} : memref<256x128xf32, #tpu.memory_space<vmem>>, vector<1x16xf32>,
        %swap3A_863 = arith.index_cast %scan3A_827 : i32 to index
        %swap3A_864 = arith.constant 112 : index
        %swap3A_865 = tpu.vector_load %arg9[%swap3A_863, %swap3A_864] {strides = array<i32>} : memref<256x128xf32, #tpu.memory_space<vmem>>, vector<1x16xf32>,
        %swap3A_866 = vector.shape_cast %swap3A_865 : vector<1x16xf32> to vector<16xf32>
        %swap3A_867 = vector.shape_cast %get3A_656 : vector<16xf32> to vector<1x16xf32>
        tpu.vector_store %arg9[%swap3A_863, %swap3A_864], %swap3A_867 {add = true, strides = array<i32>} : memref<256x128xf32, #tpu.memory_space<vmem>>, vector<1x16xf32>,
        %scan3A_868 = arith.constant 3 : i32
        %scan3A_869 = arith.addi %scan3A_744, %scan3A_868 : i32
        %swap3A_870 = arith.index_cast %scan3A_869 : i32 to index
        %swap3A_871 = arith.constant 0 : index
        %swap3A_872 = tpu.vector_load %arg9[%swap3A_870, %swap3A_871] {strides = array<i32>} : memref<256x128xf32, #tpu.memory_space<vmem>>, vector<1x16xf32>,
        %swap3A_873 = vector.shape_cast %swap3A_872 : vector<1x16xf32> to vector<16xf32>
        %swap3A_874 = vector.shape_cast %get3A_628 : vector<16xf32> to vector<1x16xf32>
        tpu.vector_store %arg9[%swap3A_870, %swap3A_871], %swap3A_874 {add = true, strides = array<i32>} : memref<256x128xf32, #tpu.memory_space<vmem>>, vector<1x16xf32>,
        %swap3A_875 = arith.index_cast %scan3A_869 : i32 to index
        %swap3A_876 = arith.constant 16 : index
        %swap3A_877 = tpu.vector_load %arg9[%swap3A_875, %swap3A_876] {strides = array<i32>} : memref<256x128xf32, #tpu.memory_space<vmem>>, vector<1x16xf32>,
        %swap3A_878 = vector.shape_cast %swap3A_877 : vector<1x16xf32> to vector<16xf32>
        %swap3A_879 = vector.shape_cast %get3A_632 : vector<16xf32> to vector<1x16xf32>
        tpu.vector_store %arg9[%swap3A_875, %swap3A_876], %swap3A_879 {add = true, strides = array<i32>} : memref<256x128xf32, #tpu.memory_space<vmem>>, vector<1x16xf32>,
        %swap3A_880 = arith.index_cast %scan3A_869 : i32 to index
        %swap3A_881 = arith.constant 32 : index
        %swap3A_882 = tpu.vector_load %arg9[%swap3A_880, %swap3A_881] {strides = array<i32>} : memref<256x128xf32, #tpu.memory_space<vmem>>, vector<1x16xf32>,
        %swap3A_883 = vector.shape_cast %swap3A_882 : vector<1x16xf32> to vector<16xf32>
        %swap3A_884 = vector.shape_cast %get3A_636 : vector<16xf32> to vector<1x16xf32>
        tpu.vector_store %arg9[%swap3A_880, %swap3A_881], %swap3A_884 {add = true, strides = array<i32>} : memref<256x128xf32, #tpu.memory_space<vmem>>, vector<1x16xf32>,
        %swap3A_885 = arith.index_cast %scan3A_869 : i32 to index
        %swap3A_886 = arith.constant 48 : index
        %swap3A_887 = tpu.vector_load %arg9[%swap3A_885, %swap3A_886] {strides = array<i32>} : memref<256x128xf32, #tpu.memory_space<vmem>>, vector<1x16xf32>,
        %swap3A_888 = vector.shape_cast %swap3A_887 : vector<1x16xf32> to vector<16xf32>
        %swap3A_889 = vector.shape_cast %get3A_640 : vector<16xf32> to vector<1x16xf32>
        tpu.vector_store %arg9[%swap3A_885, %swap3A_886], %swap3A_889 {add = true, strides = array<i32>} : memref<256x128xf32, #tpu.memory_space<vmem>>, vector<1x16xf32>,
        %swap3A_890 = arith.index_cast %scan3A_869 : i32 to index
        %swap3A_891 = arith.constant 64 : index
        %swap3A_892 = tpu.vector_load %arg9[%swap3A_890, %swap3A_891] {strides = array<i32>} : memref<256x128xf32, #tpu.memory_space<vmem>>, vector<1x16xf32>,
        %swap3A_893 = vector.shape_cast %swap3A_892 : vector<1x16xf32> to vector<16xf32>
        %swap3A_894 = vector.shape_cast %get3A_644 : vector<16xf32> to vector<1x16xf32>
        tpu.vector_store %arg9[%swap3A_890, %swap3A_891], %swap3A_894 {add = true, strides = array<i32>} : memref<256x128xf32, #tpu.memory_space<vmem>>, vector<1x16xf32>,
        %swap3A_895 = arith.index_cast %scan3A_869 : i32 to index
        %swap3A_896 = arith.constant 80 : index
        %swap3A_897 = tpu.vector_load %arg9[%swap3A_895, %swap3A_896] {strides = array<i32>} : memref<256x128xf32, #tpu.memory_space<vmem>>, vector<1x16xf32>,
        %swap3A_898 = vector.shape_cast %swap3A_897 : vector<1x16xf32> to vector<16xf32>
        %swap3A_899 = vector.shape_cast %get3A_648 : vector<16xf32> to vector<1x16xf32>
        tpu.vector_store %arg9[%swap3A_895, %swap3A_896], %swap3A_899 {add = true, strides = array<i32>} : memref<256x128xf32, #tpu.memory_space<vmem>>, vector<1x16xf32>,
        %swap3A_900 = arith.index_cast %scan3A_869 : i32 to index
        %swap3A_901 = arith.constant 96 : index
        %swap3A_902 = tpu.vector_load %arg9[%swap3A_900, %swap3A_901] {strides = array<i32>} : memref<256x128xf32, #tpu.memory_space<vmem>>, vector<1x16xf32>,
        %swap3A_903 = vector.shape_cast %swap3A_902 : vector<1x16xf32> to vector<16xf32>
        %swap3A_904 = vector.shape_cast %get3A_652 : vector<16xf32> to vector<1x16xf32>
        tpu.vector_store %arg9[%swap3A_900, %swap3A_901], %swap3A_904 {add = true, strides = array<i32>} : memref<256x128xf32, #tpu.memory_space<vmem>>, vector<1x16xf32>,
        %swap3A_905 = arith.index_cast %scan3A_869 : i32 to index
        %swap3A_906 = arith.constant 112 : index
        %swap3A_907 = tpu.vector_load %arg9[%swap3A_905, %swap3A_906] {strides = array<i32>} : memref<256x128xf32, #tpu.memory_space<vmem>>, vector<1x16xf32>,
        %swap3A_908 = vector.shape_cast %swap3A_907 : vector<1x16xf32> to vector<16xf32>
        %swap3A_909 = vector.shape_cast %get3A_656 : vector<16xf32> to vector<1x16xf32>
        tpu.vector_store %arg9[%swap3A_905, %swap3A_906], %swap3A_909 {add = true, strides = array<i32>} : memref<256x128xf32, #tpu.memory_space<vmem>>, vector<1x16xf32>,
      }
      %scan3A_662 = arith.constant 128 : i32
      %dma_wait3A_663 = arith.constant 128 : i32
      %dma_wait3A_664 = arith.constant 0 : i32
      %dma_wait3A_665 = tpu.memref_slice %arg9[%dma_wait3A_663, %dma_wait3A_664] : memref<256x128xf32, #tpu.memory_space<vmem>> -> memref<128x128xf32, #tpu.memory_space<vmem>>
      %dma_wait3A_666 = arith.constant 0 : i32
      %dma_wait3A_667 = tpu.memref_slice %arg6[%add3A_579, %dma_wait3A_666] : memref<200x128xi32, #tpu.memory_space<vmem>> -> memref<1x128xi32, #tpu.memory_space<vmem>>
      %dma_wait3A_668 = tpu.memref_squeeze %dma_wait3A_667 : memref<1x128xi32, #tpu.memory_space<vmem>> -> memref<128xi32, #tpu.memory_space<vmem>>
      %dma_wait3A_669 = arith.constant 0 : i32
      %dma_wait3A_670 = arith.constant 0 : i32
      %dma_wait3A_671 = tpu.memref_slice %arg3[%dma_wait3A_669, %dma_wait3A_670] : memref<100000x128xf32, #tpu.memory_space<hbm>> -> memref<100000x128xf32, #tpu.memory_space<hbm>>
      tpu.wait_indirect_dma semaphore(%arg13 : memref<!tpu.dma_semaphore, #tpu.memory_space<semaphore_mem>>) src(%dma_wait3A_671 : memref<100000x128xf32, #tpu.memory_space<hbm>>) dst(%dma_wait3A_665 : memref<128x128xf32, #tpu.memory_space<vmem>>)
      %mul3A_672 = arith.constant 256 : i32
      %mul3A_673 = arith.muli %add3A_363, %mul3A_672 : i32
      %add3A_674 = arith.addi %mul3A_2, %mul3A_673 : i32
      %jit3A_675 = arith.constant 4096 : i32
      %div3A_676 = arith.divsi %add3A_674, %jit3A_675 : i32
      %sign3A_677 = arith.constant 0 : i32
      %sign3A_678 = arith.cmpi sgt, %add3A_674, %sign3A_677 : i32
      %sign3A_679 = arith.extui %sign3A_678 : i1 to i32
      %sign3A_680 = arith.constant 0 : i32
      %sign3A_681 = arith.cmpi slt, %add3A_674, %sign3A_680 : i32
      %sign3A_682 = arith.extui %sign3A_681 : i1 to i32
      %sign3A_683 = arith.subi %sign3A_679, %sign3A_682 : i32
      %sign3A_684 = arith.constant 0 : i32
      %sign3A_685 = arith.cmpi sgt, %jit3A_675, %sign3A_684 : i32
      %sign3A_686 = arith.extui %sign3A_685 : i1 to i32
      %sign3A_687 = arith.constant 0 : i32
      %sign3A_688 = arith.cmpi slt, %jit3A_675, %sign3A_687 : i32
      %sign3A_689 = arith.extui %sign3A_688 : i1 to i32
      %sign3A_690 = arith.subi %sign3A_686, %sign3A_689 : i32
      %ne3A_691 = arith.cmpi ne, %sign3A_683, %sign3A_690 : i32
      %rem3A_692 = arith.remsi %add3A_674, %jit3A_675 : i32
      %ne3A_693 = arith.constant 0 : i32
      %ne3A_694 = arith.cmpi ne, %rem3A_692, %ne3A_693 : i32
      %and3A_695 = arith.andi %ne3A_691, %ne3A_694 : i1
      %sub3A_696 = arith.constant 1 : i32
      %sub3A_697 = arith.subi %div3A_676, %sub3A_696 : i32
      %select_n3A_698 = arith.select %and3A_695, %sub3A_697, %div3A_676 : i32
      %get3A_699 = arith.index_cast %select_n3A_698 : i32 to index
      %get3A_700 = arith.constant 0 : index
      %get3A_701 = tpu.vector_load %arg7[%get3A_699, %get3A_700] {strides = array<i32>} : memref<200x128xf32, #tpu.memory_space<vmem>>, vector<1x16xf32>,
      %get3A_702 = vector.shape_cast %get3A_701 : vector<1x16xf32> to vector<16xf32>
      %get3A_703 = arith.index_cast %select_n3A_698 : i32 to index
      %get3A_704 = arith.constant 16 : index
      %get3A_705 = tpu.vector_load %arg7[%get3A_703, %get3A_704] {strides = array<i32>} : memref<200x128xf32, #tpu.memory_space<vmem>>, vector<1x16xf32>,
      %get3A_706 = vector.shape_cast %get3A_705 : vector<1x16xf32> to vector<16xf32>
      %get3A_707 = arith.index_cast %select_n3A_698 : i32 to index
      %get3A_708 = arith.constant 32 : index
      %get3A_709 = tpu.vector_load %arg7[%get3A_707, %get3A_708] {strides = array<i32>} : memref<200x128xf32, #tpu.memory_space<vmem>>, vector<1x16xf32>,
      %get3A_710 = vector.shape_cast %get3A_709 : vector<1x16xf32> to vector<16xf32>
      %get3A_711 = arith.index_cast %select_n3A_698 : i32 to index
      %get3A_712 = arith.constant 48 : index
      %get3A_713 = tpu.vector_load %arg7[%get3A_711, %get3A_712] {strides = array<i32>} : memref<200x128xf32, #tpu.memory_space<vmem>>, vector<1x16xf32>,
      %get3A_714 = vector.shape_cast %get3A_713 : vector<1x16xf32> to vector<16xf32>
      %get3A_715 = arith.index_cast %select_n3A_698 : i32 to index
      %get3A_716 = arith.constant 64 : index
      %get3A_717 = tpu.vector_load %arg7[%get3A_715, %get3A_716] {strides = array<i32>} : memref<200x128xf32, #tpu.memory_space<vmem>>, vector<1x16xf32>,
      %get3A_718 = vector.shape_cast %get3A_717 : vector<1x16xf32> to vector<16xf32>
      %get3A_719 = arith.index_cast %select_n3A_698 : i32 to index
      %get3A_720 = arith.constant 80 : index
      %get3A_721 = tpu.vector_load %arg7[%get3A_719, %get3A_720] {strides = array<i32>} : memref<200x128xf32, #tpu.memory_space<vmem>>, vector<1x16xf32>,
      %get3A_722 = vector.shape_cast %get3A_721 : vector<1x16xf32> to vector<16xf32>
      %get3A_723 = arith.index_cast %select_n3A_698 : i32 to index
      %get3A_724 = arith.constant 96 : index
      %get3A_725 = tpu.vector_load %arg7[%get3A_723, %get3A_724] {strides = array<i32>} : memref<200x128xf32, #tpu.memory_space<vmem>>, vector<1x16xf32>,
      %get3A_726 = vector.shape_cast %get3A_725 : vector<1x16xf32> to vector<16xf32>
      %get3A_727 = arith.index_cast %select_n3A_698 : i32 to index
      %get3A_728 = arith.constant 112 : index
      %get3A_729 = tpu.vector_load %arg7[%get3A_727, %get3A_728] {strides = array<i32>} : memref<200x128xf32, #tpu.memory_space<vmem>>, vector<1x16xf32>,
      %get3A_730 = vector.shape_cast %get3A_729 : vector<1x16xf32> to vector<16xf32>
      %scan3A_731 = arith.constant 0 : i32
      %scan3A_732 = arith.constant 128 : i32
      %scan3A_733 = arith.constant 128 : i32
      %scan3A_734 = arith.addi %scan3A_732, %scan3A_733 : i32
      %scan3A_735 = arith.constant 4 : i32
      scf.for %scan3A_744 = %scan3A_732 to %scan3A_734 step %scan3A_735  : i32 {
        %swap3A = arith.index_cast %scan3A_744 : i32 to index
        %swap3A_745 = arith.constant 0 : index
        %swap3A_746 = tpu.vector_load %arg9[%swap3A, %swap3A_745] {strides = array<i32>} : memref<256x128xf32, #tpu.memory_space<vmem>>, vector<1x16xf32>,
        %swap3A_747 = vector.shape_cast %swap3A_746 : vector<1x16xf32> to vector<16xf32>
        %swap3A_748 = vector.shape_cast %get3A_702 : vector<16xf32> to vector<1x16xf32>
        tpu.vector_store %arg9[%swap3A, %swap3A_745], %swap3A_748 {add = true, strides = array<i32>} : memref<256x128xf32, #tpu.memory_space<vmem>>, vector<1x16xf32>,
        %swap3A_749 = arith.index_cast %scan3A_744 : i32 to index
        %swap3A_750 = arith.constant 16 : index
        %swap3A_751 = tpu.vector_load %arg9[%swap3A_749, %swap3A_750] {strides = array<i32>} : memref<256x128xf32, #tpu.memory_space<vmem>>, vector<1x16xf32>,
        %swap3A_752 = vector.shape_cast %swap3A_751 : vector<1x16xf32> to vector<16xf32>
        %swap3A_753 = vector.shape_cast %get3A_706 : vector<16xf32> to vector<1x16xf32>
        tpu.vector_store %arg9[%swap3A_749, %swap3A_750], %swap3A_753 {add = true, strides = array<i32>} : memref<256x128xf32, #tpu.memory_space<vmem>>, vector<1x16xf32>,
        %swap3A_754 = arith.index_cast %scan3A_744 : i32 to index
        %swap3A_755 = arith.constant 32 : index
        %swap3A_756 = tpu.vector_load %arg9[%swap3A_754, %swap3A_755] {strides = array<i32>} : memref<256x128xf32, #tpu.memory_space<vmem>>, vector<1x16xf32>,
        %swap3A_757 = vector.shape_cast %swap3A_756 : vector<1x16xf32> to vector<16xf32>
        %swap3A_758 = vector.shape_cast %get3A_710 : vector<16xf32> to vector<1x16xf32>
        tpu.vector_store %arg9[%swap3A_754, %swap3A_755], %swap3A_758 {add = true, strides = array<i32>} : memref<256x128xf32, #tpu.memory_space<vmem>>, vector<1x16xf32>,
        %swap3A_759 = arith.index_cast %scan3A_744 : i32 to index
        %swap3A_760 = arith.constant 48 : index
        %swap3A_761 = tpu.vector_load %arg9[%swap3A_759, %swap3A_760] {strides = array<i32>} : memref<256x128xf32, #tpu.memory_space<vmem>>, vector<1x16xf32>,
        %swap3A_762 = vector.shape_cast %swap3A_761 : vector<1x16xf32> to vector<16xf32>
        %swap3A_763 = vector.shape_cast %get3A_714 : vector<16xf32> to vector<1x16xf32>
        tpu.vector_store %arg9[%swap3A_759, %swap3A_760], %swap3A_763 {add = true, strides = array<i32>} : memref<256x128xf32, #tpu.memory_space<vmem>>, vector<1x16xf32>,
        %swap3A_764 = arith.index_cast %scan3A_744 : i32 to index
        %swap3A_765 = arith.constant 64 : index
        %swap3A_766 = tpu.vector_load %arg9[%swap3A_764, %swap3A_765] {strides = array<i32>} : memref<256x128xf32, #tpu.memory_space<vmem>>, vector<1x16xf32>,
        %swap3A_767 = vector.shape_cast %swap3A_766 : vector<1x16xf32> to vector<16xf32>
        %swap3A_768 = vector.shape_cast %get3A_718 : vector<16xf32> to vector<1x16xf32>
        tpu.vector_store %arg9[%swap3A_764, %swap3A_765], %swap3A_768 {add = true, strides = array<i32>} : memref<256x128xf32, #tpu.memory_space<vmem>>, vector<1x16xf32>,
        %swap3A_769 = arith.index_cast %scan3A_744 : i32 to index
        %swap3A_770 = arith.constant 80 : index
        %swap3A_771 = tpu.vector_load %arg9[%swap3A_769, %swap3A_770] {strides = array<i32>} : memref<256x128xf32, #tpu.memory_space<vmem>>, vector<1x16xf32>,
        %swap3A_772 = vector.shape_cast %swap3A_771 : vector<1x16xf32> to vector<16xf32>
        %swap3A_773 = vector.shape_cast %get3A_722 : vector<16xf32> to vector<1x16xf32>
        tpu.vector_store %arg9[%swap3A_769, %swap3A_770], %swap3A_773 {add = true, strides = array<i32>} : memref<256x128xf32, #tpu.memory_space<vmem>>, vector<1x16xf32>,
        %swap3A_774 = arith.index_cast %scan3A_744 : i32 to index
        %swap3A_775 = arith.constant 96 : index
        %swap3A_776 = tpu.vector_load %arg9[%swap3A_774, %swap3A_775] {strides = array<i32>} : memref<256x128xf32, #tpu.memory_space<vmem>>, vector<1x16xf32>,
        %swap3A_777 = vector.shape_cast %swap3A_776 : vector<1x16xf32> to vector<16xf32>
        %swap3A_778 = vector.shape_cast %get3A_726 : vector<16xf32> to vector<1x16xf32>
        tpu.vector_store %arg9[%swap3A_774, %swap3A_775], %swap3A_778 {add = true, strides = array<i32>} : memref<256x128xf32, #tpu.memory_space<vmem>>, vector<1x16xf32>,
        %swap3A_779 = arith.index_cast %scan3A_744 : i32 to index
        %swap3A_780 = arith.constant 112 : index
        %swap3A_781 = tpu.vector_load %arg9[%swap3A_779, %swap3A_780] {strides = array<i32>} : memref<256x128xf32, #tpu.memory_space<vmem>>, vector<1x16xf32>,
        %swap3A_782 = vector.shape_cast %swap3A_781 : vector<1x16xf32> to vector<16xf32>
        %swap3A_783 = vector.shape_cast %get3A_730 : vector<16xf32> to vector<1x16xf32>
        tpu.vector_store %arg9[%swap3A_779, %swap3A_780], %swap3A_783 {add = true, strides = array<i32>} : memref<256x128xf32, #tpu.memory_space<vmem>>, vector<1x16xf32>,
        %scan3A_784 = arith.constant 1 : i32
        %scan3A_785 = arith.addi %scan3A_744, %scan3A_784 : i32
        %swap3A_786 = arith.index_cast %scan3A_785 : i32 to index
        %swap3A_787 = arith.constant 0 : index
        %swap3A_788 = tpu.vector_load %arg9[%swap3A_786, %swap3A_787] {strides = array<i32>} : memref<256x128xf32, #tpu.memory_space<vmem>>, vector<1x16xf32>,
        %swap3A_789 = vector.shape_cast %swap3A_788 : vector<1x16xf32> to vector<16xf32>
        %swap3A_790 = vector.shape_cast %get3A_702 : vector<16xf32> to vector<1x16xf32>
        tpu.vector_store %arg9[%swap3A_786, %swap3A_787], %swap3A_790 {add = true, strides = array<i32>} : memref<256x128xf32, #tpu.memory_space<vmem>>, vector<1x16xf32>,
        %swap3A_791 = arith.index_cast %scan3A_785 : i32 to index
        %swap3A_792 = arith.constant 16 : index
        %swap3A_793 = tpu.vector_load %arg9[%swap3A_791, %swap3A_792] {strides = array<i32>} : memref<256x128xf32, #tpu.memory_space<vmem>>, vector<1x16xf32>,
        %swap3A_794 = vector.shape_cast %swap3A_793 : vector<1x16xf32> to vector<16xf32>
        %swap3A_795 = vector.shape_cast %get3A_706 : vector<16xf32> to vector<1x16xf32>
        tpu.vector_store %arg9[%swap3A_791, %swap3A_792], %swap3A_795 {add = true, strides = array<i32>} : memref<256x128xf32, #tpu.memory_space<vmem>>, vector<1x16xf32>,
        %swap3A_796 = arith.index_cast %scan3A_785 : i32 to index
        %swap3A_797 = arith.constant 32 : index
        %swap3A_798 = tpu.vector_load %arg9[%swap3A_796, %swap3A_797] {strides = array<i32>} : memref<256x128xf32, #tpu.memory_space<vmem>>, vector<1x16xf32>,
        %swap3A_799 = vector.shape_cast %swap3A_798 : vector<1x16xf32> to vector<16xf32>
        %swap3A_800 = vector.shape_cast %get3A_710 : vector<16xf32> to vector<1x16xf32>
        tpu.vector_store %arg9[%swap3A_796, %swap3A_797], %swap3A_800 {add = true, strides = array<i32>} : memref<256x128xf32, #tpu.memory_space<vmem>>, vector<1x16xf32>,
        %swap3A_801 = arith.index_cast %scan3A_785 : i32 to index
        %swap3A_802 = arith.constant 48 : index
        %swap3A_803 = tpu.vector_load %arg9[%swap3A_801, %swap3A_802] {strides = array<i32>} : memref<256x128xf32, #tpu.memory_space<vmem>>, vector<1x16xf32>,
        %swap3A_804 = vector.shape_cast %swap3A_803 : vector<1x16xf32> to vector<16xf32>
        %swap3A_805 = vector.shape_cast %get3A_714 : vector<16xf32> to vector<1x16xf32>
        tpu.vector_store %arg9[%swap3A_801, %swap3A_802], %swap3A_805 {add = true, strides = array<i32>} : memref<256x128xf32, #tpu.memory_space<vmem>>, vector<1x16xf32>,
        %swap3A_806 = arith.index_cast %scan3A_785 : i32 to index
        %swap3A_807 = arith.constant 64 : index
        %swap3A_808 = tpu.vector_load %arg9[%swap3A_806, %swap3A_807] {strides = array<i32>} : memref<256x128xf32, #tpu.memory_space<vmem>>, vector<1x16xf32>,
        %swap3A_809 = vector.shape_cast %swap3A_808 : vector<1x16xf32> to vector<16xf32>
        %swap3A_810 = vector.shape_cast %get3A_718 : vector<16xf32> to vector<1x16xf32>
        tpu.vector_store %arg9[%swap3A_806, %swap3A_807], %swap3A_810 {add = true, strides = array<i32>} : memref<256x128xf32, #tpu.memory_space<vmem>>, vector<1x16xf32>,
        %swap3A_811 = arith.index_cast %scan3A_785 : i32 to index
        %swap3A_812 = arith.constant 80 : index
        %swap3A_813 = tpu.vector_load %arg9[%swap3A_811, %swap3A_812] {strides = array<i32>} : memref<256x128xf32, #tpu.memory_space<vmem>>, vector<1x16xf32>,
        %swap3A_814 = vector.shape_cast %swap3A_813 : vector<1x16xf32> to vector<16xf32>
        %swap3A_815 = vector.shape_cast %get3A_722 : vector<16xf32> to vector<1x16xf32>
        tpu.vector_store %arg9[%swap3A_811, %swap3A_812], %swap3A_815 {add = true, strides = array<i32>} : memref<256x128xf32, #tpu.memory_space<vmem>>, vector<1x16xf32>,
        %swap3A_816 = arith.index_cast %scan3A_785 : i32 to index
        %swap3A_817 = arith.constant 96 : index
        %swap3A_818 = tpu.vector_load %arg9[%swap3A_816, %swap3A_817] {strides = array<i32>} : memref<256x128xf32, #tpu.memory_space<vmem>>, vector<1x16xf32>,
        %swap3A_819 = vector.shape_cast %swap3A_818 : vector<1x16xf32> to vector<16xf32>
        %swap3A_820 = vector.shape_cast %get3A_726 : vector<16xf32> to vector<1x16xf32>
        tpu.vector_store %arg9[%swap3A_816, %swap3A_817], %swap3A_820 {add = true, strides = array<i32>} : memref<256x128xf32, #tpu.memory_space<vmem>>, vector<1x16xf32>,
        %swap3A_821 = arith.index_cast %scan3A_785 : i32 to index
        %swap3A_822 = arith.constant 112 : index
        %swap3A_823 = tpu.vector_load %arg9[%swap3A_821, %swap3A_822] {strides = array<i32>} : memref<256x128xf32, #tpu.memory_space<vmem>>, vector<1x16xf32>,
        %swap3A_824 = vector.shape_cast %swap3A_823 : vector<1x16xf32> to vector<16xf32>
        %swap3A_825 = vector.shape_cast %get3A_730 : vector<16xf32> to vector<1x16xf32>
        tpu.vector_store %arg9[%swap3A_821, %swap3A_822], %swap3A_825 {add = true, strides = array<i32>} : memref<256x128xf32, #tpu.memory_space<vmem>>, vector<1x16xf32>,
        %scan3A_826 = arith.constant 2 : i32
        %scan3A_827 = arith.addi %scan3A_744, %scan3A_826 : i32
        %swap3A_828 = arith.index_cast %scan3A_827 : i32 to index
        %swap3A_829 = arith.constant 0 : index
        %swap3A_830 = tpu.vector_load %arg9[%swap3A_828, %swap3A_829] {strides = array<i32>} : memref<256x128xf32, #tpu.memory_space<vmem>>, vector<1x16xf32>,
        %swap3A_831 = vector.shape_cast %swap3A_830 : vector<1x16xf32> to vector<16xf32>
        %swap3A_832 = vector.shape_cast %get3A_702 : vector<16xf32> to vector<1x16xf32>
        tpu.vector_store %arg9[%swap3A_828, %swap3A_829], %swap3A_832 {add = true, strides = array<i32>} : memref<256x128xf32, #tpu.memory_space<vmem>>, vector<1x16xf32>,
        %swap3A_833 = arith.index_cast %scan3A_827 : i32 to index
        %swap3A_834 = arith.constant 16 : index
        %swap3A_835 = tpu.vector_load %arg9[%swap3A_833, %swap3A_834] {strides = array<i32>} : memref<256x128xf32, #tpu.memory_space<vmem>>, vector<1x16xf32>,
        %swap3A_836 = vector.shape_cast %swap3A_835 : vector<1x16xf32> to vector<16xf32>
        %swap3A_837 = vector.shape_cast %get3A_706 : vector<16xf32> to vector<1x16xf32>
        tpu.vector_store %arg9[%swap3A_833, %swap3A_834], %swap3A_837 {add = true, strides = array<i32>} : memref<256x128xf32, #tpu.memory_space<vmem>>, vector<1x16xf32>,
        %swap3A_838 = arith.index_cast %scan3A_827 : i32 to index
        %swap3A_839 = arith.constant 32 : index
        %swap3A_840 = tpu.vector_load %arg9[%swap3A_838, %swap3A_839] {strides = array<i32>} : memref<256x128xf32, #tpu.memory_space<vmem>>, vector<1x16xf32>,
        %swap3A_841 = vector.shape_cast %swap3A_840 : vector<1x16xf32> to vector<16xf32>
        %swap3A_842 = vector.shape_cast %get3A_710 : vector<16xf32> to vector<1x16xf32>
        tpu.vector_store %arg9[%swap3A_838, %swap3A_839], %swap3A_842 {add = true, strides = array<i32>} : memref<256x128xf32, #tpu.memory_space<vmem>>, vector<1x16xf32>,
        %swap3A_843 = arith.index_cast %scan3A_827 : i32 to index
        %swap3A_844 = arith.constant 48 : index
        %swap3A_845 = tpu.vector_load %arg9[%swap3A_843, %swap3A_844] {strides = array<i32>} : memref<256x128xf32, #tpu.memory_space<vmem>>, vector<1x16xf32>,
        %swap3A_846 = vector.shape_cast %swap3A_845 : vector<1x16xf32> to vector<16xf32>
        %swap3A_847 = vector.shape_cast %get3A_714 : vector<16xf32> to vector<1x16xf32>
        tpu.vector_store %arg9[%swap3A_843, %swap3A_844], %swap3A_847 {add = true, strides = array<i32>} : memref<256x128xf32, #tpu.memory_space<vmem>>, vector<1x16xf32>,
        %swap3A_848 = arith.index_cast %scan3A_827 : i32 to index
        %swap3A_849 = arith.constant 64 : index
        %swap3A_850 = tpu.vector_load %arg9[%swap3A_848, %swap3A_849] {strides = array<i32>} : memref<256x128xf32, #tpu.memory_space<vmem>>, vector<1x16xf32>,
        %swap3A_851 = vector.shape_cast %swap3A_850 : vector<1x16xf32> to vector<16xf32>
        %swap3A_852 = vector.shape_cast %get3A_718 : vector<16xf32> to vector<1x16xf32>
        tpu.vector_store %arg9[%swap3A_848, %swap3A_849], %swap3A_852 {add = true, strides = array<i32>} : memref<256x128xf32, #tpu.memory_space<vmem>>, vector<1x16xf32>,
        %swap3A_853 = arith.index_cast %scan3A_827 : i32 to index
        %swap3A_854 = arith.constant 80 : index
        %swap3A_855 = tpu.vector_load %arg9[%swap3A_853, %swap3A_854] {strides = array<i32>} : memref<256x128xf32, #tpu.memory_space<vmem>>, vector<1x16xf32>,
        %swap3A_856 = vector.shape_cast %swap3A_855 : vector<1x16xf32> to vector<16xf32>
        %swap3A_857 = vector.shape_cast %get3A_722 : vector<16xf32> to vector<1x16xf32>
        tpu.vector_store %arg9[%swap3A_853, %swap3A_854], %swap3A_857 {add = true, strides = array<i32>} : memref<256x128xf32, #tpu.memory_space<vmem>>, vector<1x16xf32>,
        %swap3A_858 = arith.index_cast %scan3A_827 : i32 to index
        %swap3A_859 = arith.constant 96 : index
        %swap3A_860 = tpu.vector_load %arg9[%swap3A_858, %swap3A_859] {strides = array<i32>} : memref<256x128xf32, #tpu.memory_space<vmem>>, vector<1x16xf32>,
        %swap3A_861 = vector.shape_cast %swap3A_860 : vector<1x16xf32> to vector<16xf32>
        %swap3A_862 = vector.shape_cast %get3A_726 : vector<16xf32> to vector<1x16xf32>
        tpu.vector_store %arg9[%swap3A_858, %swap3A_859], %swap3A_862 {add = true, strides = array<i32>} : memref<256x128xf32, #tpu.memory_space<vmem>>, vector<1x16xf32>,
        %swap3A_863 = arith.index_cast %scan3A_827 : i32 to index
        %swap3A_864 = arith.constant 112 : index
        %swap3A_865 = tpu.vector_load %arg9[%swap3A_863, %swap3A_864] {strides = array<i32>} : memref<256x128xf32, #tpu.memory_space<vmem>>, vector<1x16xf32>,
        %swap3A_866 = vector.shape_cast %swap3A_865 : vector<1x16xf32> to vector<16xf32>
        %swap3A_867 = vector.shape_cast %get3A_730 : vector<16xf32> to vector<1x16xf32>
        tpu.vector_store %arg9[%swap3A_863, %swap3A_864], %swap3A_867 {add = true, strides = array<i32>} : memref<256x128xf32, #tpu.memory_space<vmem>>, vector<1x16xf32>,
        %scan3A_868 = arith.constant 3 : i32
        %scan3A_869 = arith.addi %scan3A_744, %scan3A_868 : i32
        %swap3A_870 = arith.index_cast %scan3A_869 : i32 to index
        %swap3A_871 = arith.constant 0 : index
        %swap3A_872 = tpu.vector_load %arg9[%swap3A_870, %swap3A_871] {strides = array<i32>} : memref<256x128xf32, #tpu.memory_space<vmem>>, vector<1x16xf32>,
        %swap3A_873 = vector.shape_cast %swap3A_872 : vector<1x16xf32> to vector<16xf32>
        %swap3A_874 = vector.shape_cast %get3A_702 : vector<16xf32> to vector<1x16xf32>
        tpu.vector_store %arg9[%swap3A_870, %swap3A_871], %swap3A_874 {add = true, strides = array<i32>} : memref<256x128xf32, #tpu.memory_space<vmem>>, vector<1x16xf32>,
        %swap3A_875 = arith.index_cast %scan3A_869 : i32 to index
        %swap3A_876 = arith.constant 16 : index
        %swap3A_877 = tpu.vector_load %arg9[%swap3A_875, %swap3A_876] {strides = array<i32>} : memref<256x128xf32, #tpu.memory_space<vmem>>, vector<1x16xf32>,
        %swap3A_878 = vector.shape_cast %swap3A_877 : vector<1x16xf32> to vector<16xf32>
        %swap3A_879 = vector.shape_cast %get3A_706 : vector<16xf32> to vector<1x16xf32>
        tpu.vector_store %arg9[%swap3A_875, %swap3A_876], %swap3A_879 {add = true, strides = array<i32>} : memref<256x128xf32, #tpu.memory_space<vmem>>, vector<1x16xf32>,
        %swap3A_880 = arith.index_cast %scan3A_869 : i32 to index
        %swap3A_881 = arith.constant 32 : index
        %swap3A_882 = tpu.vector_load %arg9[%swap3A_880, %swap3A_881] {strides = array<i32>} : memref<256x128xf32, #tpu.memory_space<vmem>>, vector<1x16xf32>,
        %swap3A_883 = vector.shape_cast %swap3A_882 : vector<1x16xf32> to vector<16xf32>
        %swap3A_884 = vector.shape_cast %get3A_710 : vector<16xf32> to vector<1x16xf32>
        tpu.vector_store %arg9[%swap3A_880, %swap3A_881], %swap3A_884 {add = true, strides = array<i32>} : memref<256x128xf32, #tpu.memory_space<vmem>>, vector<1x16xf32>,
        %swap3A_885 = arith.index_cast %scan3A_869 : i32 to index
        %swap3A_886 = arith.constant 48 : index
        %swap3A_887 = tpu.vector_load %arg9[%swap3A_885, %swap3A_886] {strides = array<i32>} : memref<256x128xf32, #tpu.memory_space<vmem>>, vector<1x16xf32>,
        %swap3A_888 = vector.shape_cast %swap3A_887 : vector<1x16xf32> to vector<16xf32>
        %swap3A_889 = vector.shape_cast %get3A_714 : vector<16xf32> to vector<1x16xf32>
        tpu.vector_store %arg9[%swap3A_885, %swap3A_886], %swap3A_889 {add = true, strides = array<i32>} : memref<256x128xf32, #tpu.memory_space<vmem>>, vector<1x16xf32>,
        %swap3A_890 = arith.index_cast %scan3A_869 : i32 to index
        %swap3A_891 = arith.constant 64 : index
        %swap3A_892 = tpu.vector_load %arg9[%swap3A_890, %swap3A_891] {strides = array<i32>} : memref<256x128xf32, #tpu.memory_space<vmem>>, vector<1x16xf32>,
        %swap3A_893 = vector.shape_cast %swap3A_892 : vector<1x16xf32> to vector<16xf32>
        %swap3A_894 = vector.shape_cast %get3A_718 : vector<16xf32> to vector<1x16xf32>
        tpu.vector_store %arg9[%swap3A_890, %swap3A_891], %swap3A_894 {add = true, strides = array<i32>} : memref<256x128xf32, #tpu.memory_space<vmem>>, vector<1x16xf32>,
        %swap3A_895 = arith.index_cast %scan3A_869 : i32 to index
        %swap3A_896 = arith.constant 80 : index
        %swap3A_897 = tpu.vector_load %arg9[%swap3A_895, %swap3A_896] {strides = array<i32>} : memref<256x128xf32, #tpu.memory_space<vmem>>, vector<1x16xf32>,
        %swap3A_898 = vector.shape_cast %swap3A_897 : vector<1x16xf32> to vector<16xf32>
        %swap3A_899 = vector.shape_cast %get3A_722 : vector<16xf32> to vector<1x16xf32>
        tpu.vector_store %arg9[%swap3A_895, %swap3A_896], %swap3A_899 {add = true, strides = array<i32>} : memref<256x128xf32, #tpu.memory_space<vmem>>, vector<1x16xf32>,
        %swap3A_900 = arith.index_cast %scan3A_869 : i32 to index
        %swap3A_901 = arith.constant 96 : index
        %swap3A_902 = tpu.vector_load %arg9[%swap3A_900, %swap3A_901] {strides = array<i32>} : memref<256x128xf32, #tpu.memory_space<vmem>>, vector<1x16xf32>,
        %swap3A_903 = vector.shape_cast %swap3A_902 : vector<1x16xf32> to vector<16xf32>
        %swap3A_904 = vector.shape_cast %get3A_726 : vector<16xf32> to vector<1x16xf32>
        tpu.vector_store %arg9[%swap3A_900, %swap3A_901], %swap3A_904 {add = true, strides = array<i32>} : memref<256x128xf32, #tpu.memory_space<vmem>>, vector<1x16xf32>,
        %swap3A_905 = arith.index_cast %scan3A_869 : i32 to index
        %swap3A_906 = arith.constant 112 : index
        %swap3A_907 = tpu.vector_load %arg9[%swap3A_905, %swap3A_906] {strides = array<i32>} : memref<256x128xf32, #tpu.memory_space<vmem>>, vector<1x16xf32>,
        %swap3A_908 = vector.shape_cast %swap3A_907 : vector<1x16xf32> to vector<16xf32>
        %swap3A_909 = vector.shape_cast %get3A_730 : vector<16xf32> to vector<1x16xf32>
        tpu.vector_store %arg9[%swap3A_905, %swap3A_906], %swap3A_909 {add = true, strides = array<i32>} : memref<256x128xf32, #tpu.memory_space<vmem>>, vector<1x16xf32>,
      }
      %scan3A_736 = arith.constant 128 : i32
      %mul3A_737 = arith.constant 256 : i32
      %mul3A_738 = arith.muli %add3A_363, %mul3A_737 : i32
      %add3A_739 = arith.addi %mul3A_2, %mul3A_738 : i32
      %dma_start3A_740 = arith.constant 0 : i32
      %dma_start3A_741 = tpu.memref_slice %arg5[%add3A_739, %dma_start3A_740] : memref<819200x128xf32, #tpu.memory_space<hbm>> -> memref<256x128xf32, #tpu.memory_space<hbm>>
      %dma_start3A_742 = arith.constant 0 : i32
      %dma_start3A_743 = tpu.memref_slice %arg5[%add3A_739, %dma_start3A_742] : memref<819200x128xf32, #tpu.memory_space<hbm>> -> memref<256x128xf32, #tpu.memory_space<hbm>>
      tpu.enqueue_dma source(%arg9 : memref<256x128xf32, #tpu.memory_space<vmem>>) target(%dma_start3A_743 : memref<256x128xf32, #tpu.memory_space<hbm>>) target_semaphore(%arg15 : memref<!tpu.dma_semaphore, #tpu.memory_space<semaphore_mem>>)
    }
    %scan3A_346 = arith.constant 49 : i32
    %add3A_347 = arith.constant 25088 : i32
    %add3A_348 = arith.addi %mul3A_2, %add3A_347 : i32
    %dma_wait3A_349 = arith.constant 0 : i32
    %dma_wait3A_350 = tpu.memref_slice %arg5[%add3A_348, %dma_wait3A_349] : memref<819200x128xf32, #tpu.memory_space<hbm>> -> memref<256x128xf32, #tpu.memory_space<hbm>>
    %dma_wait3A_351 = arith.constant 0 : i32
    %dma_wait3A_352 = tpu.memref_slice %arg5[%add3A_348, %dma_wait3A_351] : memref<819200x128xf32, #tpu.memory_space<hbm>> -> memref<256x128xf32, #tpu.memory_space<hbm>>
    tpu.wait_dma2 semaphore(%arg14 : memref<!tpu.dma_semaphore, #tpu.memory_space<semaphore_mem>>) src(%arg8 : memref<256x128xf32, #tpu.memory_space<vmem>>) dst(%dma_wait3A_352 : memref<256x128xf32, #tpu.memory_space<hbm>>)
    %add3A_353 = arith.constant 25344 : i32
    %add3A_354 = arith.addi %mul3A_2, %add3A_353 : i32
    %dma_wait3A_355 = arith.constant 0 : i32
    %dma_wait3A_356 = tpu.memref_slice %arg5[%add3A_354, %dma_wait3A_355] : memref<819200x128xf32, #tpu.memory_space<hbm>> -> memref<256x128xf32, #tpu.memory_space<hbm>>
    %dma_wait3A_357 = arith.constant 0 : i32
    %dma_wait3A_358 = tpu.memref_slice %arg5[%add3A_354, %dma_wait3A_357] : memref<819200x128xf32, #tpu.memory_space<hbm>> -> memref<256x128xf32, #tpu.memory_space<hbm>>
    tpu.wait_dma2 semaphore(%arg15 : memref<!tpu.dma_semaphore, #tpu.memory_space<semaphore_mem>>) src(%arg9 : memref<256x128xf32, #tpu.memory_space<vmem>>) dst(%dma_wait3A_358 : memref<256x128xf32, #tpu.memory_space<hbm>>)
    return
  }
}

</mosaic_0001>

<sc_bundles>
// kernel: kernel.3.cloned.1.call-start
scs
__scs_entry_jumppad:
0x0: {  	(pc) =	sbr.rel $0x88, $3  }
0x1: {  	(tag) =	ssettag $0x0;
	lr =	simm.s32 $0x1  }
0x2: {  	[smem:$0x3F9E] =	sst lr;
	_ =	strace $0xD0000000  }
0x3: {  	_ = 	snop  }
0x4: {  	_ = 	snop  }
0x5: {  	_ = 	snop  }
0x6: {  	_ = 	snop  }
0x7: {  	_ = 	snop  }
__scs_overlays_trampoline_lowered:
0x8: {  	[smem:$0x3FAD] =	sst s0  }
0x9: {  	[smem:$0x3FAE] =	sst s1  }
0xa: {  	[smem:$0x3FAF] =	sst s2  }
0xb: {  	[smem:$0x3FB0] =	sst s3  }
0xc: {  	[smem:$0x3FB1] =	sst s4  }
0xd: {  	[smem:$0x3FB2] =	sst s5  }
0xe: {  	[smem:$0x3FB3] =	sst s6  }
0xf: {  	[smem:$0x3FB4] =	sst s7  }
0x10: {  	[smem:$0x3FB5] =	sst s8  }
0x11: {  	[smem:$0x3FB6] =	sst s9;
	s0 =	simm.s32 @!p0 $0x0  }
0x12: {  	s1 =	sld [smem:$0x3F9C];
	s0 =	simm.s32 @p0 $0x1  }
0x13: {  	[smem:$0x3FB7] =	sst s0;
	s0 =	simm.s32 @!p1 $0x0  }
0x14: {  	s2 =	sld [smem:$0x3F9B];
	s0 =	simm.s32 @p1 $0x1  }
0x15: {  	[smem:$0x3FB8] =	sst s0;
	s0 =	simm.s32 @!p2 $0x0  }
0x16: {  	s3 =	sld [smem:$0x3FDB];
	s0 =	simm.s32 @p2 $0x1  }
0x17: {  	s4 =	simm.s32 $0x1BF5;
	[smem:$0x3FBA] =	sst s0  }
0x18: {  	s0 =	sld [smem:$0x3F9D];
	_ =	swait.ge [sflag:s4], $0x0  }
0x19: {  	s7 =	sld [smem:$0x3F9E]  }
0x1a: {  	s8 =	sadd.s32 $0xFFFFE003, lr  }
0x1b: {  	s9 =	sadd.s32 $0xFFFFFEF7, lr;
	s5 =	simm.s32 $0xFFFFFFFF;
	p2 =	slt.u32 s8, $0xFFFFF086  }
0x1c: {  	p1 =	slt.u32 s9, $0xF7A;
	s5 =	simm.s32 @!p2 $0x0  }
0x1d: {  	s5 =	simm.s32 @p1 $0x1;
	p0 =	seq.s32 s7, s2  }
0x1e: {  	s7 =	smul.u32 @!p0 $0xF7A, s2;
	p2 =	seq.s32 @!p0 s5, $0x0  }
0x1f: {  	s9 =	smul.u32 $0xF7A, s1;
	s8 =	simm.s32 @!p0 $0x1BF5;
	p2 =	por !p2, p0  }
0x20: {  	[sflag:s8] =	ssyncset.s32 @!p0 $0xFFFFF086;
	s6 =	sadd.s32 @!p0 s3, s7;
	s7 =	simm.s32 @!p0 $0x108  }
0x21: {  	s3 =	sadd.s32 s3, s9;
	s6 =	sadd.s32 @!p0 $0x88, s6;
	s7 =	simm.s32 @p2 $0x1082  }
0x22: {  	[simem:s7], [sflag:s8] =	dma.local @!p0 [hbm:s6], $0xF7A  }
0x23: {  	s9 =	sor.u32 $0xD0000000, s2;
	s6 =	simm.s32 $0x108;
	_ =	swait.ge @!p0 [sflag:s8], $0x0  }
0x24: {  	s3 =	sadd.s32 $0x88, s3;
	s6 =	simm.s32 @!p1 $0x1082;
	[sflag:s4] =	ssyncset.s32 $0xFFFFF086  }
0x25: {  	[simem:s6], [sflag:s4] =	dma.local [hbm:s3], $0xF7A  }
0x26: {  	[smem:$0x3F9E] =	sst s1;
	(tag) =	ssettag s2;
	_ =	strace s9  }
0x27: {  	s1 =	sld [smem:$0x3FAE]  }
0x28: {  	s2 =	sld [smem:$0x3FAF]  }
0x29: {  	s4 =	sld [smem:$0x3FB1]  }
0x2a: {  	p0 =	seq.s32 s5, $0x0;
	s5 =	sld [smem:$0x3FB2]  }
0x2b: {  	s6 =	sld [smem:$0x3FB3]  }
0x2c: {  	s7 =	sld [smem:$0x3FB4]  }
0x2d: {  	s3 =	simm.s32 $0x108;
	s8 =	sld [smem:$0x3FB5]  }
0x2e: {  	s3 =	simm.s32 @!p0 $0x1082;
	s9 =	sld [smem:$0x3FB6]  }
0x2f: {  	lr =	sadd.s32 s0, s3;
	s0 =	sld [smem:$0x3FAD]  }
0x30: {  	s3 =	sld [smem:$0x3FB0]  }
0x31: {  	[smem:$0x3FB9] =	sst s10  }
0x32: {  	s10 =	sld [smem:$0x3FB7];
	_ =	sdelay $0x3  }
0x33: {  	p0 =	seq.s32 s10, $0x1;
	s10 =	sld [smem:$0x3FB9];
	_ =	sdelay $0x3  }
0x34: {  	[smem:$0x3FB9] =	sst s10  }
0x35: {  	s10 =	sld [smem:$0x3FB8];
	_ =	sdelay $0x3  }
0x36: {  	p1 =	seq.s32 s10, $0x1;
	s10 =	sld [smem:$0x3FB9];
	_ =	sdelay $0x3  }
0x37: {  	[smem:$0x3FB9] =	sst s10  }
0x38: {  	s10 =	sld [smem:$0x3FBA]  }
0x39: {  	_ = 	snop;
	(pc) =	sbr.ind lr, $3  }
0x3a: {  	_ = 	snop  }
0x3b: {  	_ = 	snop  }
0x3c: {  	p2 =	seq.s32 s10, $0x1;
	s10 =	sld [smem:$0x3FB9]  }
0x3d: {  	_ =	shalt  }
0x3e: {  	_ =	shalt  }
0x3f: {  	_ =	shalt  }
0x40: {  	_ =	shalt  }
0x41: {  	_ =	shalt  }
0x42: {  	_ =	shalt  }
0x43: {  	_ =	shalt  }
0x44: {  	_ =	shalt  }
0x45: {  	_ =	shalt  }
0x46: {  	_ =	shalt  }
0x47: {  	_ =	shalt  }
0x48: {  	_ =	shalt  }
0x49: {  	_ =	shalt  }
0x4a: {  	_ =	shalt  }
0x4b: {  	_ =	shalt  }
0x4c: {  	_ =	shalt  }
0x4d: {  	_ =	shalt  }
0x4e: {  	_ =	shalt  }
0x4f: {  	_ =	shalt  }
0x50: {  	_ =	shalt  }
0x51: {  	_ =	shalt  }
0x52: {  	_ =	shalt  }
0x53: {  	_ =	shalt  }
0x54: {  	_ =	shalt  }
0x55: {  	_ =	shalt  }
0x56: {  	_ =	shalt  }
0x57: {  	_ =	shalt  }
0x58: {  	_ =	shalt  }
0x59: {  	_ =	shalt  }
0x5a: {  	_ =	shalt  }
0x5b: {  	_ =	shalt  }
0x5c: {  	_ =	shalt  }
0x5d: {  	_ =	shalt  }
0x5e: {  	_ =	shalt  }
0x5f: {  	_ =	shalt  }
0x60: {  	_ =	shalt  }
0x61: {  	_ =	shalt  }
0x62: {  	_ =	shalt  }
0x63: {  	_ =	shalt  }
0x64: {  	_ =	shalt  }
0x65: {  	_ =	shalt  }
0x66: {  	_ =	shalt  }
0x67: {  	_ =	shalt  }
0x68: {  	_ =	shalt  }
0x69: {  	_ =	shalt  }
0x6a: {  	_ =	shalt  }
0x6b: {  	_ =	shalt  }
0x6c: {  	_ =	shalt  }
0x6d: {  	_ =	shalt  }
0x6e: {  	_ =	shalt  }
0x6f: {  	_ =	shalt  }
0x70: {  	_ =	shalt  }
0x71: {  	_ =	shalt  }
0x72: {  	_ =	shalt  }
0x73: {  	_ =	shalt  }
0x74: {  	_ =	shalt  }
0x75: {  	_ =	shalt  }
0x76: {  	_ =	shalt  }
0x77: {  	_ =	shalt  }
0x78: {  	_ =	shalt  }
0x79: {  	_ =	shalt  }
0x7a: {  	_ =	shalt  }
0x7b: {  	_ =	shalt  }
0x7c: {  	_ =	shalt  }
0x7d: {  	_ =	shalt  }
0x7e: {  	_ =	shalt  }
0x7f: {  	_ =	shalt  }
0x80: {  	_ =	shalt  }
0x81: {  	_ =	shalt  }
0x82: {  	_ =	shalt  }
0x83: {  	_ =	shalt  }
0x84: {  	_ =	shalt  }
0x85: {  	_ =	shalt  }
0x86: {  	_ =	shalt  }
0x87: {  	_ =	shalt  }
.Lfunc_end0:
.L_simem_size_0:
called_computation_lowered:
.L_overlay_start_0:
0x88: {  	s2 =	sld [smem:$0x3FD9]  }
0x89: {  	s3 =	sld [smem:$0x3FFE];
	_ =	sdelay $0x1  }
0x8a: {  	s1 =	srdreg.scid  }
0x8b: {  	s0 =	sand.u32 $0x1, s1  }
0x8c: {  	s17 =	sshll.u32 s0, $0xA;
	s2 =	sadd.s32 s3, s2  }
0x8d: {  	s2 =	sadd.s32 s2, s17  }
0x8e: {  	[smem:$0x3FC5] =	sst s2  }
0x8f: {  	_ = 	snop  }
0x90: {  	s2 =	sld [smem:$0x3FC8]  }
0x91: {  	s18 =	sld [smem:$0x3FC7]  }
0x92: {  	s4 =	sld [smem:$0x3FD0];
	(tm) =	ssettm $0x1  }
0x93: {  	s5 =	sld [smem:$0x3FFB];
	_ =	sdelay $0x3  }
0x94: {  	_ =	strace s5  }
0x95: {  	s5 =	sld [smem:$0x3FFC];
	_ =	sdelay $0x3  }
0x96: {  	_ =	strace s5  }
0x97: {  	s5 =	sld [smem:$0x3FFD];
	_ =	sdelay $0x3  }
0x98: {  	_ =	strace s5  }
0x99: {  	_ =	strace $0x8FFFFFFF  }
0x9a: {  	s19 =	sld [smem:$0x3FDB];
	_ =	sdelay $0x1  }
0x9b: {  	s6 =	simm.s32 $_scs_section_size  }
0x9c: {  	s7 =	simm.s32 $_size__tile_overlayer_lowered;
	s8 =	simm.s32 $_tile_overlayer_lowered  }
0x9d: {  	s22 =	simm.s32 $0x1BFF;
	s21 =	sshll.u32 s8, $0x1;
	s5 =	sadd.s32 s6, s19  }
0x9e: {  	s9 =	simm.s32 $0x0;
	s20 =	sshll.u32 s7, $0x1;
	s7 =	sadd.s32 s21, s5  }
0x9f: {  	[timem:s9], [sflag:s22] =	dma.local [hbm:s7], s20  }
0xa0: {  	_ =	swait.ge [sflag:s22], s20  }
0xa1: {  	s6 =	ssub.s32 $0x0, s20;
	[sflag:s22] =	ssyncset.done $0x0  }
0xa2: {  	[sflag:s22] =	ssyncadd.s32 s6;
	_ =	sdelay $0x1  }
0xa3: {  	s23 =	simm.s32 $0x1B8B  }
0xa4: {  	_ =	swait.ge [sflag:s23], $0x1  }
0xa5: {  	[sflag:s23] =	ssyncset.done $0x0  }
0xa6: {  	s25 =	simm.s32 $0x1B8E;
	s24 =	sld [smem:$0x3FFE];
	[sflag:s23] =	ssyncadd.s32 $0xFFFFFFFF  }
0xa7: {  	s26 =	simm.s32 $execute0_lowered;
	[smem:$0x3FD2] =	sst s25  }
0xa8: {  	s7 =	sshll.u32 s26, $0x1;
	_ =	strace $0x80000046;
	[dreg:$0x1] =	wrdreg $0xFFFFFFFF  }
0xa9: {  	s28 =	simm.s32 $_size_execute0_lowered;
	s5 =	sadd.s32 s5, s7;
	[dreg:$0x0] =	wrdreg $0x0  }
0xaa: {  	s7 =	sshll.u32 s28, $0x1;
	[dreg:$0x2] =	wrdreg s5  }
0xab: {  	[dreg:$0x3] =	wrdreg s7  }
0xac: {  	[dreg:$0x4] =	wrdreg $0xC0  }
0xad: {  	_ =	task [dreg:s9], $0x5FFFF  }
0xae: {  	[dreg:$0x1] =	wrdreg $0xFFFFFFFF  }
0xaf: {  	[dreg:$0x0] =	wrdreg $0x60  }
0xb0: {  	[dreg:$0x2] =	wrdreg s24  }
0xb1: {  	[dreg:$0x3] =	wrdreg s2  }
0xb2: {  	[dreg:$0x4] =	wrdreg s18  }
0xb3: {  	[dreg:$0x5] =	wrdreg s4  }
0xb4: {  	[dreg:$0x6] =	wrdreg $0x9  }
0xb5: {  	_ =	task.clear_ibuf [dreg:s9], $0x7FFFF;
	_ =	strace $0x90000046  }
0xb6: {  	s29 =	simm.s32 $0x9;
	_ =	strace $0x80000048  }
0xb7: {  	_ =	swait.ge [sflag:s29], $0x1  }
0xb8: {  	[sflag:s29] =	ssyncadd.s32 $0xFFFFFFFF  }
0xb9: {  	_ =	strace $0x90000048  }
0xba: {  	_ =	sfence  }
0xbb: {  	s30 =	sld [smem:$0x0];
	_ =	sdelay $0x2  }
0xbc: {  	s31 =	sshll.u32 s1, $0xD;
	s1 =	sshrl.u32 s1, $0x2  }
0xbd: {  	s3 =	sand.u32 $0x4000, s31;
	s1 =	sadd.s32 s1, s30  }
0xbe: {  	s0 =	sor.u32 s3, s0;
	s1 =	sshll.u32 s1, $0x11  }
0xbf: {  	s0 =	sor.u32 s1, s0  }
0xc0: {  	s0 =	sadd.s32 $0x8F2B, s0  }
0xc1: {  	[sflag:s0] =	ssyncadd.remote.s32 $0x1  }
0xc2: {  	_ =	sfence.sel $0xFFFF  }
0xc3: {  	[dreg:$0x0] =	wrdreg $0xFFFFFFFF;
	(pc) =	sbr.abs _section_cstart, $3  }
0xc4: {  	[dreg:$0x1] =	wrdreg $0xFFFFFFFF  }
0xc5: {  	_ =	task.clear_ibuf [dreg:s9], $0x2FFFF;
	_ =	strace $0x9FFFFFFF  }
0xc6: {  	(tm) =	ssettm $0x7FFFFFFF  }
0xc7: {  	_ =	shalt  }
tec
execute0_lowered:
.L_overlay_start_1:
0x0: {  	(tag) =	ssettag $0x1  }
0x1: {  	s0 =	rddreg [dreg:$0x0]  }
0x2: {  	s1 =	rddreg [dreg:$0x1]  }
0x3: {  	s2 =	srdreg.scid;
	s3 =	stileid.u32  }
0x4: {  	s4 =	rddreg [dreg:$0x3];
	s5 =	simm.s32 $0x0;
	s12 =	simm.s32 $0x7  }
0x5: {  	s13 =	simm.s32 $0x6400;
	s14 =	simm.s32 $0x80;
	s15 =	simm.s32 $0x10800  }
0x6: {  	s16 =	simm.s32 $0x1;
	s17 =	simm.s32 $0x100;
	s18 =	simm.s32 $0x14800  }
0x7: {  	s19 =	simm.s32 $0x2;
	s20 =	simm.s32 $0xC800;
	s21 =	simm.s32 $0x180  }
0x8: {  	s22 =	simm.s32 $0x18800;
	s2 =	sand.u32 $0x1, s2;
	s3 =	sshll.u32 s3, $0x1  }
0x9: {  	s23 =	simm.s32 $0x3;
	s24 =	simm.s32 $0x4;
	s3 =	sor.u32 s2, s3  }
0xa: {  	s25 =	simm.s32 $0x5;
	s26 =	simm.s32 $0x6;
	s7 =	smul.u32 $0xC80, s3  }
0xb: {  	s28 =	simm.s32 $0x0;
	s2 =	ssub.s32 $0x2, s2;
	s6 =	smul.u32 $0x6400, s3  }
0xc: {  	[smem:$0x7FF] =	sst s5;
	s8 =	sshrl.u32 s2, $0x1;
	s3 =	smul.u32 $0x64000, s3  }
0xd: {  	_ =	strace $0x80000047;
	s2 =	ssub.s32 s2, s8;
	s0 =	sadd.s32 s7, s0  }
0xe: {  	s31 =	sshrl.u32 s6, $0x5;
	s9 =	sadd.s32 s4, s3;
	s11 =	smax.u32 s2, $0x1  }
0xf: {  	s7 =	sadd.s32 $0x400, s0;
	s8 =	sand.u32 $0x7F80, s31;
	s10 =	sadd.s32 $0x1000, s9  }
.LBB2_1:
0x10: {  	[tilespmem:s5], [sflag:$0x7] =	stream.linear.gather [hbm4b:s7+s5], $0x6400, $0x38;
	[tilespmem:$0x1C800] =	vst v63  }
0x11: {  	_ =	swait.ge [sflag:s12], $0x6400  }
0x12: {  	[sflag:s12] =	ssyncset.done $0x0  }
0x13: {  	[sflag:s12] =	ssyncadd.s32 $0xFFFF9C00  }
0x14: {  	s0 =	rddreg [dreg:$0x2]  }
0x15: {  	[tilespmem:s13], [sflag:$0x7] =	stream.linear.gather [hbm4b:s0+s5], $0x6400, $0x38;
	[tilespmem:$0x1C800] =	vst v63  }
0x16: {  	_ =	swait.ge [sflag:s12], $0x6400  }
0x17: {  	[sflag:s12] =	ssyncset.done $0x0  }
0x18: {  	[sflag:s12] =	ssyncadd.s32 $0xFFFF9C00  }
0x19: {  	[tilespmem:s20], [sflag:$0x1] =	stream.indirect.gather [hbm4b:s1+s14], $0x80, s5, s14, $0xb8;
	[tilespmem:$0x1C800] =	vst v63  }
0x1a: {  	_ = 	snop  }
0x1b: {  	[tilespmem:s15], [sflag:$0x2] =	stream.indirect.gather [hbm4b:s1+s14], $0x80, s14, s14, $0xb8;
	[tilespmem:$0x1C800] =	vst v63  }
0x1c: {  	_ =	swait.ge [sflag:s16], $0x4000  }
0x1d: {  	[sflag:s16] =	ssyncset.done $0x0  }
0x1e: {  	[sflag:s16] =	ssyncadd.s32 $0xFFFFC000  }
0x1f: {  	v1 =	vld [tilespmem:s8+$0x6400]  }
0x20: {  	v0 =	vld [tilespmem:s8+$0x6410]  }
0x21: {  	v2 =	vld [tilespmem:s8+$0x6420]  }
0x22: {  	v3 =	vld [tilespmem:s8+$0x6430]  }
0x23: {  	v4 =	vld [tilespmem:s8+$0x6470]  }
0x24: {  	v5 =	vld [tilespmem:s8+$0x6460]  }
0x25: {  	v6 =	vld [tilespmem:s8+$0x6450]  }
0x26: {  	v7 =	vld [tilespmem:s8+$0x6440]  }
0x27: {  	[tilespmem:s20+$0x0] =	vst.add.f32.msk $0xffff, v1  }
0x28: {  	[tilespmem:s20+$0x1F0] =	vst.add.f32.msk $0xffff, v4  }
0x29: {  	[tilespmem:s20+$0x1E0] =	vst.add.f32.msk $0xffff, v5  }
0x2a: {  	[tilespmem:s20+$0x1D0] =	vst.add.f32.msk $0xffff, v6  }
0x2b: {  	[tilespmem:s20+$0x1C0] =	vst.add.f32.msk $0xffff, v7  }
0x2c: {  	[tilespmem:s20+$0x1B0] =	vst.add.f32.msk $0xffff, v3  }
0x2d: {  	[tilespmem:s20+$0x1A0] =	vst.add.f32.msk $0xffff, v2  }
0x2e: {  	[tilespmem:s20+$0x190] =	vst.add.f32.msk $0xffff, v0  }
0x2f: {  	[tilespmem:s20+$0x180] =	vst.add.f32.msk $0xffff, v1  }
0x30: {  	[tilespmem:s20+$0x170] =	vst.add.f32.msk $0xffff, v4  }
0x31: {  	[tilespmem:s20+$0x160] =	vst.add.f32.msk $0xffff, v5  }
0x32: {  	[tilespmem:s20+$0x150] =	vst.add.f32.msk $0xffff, v6  }
0x33: {  	[tilespmem:s20+$0x140] =	vst.add.f32.msk $0xffff, v7  }
0x34: {  	[tilespmem:s20+$0x130] =	vst.add.f32.msk $0xffff, v3  }
0x35: {  	[tilespmem:s20+$0x120] =	vst.add.f32.msk $0xffff, v2  }
0x36: {  	[tilespmem:s20+$0x110] =	vst.add.f32.msk $0xffff, v0  }
0x37: {  	[tilespmem:s20+$0x100] =	vst.add.f32.msk $0xffff, v1  }
0x38: {  	[tilespmem:s20+$0xF0] =	vst.add.f32.msk $0xffff, v4  }
0x39: {  	[tilespmem:s20+$0xE0] =	vst.add.f32.msk $0xffff, v5  }
0x3a: {  	[tilespmem:s20+$0xD0] =	vst.add.f32.msk $0xffff, v6  }
0x3b: {  	[tilespmem:s20+$0xC0] =	vst.add.f32.msk $0xffff, v7  }
0x3c: {  	[tilespmem:s20+$0xB0] =	vst.add.f32.msk $0xffff, v3  }
0x3d: {  	[tilespmem:s20+$0xA0] =	vst.add.f32.msk $0xffff, v2  }
0x3e: {  	[tilespmem:s20+$0x90] =	vst.add.f32.msk $0xffff, v0  }
0x3f: {  	[tilespmem:s20+$0x80] =	vst.add.f32.msk $0xffff, v1  }
0x40: {  	[tilespmem:s20+$0x70] =	vst.add.f32.msk $0xffff, v4  }
0x41: {  	[tilespmem:s20+$0x60] =	vst.add.f32.msk $0xffff, v5  }
0x42: {  	[tilespmem:s20+$0x50] =	vst.add.f32.msk $0xffff, v6  }
0x43: {  	[tilespmem:s20+$0x40] =	vst.add.f32.msk $0xffff, v7  }
0x44: {  	[tilespmem:s20+$0x30] =	vst.add.f32.msk $0xffff, v3  }
0x45: {  	s2 =	simm.s32 $0xC800;
	s0 =	simm.s32 $0x0;
	[tilespmem:s20+$0x20] =	vst.add.f32.msk $0xffff, v2  }
.LBB2_2:
0x46: {  	s0 =	sadd.s32 $0x4, s0;
	[tilespmem:s2+$0x10] =	vst.add.f32.msk $0xffff, v0;
	s2 =	sadd.s32 $0x200, s2  }
0x47: {  	[tilespmem:s2+$0x0] =	vst.add.f32.msk $0xffff, v1;
	p0 =	slt.u32 s0, $0x7C  }
0x48: {  	[tilespmem:s2+$0x1F0] =	vst.add.f32.msk $0xffff, v4  }
0x49: {  	[tilespmem:s2+$0x1E0] =	vst.add.f32.msk $0xffff, v5  }
0x4a: {  	[tilespmem:s2+$0x1D0] =	vst.add.f32.msk $0xffff, v6  }
0x4b: {  	[tilespmem:s2+$0x1C0] =	vst.add.f32.msk $0xffff, v7  }
0x4c: {  	[tilespmem:s2+$0x1B0] =	vst.add.f32.msk $0xffff, v3  }
0x4d: {  	[tilespmem:s2+$0x1A0] =	vst.add.f32.msk $0xffff, v2  }
0x4e: {  	[tilespmem:s2+$0x190] =	vst.add.f32.msk $0xffff, v0  }
0x4f: {  	[tilespmem:s2+$0x180] =	vst.add.f32.msk $0xffff, v1  }
0x50: {  	[tilespmem:s2+$0x170] =	vst.add.f32.msk $0xffff, v4  }
0x51: {  	[tilespmem:s2+$0x160] =	vst.add.f32.msk $0xffff, v5  }
0x52: {  	[tilespmem:s2+$0x150] =	vst.add.f32.msk $0xffff, v6  }
0x53: {  	[tilespmem:s2+$0x140] =	vst.add.f32.msk $0xffff, v7  }
0x54: {  	[tilespmem:s2+$0x130] =	vst.add.f32.msk $0xffff, v3  }
0x55: {  	[tilespmem:s2+$0x120] =	vst.add.f32.msk $0xffff, v2  }
0x56: {  	[tilespmem:s2+$0x110] =	vst.add.f32.msk $0xffff, v0  }
0x57: {  	[tilespmem:s2+$0x100] =	vst.add.f32.msk $0xffff, v1  }
0x58: {  	[tilespmem:s2+$0xF0] =	vst.add.f32.msk $0xffff, v4  }
0x59: {  	[tilespmem:s2+$0xE0] =	vst.add.f32.msk $0xffff, v5  }
0x5a: {  	[tilespmem:s2+$0xD0] =	vst.add.f32.msk $0xffff, v6  }
0x5b: {  	[tilespmem:s2+$0xC0] =	vst.add.f32.msk $0xffff, v7  }
0x5c: {  	[tilespmem:s2+$0xB0] =	vst.add.f32.msk $0xffff, v3  }
0x5d: {  	[tilespmem:s2+$0xA0] =	vst.add.f32.msk $0xffff, v2  }
0x5e: {  	[tilespmem:s2+$0x90] =	vst.add.f32.msk $0xffff, v0  }
0x5f: {  	[tilespmem:s2+$0x80] =	vst.add.f32.msk $0xffff, v1  }
0x60: {  	[tilespmem:s2+$0x70] =	vst.add.f32.msk $0xffff, v4  }
.Ltmp0:
0x61: {  	[tilespmem:s2+$0x60] =	vst.add.f32.msk $0xffff, v5;
	(pc) =	sbr.rel @p0 .LBB2_2-.Ltmp0, $4  }
0x62: {  	[tilespmem:s2+$0x50] =	vst.add.f32.msk $0xffff, v6  }
0x63: {  	[tilespmem:s2+$0x40] =	vst.add.f32.msk $0xffff, v7  }
0x64: {  	[tilespmem:s2+$0x30] =	vst.add.f32.msk $0xffff, v3  }
0x65: {  	[tilespmem:s2+$0x20] =	vst.add.f32.msk $0xffff, v2  }
0x66: {  	[tilespmem:s2+$0x10] =	vst.add.f32.msk $0xffff, v0  }
0x67: {  	[tilespmem:s18], [sflag:$0x3] =	stream.indirect.gather [hbm4b:s1+s14], $0x80, s17, s14, $0xb8;
	[tilespmem:$0x1C800] =	vst v63  }
0x68: {  	_ =	swait.ge [sflag:s19], $0x4000  }
0x69: {  	[sflag:s19] =	ssyncset.done $0x0  }
0x6a: {  	[sflag:s19] =	ssyncadd.s32 $0xFFFFC000  }
0x6b: {  	v1 =	vld [tilespmem:s8+$0x6400]  }
0x6c: {  	v0 =	vld [tilespmem:s8+$0x6410]  }
0x6d: {  	v2 =	vld [tilespmem:s8+$0x6420]  }
0x6e: {  	v3 =	vld [tilespmem:s8+$0x6430]  }
0x6f: {  	v4 =	vld [tilespmem:s8+$0x6470]  }
0x70: {  	v5 =	vld [tilespmem:s8+$0x6460]  }
0x71: {  	v6 =	vld [tilespmem:s8+$0x6450]  }
0x72: {  	s0 =	simm.s32 $0x10800;
	v7 =	vld [tilespmem:s8+$0x6440]  }
0x73: {  	[tilespmem:s0+$0x0] =	vst.add.f32.msk $0xffff, v1  }
0x74: {  	[tilespmem:s0+$0x1F0] =	vst.add.f32.msk $0xffff, v4  }
0x75: {  	[tilespmem:s0+$0x1E0] =	vst.add.f32.msk $0xffff, v5  }
0x76: {  	[tilespmem:s0+$0x1D0] =	vst.add.f32.msk $0xffff, v6  }
0x77: {  	[tilespmem:s0+$0x1C0] =	vst.add.f32.msk $0xffff, v7  }
0x78: {  	[tilespmem:s0+$0x1B0] =	vst.add.f32.msk $0xffff, v3  }
0x79: {  	[tilespmem:s0+$0x1A0] =	vst.add.f32.msk $0xffff, v2  }
0x7a: {  	[tilespmem:s0+$0x190] =	vst.add.f32.msk $0xffff, v0  }
0x7b: {  	[tilespmem:s0+$0x180] =	vst.add.f32.msk $0xffff, v1  }
0x7c: {  	[tilespmem:s0+$0x170] =	vst.add.f32.msk $0xffff, v4  }
0x7d: {  	[tilespmem:s0+$0x160] =	vst.add.f32.msk $0xffff, v5  }
0x7e: {  	[tilespmem:s0+$0x150] =	vst.add.f32.msk $0xffff, v6  }
0x7f: {  	[tilespmem:s0+$0x140] =	vst.add.f32.msk $0xffff, v7  }
0x80: {  	[tilespmem:s0+$0x130] =	vst.add.f32.msk $0xffff, v3  }
0x81: {  	[tilespmem:s0+$0x120] =	vst.add.f32.msk $0xffff, v2  }
0x82: {  	[tilespmem:s0+$0x110] =	vst.add.f32.msk $0xffff, v0  }
0x83: {  	[tilespmem:s0+$0x100] =	vst.add.f32.msk $0xffff, v1  }
0x84: {  	[tilespmem:s0+$0xF0] =	vst.add.f32.msk $0xffff, v4  }
0x85: {  	[tilespmem:s0+$0xE0] =	vst.add.f32.msk $0xffff, v5  }
0x86: {  	[tilespmem:s0+$0xD0] =	vst.add.f32.msk $0xffff, v6  }
0x87: {  	[tilespmem:s0+$0xC0] =	vst.add.f32.msk $0xffff, v7  }
0x88: {  	[tilespmem:s0+$0xB0] =	vst.add.f32.msk $0xffff, v3  }
0x89: {  	[tilespmem:s0+$0xA0] =	vst.add.f32.msk $0xffff, v2  }
0x8a: {  	[tilespmem:s0+$0x90] =	vst.add.f32.msk $0xffff, v0  }
0x8b: {  	[tilespmem:s0+$0x80] =	vst.add.f32.msk $0xffff, v1  }
0x8c: {  	[tilespmem:s0+$0x70] =	vst.add.f32.msk $0xffff, v4  }
0x8d: {  	[tilespmem:s0+$0x60] =	vst.add.f32.msk $0xffff, v5  }
0x8e: {  	[tilespmem:s0+$0x50] =	vst.add.f32.msk $0xffff, v6  }
0x8f: {  	[tilespmem:s0+$0x40] =	vst.add.f32.msk $0xffff, v7  }
0x90: {  	[tilespmem:s0+$0x30] =	vst.add.f32.msk $0xffff, v3  }
0x91: {  	s2 =	simm.s32 $0x80;
	[tilespmem:s0+$0x20] =	vst.add.f32.msk $0xffff, v2  }
.LBB2_4:
0x92: {  	s2 =	sadd.s32 $0x4, s2;
	[tilespmem:s0+$0x10] =	vst.add.f32.msk $0xffff, v0;
	s0 =	sadd.s32 $0x200, s0  }
0x93: {  	[tilespmem:s0+$0x0] =	vst.add.f32.msk $0xffff, v1;
	p0 =	slt.u32 s2, $0xFC  }
0x94: {  	[tilespmem:s0+$0x1F0] =	vst.add.f32.msk $0xffff, v4  }
0x95: {  	[tilespmem:s0+$0x1E0] =	vst.add.f32.msk $0xffff, v5  }
0x96: {  	[tilespmem:s0+$0x1D0] =	vst.add.f32.msk $0xffff, v6  }
0x97: {  	[tilespmem:s0+$0x1C0] =	vst.add.f32.msk $0xffff, v7  }
0x98: {  	[tilespmem:s0+$0x1B0] =	vst.add.f32.msk $0xffff, v3  }
0x99: {  	[tilespmem:s0+$0x1A0] =	vst.add.f32.msk $0xffff, v2  }
0x9a: {  	[tilespmem:s0+$0x190] =	vst.add.f32.msk $0xffff, v0  }
0x9b: {  	[tilespmem:s0+$0x180] =	vst.add.f32.msk $0xffff, v1  }
0x9c: {  	[tilespmem:s0+$0x170] =	vst.add.f32.msk $0xffff, v4  }
0x9d: {  	[tilespmem:s0+$0x160] =	vst.add.f32.msk $0xffff, v5  }
0x9e: {  	[tilespmem:s0+$0x150] =	vst.add.f32.msk $0xffff, v6  }
0x9f: {  	[tilespmem:s0+$0x140] =	vst.add.f32.msk $0xffff, v7  }
0xa0: {  	[tilespmem:s0+$0x130] =	vst.add.f32.msk $0xffff, v3  }
0xa1: {  	[tilespmem:s0+$0x120] =	vst.add.f32.msk $0xffff, v2  }
0xa2: {  	[tilespmem:s0+$0x110] =	vst.add.f32.msk $0xffff, v0  }
0xa3: {  	[tilespmem:s0+$0x100] =	vst.add.f32.msk $0xffff, v1  }
0xa4: {  	[tilespmem:s0+$0xF0] =	vst.add.f32.msk $0xffff, v4  }
0xa5: {  	[tilespmem:s0+$0xE0] =	vst.add.f32.msk $0xffff, v5  }
0xa6: {  	[tilespmem:s0+$0xD0] =	vst.add.f32.msk $0xffff, v6  }
0xa7: {  	[tilespmem:s0+$0xC0] =	vst.add.f32.msk $0xffff, v7  }
0xa8: {  	[tilespmem:s0+$0xB0] =	vst.add.f32.msk $0xffff, v3  }
0xa9: {  	[tilespmem:s0+$0xA0] =	vst.add.f32.msk $0xffff, v2  }
0xaa: {  	[tilespmem:s0+$0x90] =	vst.add.f32.msk $0xffff, v0  }
0xab: {  	[tilespmem:s0+$0x80] =	vst.add.f32.msk $0xffff, v1  }
0xac: {  	[tilespmem:s0+$0x70] =	vst.add.f32.msk $0xffff, v4  }
.Ltmp1:
0xad: {  	[tilespmem:s0+$0x60] =	vst.add.f32.msk $0xffff, v5;
	(pc) =	sbr.rel @p0 .LBB2_4-.Ltmp1, $4  }
0xae: {  	[tilespmem:s0+$0x50] =	vst.add.f32.msk $0xffff, v6  }
0xaf: {  	[tilespmem:s0+$0x40] =	vst.add.f32.msk $0xffff, v7  }
0xb0: {  	[tilespmem:s0+$0x30] =	vst.add.f32.msk $0xffff, v3  }
0xb1: {  	[tilespmem:s0+$0x20] =	vst.add.f32.msk $0xffff, v2  }
0xb2: {  	[tilespmem:s0+$0x10] =	vst.add.f32.msk $0xffff, v0  }
0xb3: {  	[hbm4b:s9+s5] =	stream.linear.scatter [tilespmem:s20], [sflag:$0x5], $0x8000, $0x38;
	[tilespmem:$0x1C800] =	vst v63  }
0xb4: {  	_ = 	snop  }
0xb5: {  	[tilespmem:s22], [sflag:$0x4] =	stream.indirect.gather [hbm4b:s1+s14], $0x80, s21, s14, $0xb8;
	[tilespmem:$0x1C800] =	vst v63  }
0xb6: {  	_ =	swait.ge [sflag:s23], $0x4000  }
0xb7: {  	[sflag:s23] =	ssyncset.done $0x0  }
0xb8: {  	[sflag:s23] =	ssyncadd.s32 $0xFFFFC000  }
0xb9: {  	v1 =	vld [tilespmem:s8+$0x6400]  }
0xba: {  	v0 =	vld [tilespmem:s8+$0x6410]  }
0xbb: {  	v2 =	vld [tilespmem:s8+$0x6420]  }
0xbc: {  	v3 =	vld [tilespmem:s8+$0x6430]  }
0xbd: {  	v4 =	vld [tilespmem:s8+$0x6470]  }
0xbe: {  	v5 =	vld [tilespmem:s8+$0x6460]  }
0xbf: {  	v6 =	vld [tilespmem:s8+$0x6450]  }
0xc0: {  	s0 =	simm.s32 $0x14800;
	v7 =	vld [tilespmem:s8+$0x6440]  }
0xc1: {  	[tilespmem:s0+$0x0] =	vst.add.f32.msk $0xffff, v1  }
0xc2: {  	[tilespmem:s0+$0x1F0] =	vst.add.f32.msk $0xffff, v4  }
0xc3: {  	[tilespmem:s0+$0x1E0] =	vst.add.f32.msk $0xffff, v5  }
0xc4: {  	[tilespmem:s0+$0x1D0] =	vst.add.f32.msk $0xffff, v6  }
0xc5: {  	[tilespmem:s0+$0x1C0] =	vst.add.f32.msk $0xffff, v7  }
0xc6: {  	[tilespmem:s0+$0x1B0] =	vst.add.f32.msk $0xffff, v3  }
0xc7: {  	[tilespmem:s0+$0x1A0] =	vst.add.f32.msk $0xffff, v2  }
0xc8: {  	[tilespmem:s0+$0x190] =	vst.add.f32.msk $0xffff, v0  }
0xc9: {  	[tilespmem:s0+$0x180] =	vst.add.f32.msk $0xffff, v1  }
0xca: {  	[tilespmem:s0+$0x170] =	vst.add.f32.msk $0xffff, v4  }
0xcb: {  	[tilespmem:s0+$0x160] =	vst.add.f32.msk $0xffff, v5  }
0xcc: {  	[tilespmem:s0+$0x150] =	vst.add.f32.msk $0xffff, v6  }
0xcd: {  	[tilespmem:s0+$0x140] =	vst.add.f32.msk $0xffff, v7  }
0xce: {  	[tilespmem:s0+$0x130] =	vst.add.f32.msk $0xffff, v3  }
0xcf: {  	[tilespmem:s0+$0x120] =	vst.add.f32.msk $0xffff, v2  }
0xd0: {  	[tilespmem:s0+$0x110] =	vst.add.f32.msk $0xffff, v0  }
0xd1: {  	[tilespmem:s0+$0x100] =	vst.add.f32.msk $0xffff, v1  }
0xd2: {  	[tilespmem:s0+$0xF0] =	vst.add.f32.msk $0xffff, v4  }
0xd3: {  	[tilespmem:s0+$0xE0] =	vst.add.f32.msk $0xffff, v5  }
0xd4: {  	[tilespmem:s0+$0xD0] =	vst.add.f32.msk $0xffff, v6  }
0xd5: {  	[tilespmem:s0+$0xC0] =	vst.add.f32.msk $0xffff, v7  }
0xd6: {  	[tilespmem:s0+$0xB0] =	vst.add.f32.msk $0xffff, v3  }
0xd7: {  	[tilespmem:s0+$0xA0] =	vst.add.f32.msk $0xffff, v2  }
0xd8: {  	[tilespmem:s0+$0x90] =	vst.add.f32.msk $0xffff, v0  }
0xd9: {  	[tilespmem:s0+$0x80] =	vst.add.f32.msk $0xffff, v1  }
0xda: {  	[tilespmem:s0+$0x70] =	vst.add.f32.msk $0xffff, v4  }
0xdb: {  	[tilespmem:s0+$0x60] =	vst.add.f32.msk $0xffff, v5  }
0xdc: {  	[tilespmem:s0+$0x50] =	vst.add.f32.msk $0xffff, v6  }
0xdd: {  	[tilespmem:s0+$0x40] =	vst.add.f32.msk $0xffff, v7  }
0xde: {  	[tilespmem:s0+$0x30] =	vst.add.f32.msk $0xffff, v3  }
0xdf: {  	s2 =	simm.s32 $0x0;
	[tilespmem:s0+$0x20] =	vst.add.f32.msk $0xffff, v2  }
.LBB2_6:
0xe0: {  	s2 =	sadd.s32 $0x4, s2;
	[tilespmem:s0+$0x10] =	vst.add.f32.msk $0xffff, v0;
	s0 =	sadd.s32 $0x200, s0  }
0xe1: {  	[tilespmem:s0+$0x0] =	vst.add.f32.msk $0xffff, v1;
	p0 =	slt.u32 s2, $0x7C  }
0xe2: {  	[tilespmem:s0+$0x1F0] =	vst.add.f32.msk $0xffff, v4  }
0xe3: {  	[tilespmem:s0+$0x1E0] =	vst.add.f32.msk $0xffff, v5  }
0xe4: {  	[tilespmem:s0+$0x1D0] =	vst.add.f32.msk $0xffff, v6  }
0xe5: {  	[tilespmem:s0+$0x1C0] =	vst.add.f32.msk $0xffff, v7  }
0xe6: {  	[tilespmem:s0+$0x1B0] =	vst.add.f32.msk $0xffff, v3  }
0xe7: {  	[tilespmem:s0+$0x1A0] =	vst.add.f32.msk $0xffff, v2  }
0xe8: {  	[tilespmem:s0+$0x190] =	vst.add.f32.msk $0xffff, v0  }
0xe9: {  	[tilespmem:s0+$0x180] =	vst.add.f32.msk $0xffff, v1  }
0xea: {  	[tilespmem:s0+$0x170] =	vst.add.f32.msk $0xffff, v4  }
0xeb: {  	[tilespmem:s0+$0x160] =	vst.add.f32.msk $0xffff, v5  }
0xec: {  	[tilespmem:s0+$0x150] =	vst.add.f32.msk $0xffff, v6  }
0xed: {  	[tilespmem:s0+$0x140] =	vst.add.f32.msk $0xffff, v7  }
0xee: {  	[tilespmem:s0+$0x130] =	vst.add.f32.msk $0xffff, v3  }
0xef: {  	[tilespmem:s0+$0x120] =	vst.add.f32.msk $0xffff, v2  }
0xf0: {  	[tilespmem:s0+$0x110] =	vst.add.f32.msk $0xffff, v0  }
0xf1: {  	[tilespmem:s0+$0x100] =	vst.add.f32.msk $0xffff, v1  }
0xf2: {  	[tilespmem:s0+$0xF0] =	vst.add.f32.msk $0xffff, v4  }
0xf3: {  	[tilespmem:s0+$0xE0] =	vst.add.f32.msk $0xffff, v5  }
0xf4: {  	[tilespmem:s0+$0xD0] =	vst.add.f32.msk $0xffff, v6  }
0xf5: {  	[tilespmem:s0+$0xC0] =	vst.add.f32.msk $0xffff, v7  }
0xf6: {  	[tilespmem:s0+$0xB0] =	vst.add.f32.msk $0xffff, v3  }
0xf7: {  	[tilespmem:s0+$0xA0] =	vst.add.f32.msk $0xffff, v2  }
0xf8: {  	[tilespmem:s0+$0x90] =	vst.add.f32.msk $0xffff, v0  }
0xf9: {  	[tilespmem:s0+$0x80] =	vst.add.f32.msk $0xffff, v1  }
0xfa: {  	[tilespmem:s0+$0x70] =	vst.add.f32.msk $0xffff, v4  }
.Ltmp2:
0xfb: {  	[tilespmem:s0+$0x60] =	vst.add.f32.msk $0xffff, v5;
	(pc) =	sbr.rel @p0 .LBB2_6-.Ltmp2, $4  }
0xfc: {  	[tilespmem:s0+$0x50] =	vst.add.f32.msk $0xffff, v6  }
0xfd: {  	[tilespmem:s0+$0x40] =	vst.add.f32.msk $0xffff, v7  }
0xfe: {  	[tilespmem:s0+$0x30] =	vst.add.f32.msk $0xffff, v3  }
0xff: {  	[tilespmem:s0+$0x20] =	vst.add.f32.msk $0xffff, v2  }
0x100: {  	[tilespmem:s0+$0x10] =	vst.add.f32.msk $0xffff, v0  }
0x101: {  	_ =	swait.ge [sflag:s24], $0x4000  }
0x102: {  	[sflag:s24] =	ssyncset.done $0x0  }
0x103: {  	[sflag:s24] =	ssyncadd.s32 $0xFFFFC000  }
0x104: {  	v1 =	vld [tilespmem:s8+$0x6400]  }
0x105: {  	v0 =	vld [tilespmem:s8+$0x6410]  }
0x106: {  	v2 =	vld [tilespmem:s8+$0x6420]  }
0x107: {  	v3 =	vld [tilespmem:s8+$0x6430]  }
0x108: {  	v4 =	vld [tilespmem:s8+$0x6470]  }
0x109: {  	v5 =	vld [tilespmem:s8+$0x6460]  }
0x10a: {  	v6 =	vld [tilespmem:s8+$0x6450]  }
0x10b: {  	s0 =	simm.s32 $0x18800;
	v7 =	vld [tilespmem:s8+$0x6440]  }
0x10c: {  	[tilespmem:s0+$0x0] =	vst.add.f32.msk $0xffff, v1  }
0x10d: {  	[tilespmem:s0+$0x1F0] =	vst.add.f32.msk $0xffff, v4  }
0x10e: {  	[tilespmem:s0+$0x1E0] =	vst.add.f32.msk $0xffff, v5  }
0x10f: {  	[tilespmem:s0+$0x1D0] =	vst.add.f32.msk $0xffff, v6  }
0x110: {  	[tilespmem:s0+$0x1C0] =	vst.add.f32.msk $0xffff, v7  }
0x111: {  	[tilespmem:s0+$0x1B0] =	vst.add.f32.msk $0xffff, v3  }
0x112: {  	[tilespmem:s0+$0x1A0] =	vst.add.f32.msk $0xffff, v2  }
0x113: {  	[tilespmem:s0+$0x190] =	vst.add.f32.msk $0xffff, v0  }
0x114: {  	[tilespmem:s0+$0x180] =	vst.add.f32.msk $0xffff, v1  }
0x115: {  	[tilespmem:s0+$0x170] =	vst.add.f32.msk $0xffff, v4  }
0x116: {  	[tilespmem:s0+$0x160] =	vst.add.f32.msk $0xffff, v5  }
0x117: {  	[tilespmem:s0+$0x150] =	vst.add.f32.msk $0xffff, v6  }
0x118: {  	[tilespmem:s0+$0x140] =	vst.add.f32.msk $0xffff, v7  }
0x119: {  	[tilespmem:s0+$0x130] =	vst.add.f32.msk $0xffff, v3  }
0x11a: {  	[tilespmem:s0+$0x120] =	vst.add.f32.msk $0xffff, v2  }
0x11b: {  	[tilespmem:s0+$0x110] =	vst.add.f32.msk $0xffff, v0  }
0x11c: {  	[tilespmem:s0+$0x100] =	vst.add.f32.msk $0xffff, v1  }
0x11d: {  	[tilespmem:s0+$0xF0] =	vst.add.f32.msk $0xffff, v4  }
0x11e: {  	[tilespmem:s0+$0xE0] =	vst.add.f32.msk $0xffff, v5  }
0x11f: {  	[tilespmem:s0+$0xD0] =	vst.add.f32.msk $0xffff, v6  }
0x120: {  	[tilespmem:s0+$0xC0] =	vst.add.f32.msk $0xffff, v7  }
0x121: {  	[tilespmem:s0+$0xB0] =	vst.add.f32.msk $0xffff, v3  }
0x122: {  	[tilespmem:s0+$0xA0] =	vst.add.f32.msk $0xffff, v2  }
0x123: {  	[tilespmem:s0+$0x90] =	vst.add.f32.msk $0xffff, v0  }
0x124: {  	[tilespmem:s0+$0x80] =	vst.add.f32.msk $0xffff, v1  }
0x125: {  	[tilespmem:s0+$0x70] =	vst.add.f32.msk $0xffff, v4  }
0x126: {  	[tilespmem:s0+$0x60] =	vst.add.f32.msk $0xffff, v5  }
0x127: {  	[tilespmem:s0+$0x50] =	vst.add.f32.msk $0xffff, v6  }
0x128: {  	[tilespmem:s0+$0x40] =	vst.add.f32.msk $0xffff, v7  }
0x129: {  	[tilespmem:s0+$0x30] =	vst.add.f32.msk $0xffff, v3  }
0x12a: {  	s2 =	simm.s32 $0x80;
	[tilespmem:s0+$0x20] =	vst.add.f32.msk $0xffff, v2  }
.LBB2_8:
0x12b: {  	s2 =	sadd.s32 $0x4, s2;
	[tilespmem:s0+$0x10] =	vst.add.f32.msk $0xffff, v0;
	s0 =	sadd.s32 $0x200, s0  }
0x12c: {  	[tilespmem:s0+$0x0] =	vst.add.f32.msk $0xffff, v1;
	p0 =	slt.u32 s2, $0xFC  }
0x12d: {  	[tilespmem:s0+$0x1F0] =	vst.add.f32.msk $0xffff, v4  }
0x12e: {  	[tilespmem:s0+$0x1E0] =	vst.add.f32.msk $0xffff, v5  }
0x12f: {  	[tilespmem:s0+$0x1D0] =	vst.add.f32.msk $0xffff, v6  }
0x130: {  	[tilespmem:s0+$0x1C0] =	vst.add.f32.msk $0xffff, v7  }
0x131: {  	[tilespmem:s0+$0x1B0] =	vst.add.f32.msk $0xffff, v3  }
0x132: {  	[tilespmem:s0+$0x1A0] =	vst.add.f32.msk $0xffff, v2  }
0x133: {  	[tilespmem:s0+$0x190] =	vst.add.f32.msk $0xffff, v0  }
0x134: {  	[tilespmem:s0+$0x180] =	vst.add.f32.msk $0xffff, v1  }
0x135: {  	[tilespmem:s0+$0x170] =	vst.add.f32.msk $0xffff, v4  }
0x136: {  	[tilespmem:s0+$0x160] =	vst.add.f32.msk $0xffff, v5  }
0x137: {  	[tilespmem:s0+$0x150] =	vst.add.f32.msk $0xffff, v6  }
0x138: {  	[tilespmem:s0+$0x140] =	vst.add.f32.msk $0xffff, v7  }
0x139: {  	[tilespmem:s0+$0x130] =	vst.add.f32.msk $0xffff, v3  }
0x13a: {  	[tilespmem:s0+$0x120] =	vst.add.f32.msk $0xffff, v2  }
0x13b: {  	[tilespmem:s0+$0x110] =	vst.add.f32.msk $0xffff, v0  }
0x13c: {  	[tilespmem:s0+$0x100] =	vst.add.f32.msk $0xffff, v1  }
0x13d: {  	[tilespmem:s0+$0xF0] =	vst.add.f32.msk $0xffff, v4  }
0x13e: {  	[tilespmem:s0+$0xE0] =	vst.add.f32.msk $0xffff, v5  }
0x13f: {  	[tilespmem:s0+$0xD0] =	vst.add.f32.msk $0xffff, v6  }
0x140: {  	[tilespmem:s0+$0xC0] =	vst.add.f32.msk $0xffff, v7  }
0x141: {  	[tilespmem:s0+$0xB0] =	vst.add.f32.msk $0xffff, v3  }
0x142: {  	[tilespmem:s0+$0xA0] =	vst.add.f32.msk $0xffff, v2  }
0x143: {  	[tilespmem:s0+$0x90] =	vst.add.f32.msk $0xffff, v0  }
0x144: {  	[tilespmem:s0+$0x80] =	vst.add.f32.msk $0xffff, v1  }
0x145: {  	[tilespmem:s0+$0x70] =	vst.add.f32.msk $0xffff, v4  }
.Ltmp3:
0x146: {  	[tilespmem:s0+$0x60] =	vst.add.f32.msk $0xffff, v5;
	(pc) =	sbr.rel @p0 .LBB2_8-.Ltmp3, $4  }
0x147: {  	[tilespmem:s0+$0x50] =	vst.add.f32.msk $0xffff, v6  }
0x148: {  	[tilespmem:s0+$0x40] =	vst.add.f32.msk $0xffff, v7  }
0x149: {  	[tilespmem:s0+$0x30] =	vst.add.f32.msk $0xffff, v3  }
0x14a: {  	[tilespmem:s0+$0x20] =	vst.add.f32.msk $0xffff, v2  }
0x14b: {  	[tilespmem:s0+$0x10] =	vst.add.f32.msk $0xffff, v0;
	s29 =	simm.s32 $0x1  }
0x14c: {  	[hbm4b:s10+s5] =	stream.linear.scatter [tilespmem:s18], [sflag:$0x6], $0x8000, $0x38;
	[tilespmem:$0x1C800] =	vst v63  }
.LBB2_10:
0x14d: {  	_ =	swait.ge [sflag:s25], $0x8000  }
0x14e: {  	s2 =	sshll.u32 s29, $0x9;
	[sflag:s25] =	ssyncset.done $0x0  }
0x14f: {  	s0 =	simm.s32 $0xC800;
	s3 =	sand.u32 $0x3FFFFE00, s2;
	[sflag:s25] =	ssyncadd.s32 $0xFFFF8000  }
0x150: {  	[tilespmem:s0], [sflag:$0x1] =	stream.indirect.gather [hbm4b:s1+s14], $0x80, s3, s14, $0xb8;
	[tilespmem:$0x1C800] =	vst v63  }
0x151: {  	s3 =	sor.u32 $0x80, s3  }
0x152: {  	[tilespmem:s15], [sflag:$0x2] =	stream.indirect.gather [hbm4b:s1+s14], $0x80, s3, s14, $0xb8;
	[tilespmem:$0x1C800] =	vst v63  }
0x153: {  	s30 =	sadd.s32 s6, s2;
	_ =	swait.ge [sflag:s16], $0x4000  }
0x154: {  	s2 =	sshrl.u32 s30, $0x5;
	[sflag:s16] =	ssyncset.done $0x0  }
0x155: {  	s31 =	sand.u32 $0x3FFFF80, s2;
	[sflag:s16] =	ssyncadd.s32 $0xFFFFC000  }
0x156: {  	v1 =	vld [tilespmem:s31+$0x6400]  }
0x157: {  	v0 =	vld [tilespmem:s31+$0x6410]  }
0x158: {  	v2 =	vld [tilespmem:s31+$0x6420]  }
0x159: {  	v3 =	vld [tilespmem:s31+$0x6430]  }
0x15a: {  	v4 =	vld [tilespmem:s31+$0x6470]  }
0x15b: {  	v5 =	vld [tilespmem:s31+$0x6460]  }
0x15c: {  	v6 =	vld [tilespmem:s31+$0x6450]  }
0x15d: {  	v7 =	vld [tilespmem:s31+$0x6440]  }
0x15e: {  	[tilespmem:s0+$0x0] =	vst.add.f32.msk $0xffff, v1  }
0x15f: {  	[tilespmem:s0+$0x1F0] =	vst.add.f32.msk $0xffff, v4  }
0x160: {  	[tilespmem:s0+$0x1E0] =	vst.add.f32.msk $0xffff, v5  }
0x161: {  	[tilespmem:s0+$0x1D0] =	vst.add.f32.msk $0xffff, v6  }
0x162: {  	[tilespmem:s0+$0x1C0] =	vst.add.f32.msk $0xffff, v7  }
0x163: {  	[tilespmem:s0+$0x1B0] =	vst.add.f32.msk $0xffff, v3  }
0x164: {  	[tilespmem:s0+$0x1A0] =	vst.add.f32.msk $0xffff, v2  }
0x165: {  	[tilespmem:s0+$0x190] =	vst.add.f32.msk $0xffff, v0  }
0x166: {  	[tilespmem:s0+$0x180] =	vst.add.f32.msk $0xffff, v1  }
0x167: {  	[tilespmem:s0+$0x170] =	vst.add.f32.msk $0xffff, v4  }
0x168: {  	[tilespmem:s0+$0x160] =	vst.add.f32.msk $0xffff, v5  }
0x169: {  	[tilespmem:s0+$0x150] =	vst.add.f32.msk $0xffff, v6  }
0x16a: {  	[tilespmem:s0+$0x140] =	vst.add.f32.msk $0xffff, v7  }
0x16b: {  	[tilespmem:s0+$0x130] =	vst.add.f32.msk $0xffff, v3  }
0x16c: {  	[tilespmem:s0+$0x120] =	vst.add.f32.msk $0xffff, v2  }
0x16d: {  	[tilespmem:s0+$0x110] =	vst.add.f32.msk $0xffff, v0  }
0x16e: {  	[tilespmem:s0+$0x100] =	vst.add.f32.msk $0xffff, v1  }
0x16f: {  	[tilespmem:s0+$0xF0] =	vst.add.f32.msk $0xffff, v4  }
0x170: {  	[tilespmem:s0+$0xE0] =	vst.add.f32.msk $0xffff, v5  }
0x171: {  	[tilespmem:s0+$0xD0] =	vst.add.f32.msk $0xffff, v6  }
0x172: {  	[tilespmem:s0+$0xC0] =	vst.add.f32.msk $0xffff, v7  }
0x173: {  	[tilespmem:s0+$0xB0] =	vst.add.f32.msk $0xffff, v3  }
0x174: {  	[tilespmem:s0+$0xA0] =	vst.add.f32.msk $0xffff, v2  }
0x175: {  	[tilespmem:s0+$0x90] =	vst.add.f32.msk $0xffff, v0  }
0x176: {  	[tilespmem:s0+$0x80] =	vst.add.f32.msk $0xffff, v1  }
0x177: {  	[tilespmem:s0+$0x70] =	vst.add.f32.msk $0xffff, v4  }
0x178: {  	[tilespmem:s0+$0x60] =	vst.add.f32.msk $0xffff, v5  }
0x179: {  	[tilespmem:s0+$0x50] =	vst.add.f32.msk $0xffff, v6  }
0x17a: {  	[tilespmem:s0+$0x40] =	vst.add.f32.msk $0xffff, v7  }
0x17b: {  	[tilespmem:s0+$0x30] =	vst.add.f32.msk $0xffff, v3  }
0x17c: {  	s2 =	simm.s32 $0x0;
	[tilespmem:s0+$0x20] =	vst.add.f32.msk $0xffff, v2  }
.LBB2_11:
0x17d: {  	s2 =	sadd.s32 $0x4, s2;
	[tilespmem:s0+$0x10] =	vst.add.f32.msk $0xffff, v0;
	s0 =	sadd.s32 $0x200, s0  }
0x17e: {  	[tilespmem:s0+$0x0] =	vst.add.f32.msk $0xffff, v1;
	p0 =	slt.u32 s2, $0x7C  }
0x17f: {  	[tilespmem:s0+$0x1F0] =	vst.add.f32.msk $0xffff, v4  }
0x180: {  	[tilespmem:s0+$0x1E0] =	vst.add.f32.msk $0xffff, v5  }
0x181: {  	[tilespmem:s0+$0x1D0] =	vst.add.f32.msk $0xffff, v6  }
0x182: {  	[tilespmem:s0+$0x1C0] =	vst.add.f32.msk $0xffff, v7  }
0x183: {  	[tilespmem:s0+$0x1B0] =	vst.add.f32.msk $0xffff, v3  }
0x184: {  	[tilespmem:s0+$0x1A0] =	vst.add.f32.msk $0xffff, v2  }
0x185: {  	[tilespmem:s0+$0x190] =	vst.add.f32.msk $0xffff, v0  }
0x186: {  	[tilespmem:s0+$0x180] =	vst.add.f32.msk $0xffff, v1  }
0x187: {  	[tilespmem:s0+$0x170] =	vst.add.f32.msk $0xffff, v4  }
0x188: {  	[tilespmem:s0+$0x160] =	vst.add.f32.msk $0xffff, v5  }
0x189: {  	[tilespmem:s0+$0x150] =	vst.add.f32.msk $0xffff, v6  }
0x18a: {  	[tilespmem:s0+$0x140] =	vst.add.f32.msk $0xffff, v7  }
0x18b: {  	[tilespmem:s0+$0x130] =	vst.add.f32.msk $0xffff, v3  }
0x18c: {  	[tilespmem:s0+$0x120] =	vst.add.f32.msk $0xffff, v2  }
0x18d: {  	[tilespmem:s0+$0x110] =	vst.add.f32.msk $0xffff, v0  }
0x18e: {  	[tilespmem:s0+$0x100] =	vst.add.f32.msk $0xffff, v1  }
0x18f: {  	[tilespmem:s0+$0xF0] =	vst.add.f32.msk $0xffff, v4  }
0x190: {  	[tilespmem:s0+$0xE0] =	vst.add.f32.msk $0xffff, v5  }
0x191: {  	[tilespmem:s0+$0xD0] =	vst.add.f32.msk $0xffff, v6  }
0x192: {  	[tilespmem:s0+$0xC0] =	vst.add.f32.msk $0xffff, v7  }
0x193: {  	[tilespmem:s0+$0xB0] =	vst.add.f32.msk $0xffff, v3  }
0x194: {  	[tilespmem:s0+$0xA0] =	vst.add.f32.msk $0xffff, v2  }
0x195: {  	[tilespmem:s0+$0x90] =	vst.add.f32.msk $0xffff, v0  }
0x196: {  	[tilespmem:s0+$0x80] =	vst.add.f32.msk $0xffff, v1  }
0x197: {  	[tilespmem:s0+$0x70] =	vst.add.f32.msk $0xffff, v4  }
.Ltmp4:
0x198: {  	[tilespmem:s0+$0x60] =	vst.add.f32.msk $0xffff, v5;
	(pc) =	sbr.rel @p0 .LBB2_11-.Ltmp4, $4  }
0x199: {  	[tilespmem:s0+$0x50] =	vst.add.f32.msk $0xffff, v6  }
0x19a: {  	[tilespmem:s0+$0x40] =	vst.add.f32.msk $0xffff, v7  }
0x19b: {  	[tilespmem:s0+$0x30] =	vst.add.f32.msk $0xffff, v3  }
0x19c: {  	[tilespmem:s0+$0x20] =	vst.add.f32.msk $0xffff, v2  }
0x19d: {  	[tilespmem:s0+$0x10] =	vst.add.f32.msk $0xffff, v0  }
0x19e: {  	s3 =	sshllo.u32 s29, $0x1;
	_ =	swait.ge [sflag:s26], $0x8000  }
0x19f: {  	s2 =	sshll.u32 s3, $0x8;
	[sflag:s26] =	ssyncset.done $0x0  }
0x1a0: {  	s0 =	sand.u32 $0x3FFFFF00, s2;
	[sflag:s26] =	ssyncadd.s32 $0xFFFF8000  }
0x1a1: {  	[tilespmem:s18], [sflag:$0x3] =	stream.indirect.gather [hbm4b:s1+s14], $0x80, s0, s14, $0xb8;
	[tilespmem:$0x1C800] =	vst v63  }
0x1a2: {  	_ =	swait.ge [sflag:s19], $0x4000  }
0x1a3: {  	[sflag:s19] =	ssyncset.done $0x0  }
0x1a4: {  	[sflag:s19] =	ssyncadd.s32 $0xFFFFC000  }
0x1a5: {  	v1 =	vld [tilespmem:s31+$0x6400]  }
0x1a6: {  	v0 =	vld [tilespmem:s31+$0x6410]  }
0x1a7: {  	v2 =	vld [tilespmem:s31+$0x6420]  }
0x1a8: {  	v3 =	vld [tilespmem:s31+$0x6430]  }
0x1a9: {  	v4 =	vld [tilespmem:s31+$0x6470]  }
0x1aa: {  	v5 =	vld [tilespmem:s31+$0x6460]  }
0x1ab: {  	v6 =	vld [tilespmem:s31+$0x6450]  }
0x1ac: {  	v7 =	vld [tilespmem:s31+$0x6440];
	s31 =	simm.s32 $0x10800  }
0x1ad: {  	[tilespmem:s31+$0x0] =	vst.add.f32.msk $0xffff, v1  }
0x1ae: {  	[tilespmem:s31+$0x1F0] =	vst.add.f32.msk $0xffff, v4  }
0x1af: {  	[tilespmem:s31+$0x1E0] =	vst.add.f32.msk $0xffff, v5  }
0x1b0: {  	[tilespmem:s31+$0x1D0] =	vst.add.f32.msk $0xffff, v6  }
0x1b1: {  	[tilespmem:s31+$0x1C0] =	vst.add.f32.msk $0xffff, v7  }
0x1b2: {  	[tilespmem:s31+$0x1B0] =	vst.add.f32.msk $0xffff, v3  }
0x1b3: {  	[tilespmem:s31+$0x1A0] =	vst.add.f32.msk $0xffff, v2  }
0x1b4: {  	[tilespmem:s31+$0x190] =	vst.add.f32.msk $0xffff, v0  }
0x1b5: {  	[tilespmem:s31+$0x180] =	vst.add.f32.msk $0xffff, v1  }
0x1b6: {  	[tilespmem:s31+$0x170] =	vst.add.f32.msk $0xffff, v4  }
0x1b7: {  	[tilespmem:s31+$0x160] =	vst.add.f32.msk $0xffff, v5  }
0x1b8: {  	[tilespmem:s31+$0x150] =	vst.add.f32.msk $0xffff, v6  }
0x1b9: {  	[tilespmem:s31+$0x140] =	vst.add.f32.msk $0xffff, v7  }
0x1ba: {  	[tilespmem:s31+$0x130] =	vst.add.f32.msk $0xffff, v3  }
0x1bb: {  	[tilespmem:s31+$0x120] =	vst.add.f32.msk $0xffff, v2  }
0x1bc: {  	[tilespmem:s31+$0x110] =	vst.add.f32.msk $0xffff, v0  }
0x1bd: {  	[tilespmem:s31+$0x100] =	vst.add.f32.msk $0xffff, v1  }
0x1be: {  	[tilespmem:s31+$0xF0] =	vst.add.f32.msk $0xffff, v4  }
0x1bf: {  	[tilespmem:s31+$0xE0] =	vst.add.f32.msk $0xffff, v5  }
0x1c0: {  	[tilespmem:s31+$0xD0] =	vst.add.f32.msk $0xffff, v6  }
0x1c1: {  	[tilespmem:s31+$0xC0] =	vst.add.f32.msk $0xffff, v7  }
0x1c2: {  	[tilespmem:s31+$0xB0] =	vst.add.f32.msk $0xffff, v3  }
0x1c3: {  	[tilespmem:s31+$0xA0] =	vst.add.f32.msk $0xffff, v2  }
0x1c4: {  	[tilespmem:s31+$0x90] =	vst.add.f32.msk $0xffff, v0  }
0x1c5: {  	[tilespmem:s31+$0x80] =	vst.add.f32.msk $0xffff, v1  }
0x1c6: {  	[tilespmem:s31+$0x70] =	vst.add.f32.msk $0xffff, v4  }
0x1c7: {  	[tilespmem:s31+$0x60] =	vst.add.f32.msk $0xffff, v5  }
0x1c8: {  	[tilespmem:s31+$0x50] =	vst.add.f32.msk $0xffff, v6  }
0x1c9: {  	[tilespmem:s31+$0x40] =	vst.add.f32.msk $0xffff, v7  }
0x1ca: {  	[tilespmem:s31+$0x30] =	vst.add.f32.msk $0xffff, v3  }
0x1cb: {  	s3 =	simm.s32 $0x80;
	[tilespmem:s31+$0x20] =	vst.add.f32.msk $0xffff, v2  }
.LBB2_13:
0x1cc: {  	s3 =	sadd.s32 $0x4, s3;
	[tilespmem:s31+$0x10] =	vst.add.f32.msk $0xffff, v0;
	s31 =	sadd.s32 $0x200, s31  }
0x1cd: {  	[tilespmem:s31+$0x0] =	vst.add.f32.msk $0xffff, v1;
	p0 =	slt.u32 s3, $0xFC  }
0x1ce: {  	[tilespmem:s31+$0x1F0] =	vst.add.f32.msk $0xffff, v4  }
0x1cf: {  	[tilespmem:s31+$0x1E0] =	vst.add.f32.msk $0xffff, v5  }
0x1d0: {  	[tilespmem:s31+$0x1D0] =	vst.add.f32.msk $0xffff, v6  }
0x1d1: {  	[tilespmem:s31+$0x1C0] =	vst.add.f32.msk $0xffff, v7  }
0x1d2: {  	[tilespmem:s31+$0x1B0] =	vst.add.f32.msk $0xffff, v3  }
0x1d3: {  	[tilespmem:s31+$0x1A0] =	vst.add.f32.msk $0xffff, v2  }
0x1d4: {  	[tilespmem:s31+$0x190] =	vst.add.f32.msk $0xffff, v0  }
0x1d5: {  	[tilespmem:s31+$0x180] =	vst.add.f32.msk $0xffff, v1  }
0x1d6: {  	[tilespmem:s31+$0x170] =	vst.add.f32.msk $0xffff, v4  }
0x1d7: {  	[tilespmem:s31+$0x160] =	vst.add.f32.msk $0xffff, v5  }
0x1d8: {  	[tilespmem:s31+$0x150] =	vst.add.f32.msk $0xffff, v6  }
0x1d9: {  	[tilespmem:s31+$0x140] =	vst.add.f32.msk $0xffff, v7  }
0x1da: {  	[tilespmem:s31+$0x130] =	vst.add.f32.msk $0xffff, v3  }
0x1db: {  	[tilespmem:s31+$0x120] =	vst.add.f32.msk $0xffff, v2  }
0x1dc: {  	[tilespmem:s31+$0x110] =	vst.add.f32.msk $0xffff, v0  }
0x1dd: {  	[tilespmem:s31+$0x100] =	vst.add.f32.msk $0xffff, v1  }
0x1de: {  	[tilespmem:s31+$0xF0] =	vst.add.f32.msk $0xffff, v4  }
0x1df: {  	[tilespmem:s31+$0xE0] =	vst.add.f32.msk $0xffff, v5  }
0x1e0: {  	[tilespmem:s31+$0xD0] =	vst.add.f32.msk $0xffff, v6  }
0x1e1: {  	[tilespmem:s31+$0xC0] =	vst.add.f32.msk $0xffff, v7  }
0x1e2: {  	[tilespmem:s31+$0xB0] =	vst.add.f32.msk $0xffff, v3  }
0x1e3: {  	[tilespmem:s31+$0xA0] =	vst.add.f32.msk $0xffff, v2  }
0x1e4: {  	[tilespmem:s31+$0x90] =	vst.add.f32.msk $0xffff, v0  }
0x1e5: {  	[tilespmem:s31+$0x80] =	vst.add.f32.msk $0xffff, v1  }
0x1e6: {  	[tilespmem:s31+$0x70] =	vst.add.f32.msk $0xffff, v4  }
.Ltmp5:
0x1e7: {  	[tilespmem:s31+$0x60] =	vst.add.f32.msk $0xffff, v5;
	(pc) =	sbr.rel @p0 .LBB2_13-.Ltmp5, $4  }
0x1e8: {  	[tilespmem:s31+$0x50] =	vst.add.f32.msk $0xffff, v6  }
0x1e9: {  	[tilespmem:s31+$0x40] =	vst.add.f32.msk $0xffff, v7  }
0x1ea: {  	[tilespmem:s31+$0x30] =	vst.add.f32.msk $0xffff, v3  }
0x1eb: {  	[tilespmem:s31+$0x20] =	vst.add.f32.msk $0xffff, v2  }
0x1ec: {  	s3 =	sshll.u32 s30, $0x4  }
0x1ed: {  	[tilespmem:s31+$0x10] =	vst.add.f32.msk $0xffff, v0;
	s3 =	sadd.s32 s4, s3  }
0x1ee: {  	[hbm4b:s3+s5] =	stream.linear.scatter [tilespmem:s20], [sflag:$0x5], $0x8000, $0x38;
	[tilespmem:$0x1C800] =	vst v63  }
0x1ef: {  	s0 =	sadd.s32 $0x80, s0  }
0x1f0: {  	[tilespmem:s22], [sflag:$0x4] =	stream.indirect.gather [hbm4b:s1+s14], $0x80, s0, s14, $0xb8;
	[tilespmem:$0x1C800] =	vst v63  }
0x1f1: {  	s30 =	sadd.s32 s6, s2;
	_ =	swait.ge [sflag:s23], $0x4000  }
0x1f2: {  	s31 =	sshrl.u32 s30, $0x5;
	[sflag:s23] =	ssyncset.done $0x0  }
0x1f3: {  	s2 =	sand.u32 $0x3FFFF80, s31;
	[sflag:s23] =	ssyncadd.s32 $0xFFFFC000  }
0x1f4: {  	v1 =	vld [tilespmem:s2+$0x6400]  }
0x1f5: {  	v0 =	vld [tilespmem:s2+$0x6410]  }
0x1f6: {  	v2 =	vld [tilespmem:s2+$0x6420]  }
0x1f7: {  	v3 =	vld [tilespmem:s2+$0x6430]  }
0x1f8: {  	v4 =	vld [tilespmem:s2+$0x6470]  }
0x1f9: {  	v5 =	vld [tilespmem:s2+$0x6460]  }
0x1fa: {  	v6 =	vld [tilespmem:s2+$0x6450]  }
0x1fb: {  	s0 =	simm.s32 $0x14800;
	v7 =	vld [tilespmem:s2+$0x6440]  }
0x1fc: {  	[tilespmem:s0+$0x0] =	vst.add.f32.msk $0xffff, v1  }
0x1fd: {  	[tilespmem:s0+$0x1F0] =	vst.add.f32.msk $0xffff, v4  }
0x1fe: {  	[tilespmem:s0+$0x1E0] =	vst.add.f32.msk $0xffff, v5  }
0x1ff: {  	[tilespmem:s0+$0x1D0] =	vst.add.f32.msk $0xffff, v6  }
0x200: {  	[tilespmem:s0+$0x1C0] =	vst.add.f32.msk $0xffff, v7  }
0x201: {  	[tilespmem:s0+$0x1B0] =	vst.add.f32.msk $0xffff, v3  }
0x202: {  	[tilespmem:s0+$0x1A0] =	vst.add.f32.msk $0xffff, v2  }
0x203: {  	[tilespmem:s0+$0x190] =	vst.add.f32.msk $0xffff, v0  }
0x204: {  	[tilespmem:s0+$0x180] =	vst.add.f32.msk $0xffff, v1  }
0x205: {  	[tilespmem:s0+$0x170] =	vst.add.f32.msk $0xffff, v4  }
0x206: {  	[tilespmem:s0+$0x160] =	vst.add.f32.msk $0xffff, v5  }
0x207: {  	[tilespmem:s0+$0x150] =	vst.add.f32.msk $0xffff, v6  }
0x208: {  	[tilespmem:s0+$0x140] =	vst.add.f32.msk $0xffff, v7  }
0x209: {  	[tilespmem:s0+$0x130] =	vst.add.f32.msk $0xffff, v3  }
0x20a: {  	[tilespmem:s0+$0x120] =	vst.add.f32.msk $0xffff, v2  }
0x20b: {  	[tilespmem:s0+$0x110] =	vst.add.f32.msk $0xffff, v0  }
0x20c: {  	[tilespmem:s0+$0x100] =	vst.add.f32.msk $0xffff, v1  }
0x20d: {  	[tilespmem:s0+$0xF0] =	vst.add.f32.msk $0xffff, v4  }
0x20e: {  	[tilespmem:s0+$0xE0] =	vst.add.f32.msk $0xffff, v5  }
0x20f: {  	[tilespmem:s0+$0xD0] =	vst.add.f32.msk $0xffff, v6  }
0x210: {  	[tilespmem:s0+$0xC0] =	vst.add.f32.msk $0xffff, v7  }
0x211: {  	[tilespmem:s0+$0xB0] =	vst.add.f32.msk $0xffff, v3  }
0x212: {  	[tilespmem:s0+$0xA0] =	vst.add.f32.msk $0xffff, v2  }
0x213: {  	[tilespmem:s0+$0x90] =	vst.add.f32.msk $0xffff, v0  }
0x214: {  	[tilespmem:s0+$0x80] =	vst.add.f32.msk $0xffff, v1  }
0x215: {  	[tilespmem:s0+$0x70] =	vst.add.f32.msk $0xffff, v4  }
0x216: {  	[tilespmem:s0+$0x60] =	vst.add.f32.msk $0xffff, v5  }
0x217: {  	[tilespmem:s0+$0x50] =	vst.add.f32.msk $0xffff, v6  }
0x218: {  	[tilespmem:s0+$0x40] =	vst.add.f32.msk $0xffff, v7  }
0x219: {  	[tilespmem:s0+$0x30] =	vst.add.f32.msk $0xffff, v3  }
0x21a: {  	s3 =	simm.s32 $0x0;
	[tilespmem:s0+$0x20] =	vst.add.f32.msk $0xffff, v2  }
.LBB2_15:
0x21b: {  	s3 =	sadd.s32 $0x4, s3;
	[tilespmem:s0+$0x10] =	vst.add.f32.msk $0xffff, v0;
	s0 =	sadd.s32 $0x200, s0  }
0x21c: {  	[tilespmem:s0+$0x0] =	vst.add.f32.msk $0xffff, v1;
	p0 =	slt.u32 s3, $0x7C  }
0x21d: {  	[tilespmem:s0+$0x1F0] =	vst.add.f32.msk $0xffff, v4  }
0x21e: {  	[tilespmem:s0+$0x1E0] =	vst.add.f32.msk $0xffff, v5  }
0x21f: {  	[tilespmem:s0+$0x1D0] =	vst.add.f32.msk $0xffff, v6  }
0x220: {  	[tilespmem:s0+$0x1C0] =	vst.add.f32.msk $0xffff, v7  }
0x221: {  	[tilespmem:s0+$0x1B0] =	vst.add.f32.msk $0xffff, v3  }
0x222: {  	[tilespmem:s0+$0x1A0] =	vst.add.f32.msk $0xffff, v2  }
0x223: {  	[tilespmem:s0+$0x190] =	vst.add.f32.msk $0xffff, v0  }
0x224: {  	[tilespmem:s0+$0x180] =	vst.add.f32.msk $0xffff, v1  }
0x225: {  	[tilespmem:s0+$0x170] =	vst.add.f32.msk $0xffff, v4  }
0x226: {  	[tilespmem:s0+$0x160] =	vst.add.f32.msk $0xffff, v5  }
0x227: {  	[tilespmem:s0+$0x150] =	vst.add.f32.msk $0xffff, v6  }
0x228: {  	[tilespmem:s0+$0x140] =	vst.add.f32.msk $0xffff, v7  }
0x229: {  	[tilespmem:s0+$0x130] =	vst.add.f32.msk $0xffff, v3  }
0x22a: {  	[tilespmem:s0+$0x120] =	vst.add.f32.msk $0xffff, v2  }
0x22b: {  	[tilespmem:s0+$0x110] =	vst.add.f32.msk $0xffff, v0  }
0x22c: {  	[tilespmem:s0+$0x100] =	vst.add.f32.msk $0xffff, v1  }
0x22d: {  	[tilespmem:s0+$0xF0] =	vst.add.f32.msk $0xffff, v4  }
0x22e: {  	[tilespmem:s0+$0xE0] =	vst.add.f32.msk $0xffff, v5  }
0x22f: {  	[tilespmem:s0+$0xD0] =	vst.add.f32.msk $0xffff, v6  }
0x230: {  	[tilespmem:s0+$0xC0] =	vst.add.f32.msk $0xffff, v7  }
0x231: {  	[tilespmem:s0+$0xB0] =	vst.add.f32.msk $0xffff, v3  }
0x232: {  	[tilespmem:s0+$0xA0] =	vst.add.f32.msk $0xffff, v2  }
0x233: {  	[tilespmem:s0+$0x90] =	vst.add.f32.msk $0xffff, v0  }
0x234: {  	[tilespmem:s0+$0x80] =	vst.add.f32.msk $0xffff, v1  }
0x235: {  	[tilespmem:s0+$0x70] =	vst.add.f32.msk $0xffff, v4  }
.Ltmp6:
0x236: {  	[tilespmem:s0+$0x60] =	vst.add.f32.msk $0xffff, v5;
	(pc) =	sbr.rel @p0 .LBB2_15-.Ltmp6, $4  }
0x237: {  	[tilespmem:s0+$0x50] =	vst.add.f32.msk $0xffff, v6  }
0x238: {  	[tilespmem:s0+$0x40] =	vst.add.f32.msk $0xffff, v7  }
0x239: {  	[tilespmem:s0+$0x30] =	vst.add.f32.msk $0xffff, v3  }
0x23a: {  	[tilespmem:s0+$0x20] =	vst.add.f32.msk $0xffff, v2  }
0x23b: {  	[tilespmem:s0+$0x10] =	vst.add.f32.msk $0xffff, v0  }
0x23c: {  	_ =	swait.ge [sflag:s24], $0x4000  }
0x23d: {  	[sflag:s24] =	ssyncset.done $0x0  }
0x23e: {  	[sflag:s24] =	ssyncadd.s32 $0xFFFFC000  }
0x23f: {  	v1 =	vld [tilespmem:s2+$0x6400]  }
0x240: {  	v0 =	vld [tilespmem:s2+$0x6410]  }
0x241: {  	v2 =	vld [tilespmem:s2+$0x6420]  }
0x242: {  	v3 =	vld [tilespmem:s2+$0x6430]  }
0x243: {  	v4 =	vld [tilespmem:s2+$0x6470]  }
0x244: {  	v5 =	vld [tilespmem:s2+$0x6460]  }
0x245: {  	v6 =	vld [tilespmem:s2+$0x6450]  }
0x246: {  	s0 =	simm.s32 $0x18800;
	v7 =	vld [tilespmem:s2+$0x6440]  }
0x247: {  	[tilespmem:s0+$0x0] =	vst.add.f32.msk $0xffff, v1  }
0x248: {  	[tilespmem:s0+$0x1F0] =	vst.add.f32.msk $0xffff, v4  }
0x249: {  	[tilespmem:s0+$0x1E0] =	vst.add.f32.msk $0xffff, v5  }
0x24a: {  	[tilespmem:s0+$0x1D0] =	vst.add.f32.msk $0xffff, v6  }
0x24b: {  	[tilespmem:s0+$0x1C0] =	vst.add.f32.msk $0xffff, v7  }
0x24c: {  	[tilespmem:s0+$0x1B0] =	vst.add.f32.msk $0xffff, v3  }
0x24d: {  	[tilespmem:s0+$0x1A0] =	vst.add.f32.msk $0xffff, v2  }
0x24e: {  	[tilespmem:s0+$0x190] =	vst.add.f32.msk $0xffff, v0  }
0x24f: {  	[tilespmem:s0+$0x180] =	vst.add.f32.msk $0xffff, v1  }
0x250: {  	[tilespmem:s0+$0x170] =	vst.add.f32.msk $0xffff, v4  }
0x251: {  	[tilespmem:s0+$0x160] =	vst.add.f32.msk $0xffff, v5  }
0x252: {  	[tilespmem:s0+$0x150] =	vst.add.f32.msk $0xffff, v6  }
0x253: {  	[tilespmem:s0+$0x140] =	vst.add.f32.msk $0xffff, v7  }
0x254: {  	[tilespmem:s0+$0x130] =	vst.add.f32.msk $0xffff, v3  }
0x255: {  	[tilespmem:s0+$0x120] =	vst.add.f32.msk $0xffff, v2  }
0x256: {  	[tilespmem:s0+$0x110] =	vst.add.f32.msk $0xffff, v0  }
0x257: {  	[tilespmem:s0+$0x100] =	vst.add.f32.msk $0xffff, v1  }
0x258: {  	[tilespmem:s0+$0xF0] =	vst.add.f32.msk $0xffff, v4  }
0x259: {  	[tilespmem:s0+$0xE0] =	vst.add.f32.msk $0xffff, v5  }
0x25a: {  	[tilespmem:s0+$0xD0] =	vst.add.f32.msk $0xffff, v6  }
0x25b: {  	[tilespmem:s0+$0xC0] =	vst.add.f32.msk $0xffff, v7  }
0x25c: {  	[tilespmem:s0+$0xB0] =	vst.add.f32.msk $0xffff, v3  }
0x25d: {  	[tilespmem:s0+$0xA0] =	vst.add.f32.msk $0xffff, v2  }
0x25e: {  	[tilespmem:s0+$0x90] =	vst.add.f32.msk $0xffff, v0  }
0x25f: {  	[tilespmem:s0+$0x80] =	vst.add.f32.msk $0xffff, v1  }
0x260: {  	[tilespmem:s0+$0x70] =	vst.add.f32.msk $0xffff, v4  }
0x261: {  	[tilespmem:s0+$0x60] =	vst.add.f32.msk $0xffff, v5  }
0x262: {  	[tilespmem:s0+$0x50] =	vst.add.f32.msk $0xffff, v6  }
0x263: {  	[tilespmem:s0+$0x40] =	vst.add.f32.msk $0xffff, v7  }
0x264: {  	[tilespmem:s0+$0x30] =	vst.add.f32.msk $0xffff, v3  }
0x265: {  	s2 =	simm.s32 $0x80;
	[tilespmem:s0+$0x20] =	vst.add.f32.msk $0xffff, v2  }
.LBB2_17:
0x266: {  	s2 =	sadd.s32 $0x4, s2;
	[tilespmem:s0+$0x10] =	vst.add.f32.msk $0xffff, v0;
	s0 =	sadd.s32 $0x200, s0  }
0x267: {  	[tilespmem:s0+$0x0] =	vst.add.f32.msk $0xffff, v1;
	p0 =	slt.u32 s2, $0xFC  }
0x268: {  	[tilespmem:s0+$0x1F0] =	vst.add.f32.msk $0xffff, v4  }
0x269: {  	[tilespmem:s0+$0x1E0] =	vst.add.f32.msk $0xffff, v5  }
0x26a: {  	[tilespmem:s0+$0x1D0] =	vst.add.f32.msk $0xffff, v6  }
0x26b: {  	[tilespmem:s0+$0x1C0] =	vst.add.f32.msk $0xffff, v7  }
0x26c: {  	[tilespmem:s0+$0x1B0] =	vst.add.f32.msk $0xffff, v3  }
0x26d: {  	[tilespmem:s0+$0x1A0] =	vst.add.f32.msk $0xffff, v2  }
0x26e: {  	[tilespmem:s0+$0x190] =	vst.add.f32.msk $0xffff, v0  }
0x26f: {  	[tilespmem:s0+$0x180] =	vst.add.f32.msk $0xffff, v1  }
0x270: {  	[tilespmem:s0+$0x170] =	vst.add.f32.msk $0xffff, v4  }
0x271: {  	[tilespmem:s0+$0x160] =	vst.add.f32.msk $0xffff, v5  }
0x272: {  	[tilespmem:s0+$0x150] =	vst.add.f32.msk $0xffff, v6  }
0x273: {  	[tilespmem:s0+$0x140] =	vst.add.f32.msk $0xffff, v7  }
0x274: {  	[tilespmem:s0+$0x130] =	vst.add.f32.msk $0xffff, v3  }
0x275: {  	[tilespmem:s0+$0x120] =	vst.add.f32.msk $0xffff, v2  }
0x276: {  	[tilespmem:s0+$0x110] =	vst.add.f32.msk $0xffff, v0  }
0x277: {  	[tilespmem:s0+$0x100] =	vst.add.f32.msk $0xffff, v1  }
0x278: {  	[tilespmem:s0+$0xF0] =	vst.add.f32.msk $0xffff, v4  }
0x279: {  	[tilespmem:s0+$0xE0] =	vst.add.f32.msk $0xffff, v5  }
0x27a: {  	[tilespmem:s0+$0xD0] =	vst.add.f32.msk $0xffff, v6  }
0x27b: {  	[tilespmem:s0+$0xC0] =	vst.add.f32.msk $0xffff, v7  }
0x27c: {  	[tilespmem:s0+$0xB0] =	vst.add.f32.msk $0xffff, v3  }
0x27d: {  	[tilespmem:s0+$0xA0] =	vst.add.f32.msk $0xffff, v2  }
0x27e: {  	[tilespmem:s0+$0x90] =	vst.add.f32.msk $0xffff, v0  }
0x27f: {  	[tilespmem:s0+$0x80] =	vst.add.f32.msk $0xffff, v1  }
0x280: {  	[tilespmem:s0+$0x70] =	vst.add.f32.msk $0xffff, v4  }
.Ltmp7:
0x281: {  	[tilespmem:s0+$0x60] =	vst.add.f32.msk $0xffff, v5;
	(pc) =	sbr.rel @p0 .LBB2_17-.Ltmp7, $4  }
0x282: {  	[tilespmem:s0+$0x50] =	vst.add.f32.msk $0xffff, v6  }
0x283: {  	[tilespmem:s0+$0x40] =	vst.add.f32.msk $0xffff, v7  }
0x284: {  	[tilespmem:s0+$0x30] =	vst.add.f32.msk $0xffff, v3  }
0x285: {  	[tilespmem:s0+$0x20] =	vst.add.f32.msk $0xffff, v2  }
0x286: {  	s29 =	sadd.s32 $0x1, s29  }
0x287: {  	p0 =	sne.s32 s29, $0x32  }
.Ltmp8:
0x288: {  	_ = 	snop;
	(pc) =	sbr.rel @p0 .LBB2_10-.Ltmp8, $4  }
0x289: {  	_ = 	snop  }
0x28a: {  	s2 =	sshll.u32 s30, $0x4  }
0x28b: {  	[tilespmem:s0+$0x10] =	vst.add.f32.msk $0xffff, v0;
	s31 =	sadd.s32 s4, s2  }
0x28c: {  	[hbm4b:s31+s5] =	stream.linear.scatter [tilespmem:s18], [sflag:$0x6], $0x8000, $0x38;
	[tilespmem:$0x1C800] =	vst v63  }
0x28d: {  	s28 =	sadd.s32 $0x1, s28  }
0x28e: {  	_ =	swait.ge [sflag:s25], $0x8000;
	p0 =	sne.s32 s28, s11  }
.Ltmp9:
0x28f: {  	[sflag:s25] =	ssyncset.done $0x0;
	(pc) =	sbr.rel @p0 .LBB2_1-.Ltmp9, $4  }
0x290: {  	[sflag:s25] =	ssyncadd.s32 $0xFFFF8000  }
0x291: {  	_ =	swait.ge [sflag:s26], $0x8000  }
0x292: {  	[sflag:s26] =	ssyncset.done $0x0  }
0x293: {  	[sflag:s26] =	ssyncadd.s32 $0xFFFF8000  }
0x294: {  	_ =	sfence.sel $0x180000  }
0x295: {  	[bflag:$0x0] =	sbarrier.arrive $0xFFFF  }
0x296: {  	_ =	strace $0x90000047  }
0x297: {  	s0 =	stileid.u32;
	[bflag:$0x2] =	sbarrier.arrive $0xFFFF  }
0x298: {  	p0 =	sne.s32 s0, $0x0;
	s0 =	rddreg [dreg:$0x4]  }
0x299: {  	s0 =	sadd.s32 @!p0 $0x100000, s0  }
0x29a: {  	[sflag:s0] =	ssyncadd.tile.s32 @!p0 $0x1;
	_ =	shalt  }
.Lfunc_end2:
_tile_overlayer_lowered:
.L_overlay_start_2:
0x29b: {  	(tag) =	ssettag $0x2  }
0x29c: {  	s0 =	rddreg [dreg:$0x0];
	s2 =	stileid.u32  }
0x29d: {  	s1 =	rddreg [dreg:$0x1];
	p0 =	sne.s32 s2, $0x0  }
0x29e: {  	s3 =	rddreg [dreg:$0x2];
	[bflag:$0x3] =	sbarrier.arrive $0xFFFF;
	s2 =	simm.s32 @!p0 $0x1C07  }
0x29f: {  	[timem:s3], [sflag:s2] =	dma.local @!p0 [hbm:s0], s1  }
0x2a0: {  	s0 =	simm.s32 @!p0 $0x7  }
0x2a1: {  	_ =	swait.ge @!p0 [sflag:s0], s1  }
0x2a2: {  	s1 =	ssub.s32 @!p0 $0x0, s1;
	[sflag:s0] =	ssyncset.done @!p0 $0x0  }
0x2a3: {  	[sflag:s0] =	ssyncadd.s32 @!p0 s1  }
0x2a4: {  	[bflag:$0x3] =	sbarrier.arrive $0xFFFF  }
0x2a5: {  	_ =	shalt  }

</sc_bundles>
